<compile_context>
chip_gen: v7x
topology: tpu7x:2x2x1
jax: 0.10.2.dev20260603
libtpu: 0.0.44.dev20260713+nightly
codegen_flags: <defaults>
</compile_context>

<pallas_src>
import functools

import jax
import jax.numpy as jnp
from jax import lax
from jax.experimental import pallas as pl
from jax.experimental.pallas import tpu as pltpu
from jax.experimental.pallas import tpu_sc as plsc

N = 10000
E = 320000
D = 128
H = 128

NC = 2
NS = 16
NW = NC * NS
LANES = 16

BLK = 128
BPT = 80
E_PAD = NW * BPT * BLK
NBLK = E_PAD // BLK

CH = 16
NBLK_ALLOC = NBLK + CH

BLK2 = 128
QD = 2
CH2 = 16
NBLK2 = E_PAD // BLK2
BPT2_0 = 152
BPT2_1 = 8

NP = 10240
SL1 = NP // NS
ROWS_PT = NP // NS

_mesh = plsc.VectorSubcoreMesh(core_axis_name="c", subcore_axis_name="s")


def _zero_vec(ref, n):
    def body(i, _):
        ref[pl.ds(i * LANES, LANES)] = jnp.zeros((LANES,), jnp.float32)
        return 0
    lax.fori_loop(0, n // LANES, body, 0, unroll=4)


def _deg_body(dst_hbm, ew_hbm, out_hbm, dstb, ewb, zb, acc):
    cid = lax.axis_index("c")
    sid = lax.axis_index("s")
    wid = sid * NC + cid

    _zero_vec(zb, SL1)
    pltpu.sync_copy(zb, acc.at[pl.ds(sid * SL1, SL1)])
    plsc.subcore_barrier()

    pltpu.sync_copy(dst_hbm.at[pl.ds(wid * BPT, BPT)], dstb)
    pltpu.sync_copy(ew_hbm.at[pl.ds(wid * BPT, BPT)], ewb)

    def body(b, _):
        pltpu.sync_copy(ewb.at[b], acc.at[dstb.at[b]], add=True)
        return 0
    lax.fori_loop(0, BPT, body, 0)

    plsc.subcore_barrier()
    pltpu.sync_copy(acc.at[pl.ds(sid * SL1, SL1)],
                    out_hbm.at[pl.ds(cid * NP + sid * SL1, SL1)])


_deg_kernel = functools.partial(
    pl.kernel,
    out_type=jax.ShapeDtypeStruct((NC * NP,), jnp.float32),
    mesh=_mesh,
    compiler_params=pltpu.CompilerParams(needs_layout_passes=False),
    scratch_types=[
        pltpu.VMEM((BPT, BLK), jnp.int32),
        pltpu.VMEM((BPT, BLK), jnp.float32),
        pltpu.VMEM((SL1,), jnp.float32),
        pltpu.VMEM_SHARED((NP,), jnp.float32),
    ],
)(_deg_body)


def _agg_body(g1a_hbm, src_hbm, dst_hbm, ew_hbm,
              outa, outb, srcb, dstb, ewb, rows, acc, gsem, ssem):
    cid = lax.axis_index("c")
    sid = lax.axis_index("s")
    nblocks = lax.select(cid == 0, BPT2_0, BPT2_1)
    blk_base = lax.select(cid == 0, sid * BPT2_0, NS * BPT2_0 + sid * BPT2_1)

    def zrow(r, _):
        for c in range(8):
            rows[r, pl.ds(c * LANES, LANES)] = jnp.zeros((LANES,), jnp.float32)
        return 0
    lax.fori_loop(0, 128, zrow, 0)
    base = sid * ROWS_PT
    for off in (0, 128, 256, 384, 512):
        pltpu.sync_copy(rows.at[pl.ds(0, 128)], acc.at[pl.ds(base + off, 128)])
    plsc.subcore_barrier()

    def start_gather(bi, q):
        pltpu.async_copy(g1a_hbm.at[srcb.at[pl.ds(bi * BLK2, BLK2)]],
                         rows.at[pl.ds(q * BLK2, BLK2)], gsem)

    def wait_gather():
        pltpu.make_async_copy(g1a_hbm.at[srcb.at[pl.ds(0, BLK2)]],
                              rows.at[pl.ds(0, BLK2)], gsem).wait()

    def start_scatter(bi, q):
        pltpu.async_copy(rows.at[pl.ds(q * BLK2, BLK2)],
                         acc.at[dstb.at[bi]], ssem, add=True)

    def wait_scatter():
        pltpu.make_async_copy(rows.at[pl.ds(0, BLK2)],
                              acc.at[dstb.at[0]], ssem).wait()

    def refill(ci):
        off = blk_base + ci * CH2
        pltpu.sync_copy(src_hbm.at[pl.ds(off * BLK2, CH2 * BLK2)], srcb)
        pltpu.sync_copy(dst_hbm.at[pl.ds(off, CH2)], dstb)
        pltpu.sync_copy(ew_hbm.at[pl.ds(off * BLK2, CH2 * BLK2)], ewb)

    def body(b, _):
        bi = lax.rem(b, CH2)
        q = lax.rem(b, QD)

        @pl.when(bi == 0)
        def _():
            @pl.when(b > 0)
            def _():
                wait_scatter()
            refill(lax.div(b, CH2))
            for p in range(QD - 1):
                @pl.when(b + p < nblocks)
                def _():
                    start_gather(p, lax.rem(b + p, QD))

        wait_gather()

        @pl.when((bi != 0) & (b > 0))
        def _():
            wait_scatter()

        @pl.when((bi + QD - 1 < CH2) & (b + QD - 1 < nblocks))
        def _():
            start_gather(bi + QD - 1, lax.rem(b + QD - 1, QD))

        def scale(rr, _):
            bc = plsc.load_gather(
                ewb, [jnp.full((LANES,), bi * BLK2 + rr, jnp.int32)])
            row = q * BLK2 + rr
            for c in range(8):
                sl = pl.ds(c * LANES, LANES)
                rows[row, sl] = rows[row, sl] * bc
            return 0
        lax.fori_loop(0, BLK2, scale, 0, unroll=4)

        start_scatter(bi, q)
        return 0

    lax.fori_loop(0, nblocks, body, 0)

    @pl.when(nblocks > 0)
    def _():
        wait_scatter()

    plsc.subcore_barrier()

    @pl.when(cid == 0)
    def _():
        pltpu.sync_copy(acc.at[pl.ds(base, ROWS_PT)], outa.at[pl.ds(base, ROWS_PT)])

    @pl.when(cid == 1)
    def _():
        pltpu.sync_copy(acc.at[pl.ds(base, ROWS_PT)], outb.at[pl.ds(base, ROWS_PT)])


_agg_kernel = functools.partial(
    pl.kernel,
    out_type=(jax.ShapeDtypeStruct((NP, H), jnp.float32),
              jax.ShapeDtypeStruct((NP, H), jnp.float32)),
    mesh=_mesh,
    compiler_params=pltpu.CompilerParams(needs_layout_passes=False),
    scratch_types=[
        pltpu.VMEM((CH2 * BLK2,), jnp.int32),
        pltpu.VMEM((CH2, BLK2), jnp.int32),
        pltpu.VMEM((CH2 * BLK2,), jnp.float32),
        pltpu.VMEM((QD * BLK2, H), jnp.float32),
        pltpu.VMEM_SHARED((NP, H), jnp.float32),
        pltpu.SemaphoreType.DMA,
        pltpu.SemaphoreType.DMA,
    ],
)(_agg_body)


def _sagg_body(src_hbm, dst_hbm, ew_hbm, g2_hbm, out_hbm,
               srcb, dstb, ewb, g2v, msgb, zb, acc):
    cid = lax.axis_index("c")
    sid = lax.axis_index("s")
    wid = sid * NC + cid

    _zero_vec(zb, SL1)
    pltpu.sync_copy(zb, acc.at[pl.ds(sid * SL1, SL1)])
    plsc.subcore_barrier()

    pltpu.sync_copy(src_hbm.at[pl.ds(wid * BPT * BLK, BPT * BLK)], srcb)
    pltpu.sync_copy(dst_hbm.at[pl.ds(wid * BPT, BPT)], dstb)
    pltpu.sync_copy(ew_hbm.at[pl.ds(wid * BPT * BLK, BPT * BLK)], ewb)
    pltpu.sync_copy(g2_hbm, g2v)

    def body(b, _):
        for g in range(8):
            sl = pl.ds(b * BLK + g * LANES, LANES)
            src16 = srcb[sl]
            v16 = plsc.load_gather(g2v, [src16])
            msgb[sl] = ewb[sl] * v16
        pltpu.sync_copy(msgb.at[pl.ds(b * BLK, BLK)], acc.at[dstb.at[b]], add=True)
        return 0
    lax.fori_loop(0, BPT, body, 0)

    plsc.subcore_barrier()
    pltpu.sync_copy(acc.at[pl.ds(sid * SL1, SL1)],
                    out_hbm.at[pl.ds(cid * NP + sid * SL1, SL1)])


_sagg_kernel = functools.partial(
    pl.kernel,
    out_type=jax.ShapeDtypeStruct((NC * NP,), jnp.float32),
    mesh=_mesh,
    compiler_params=pltpu.CompilerParams(needs_layout_passes=False),
    scratch_types=[
        pltpu.VMEM((BPT * BLK,), jnp.int32),
        pltpu.VMEM((BPT, BLK), jnp.int32),
        pltpu.VMEM((BPT * BLK,), jnp.float32),
        pltpu.VMEM((N,), jnp.float32),
        pltpu.VMEM((BPT * BLK,), jnp.float32),
        pltpu.VMEM((SL1,), jnp.float32),
        pltpu.VMEM_SHARED((NP,), jnp.float32),
    ],
)(_sagg_body)


def _dinv_body(degp_ref, dinv_ref):
    deg = degp_ref[0:1, :] + degp_ref[1:2, :] + 1.0
    dinv_ref[...] = jnp.where(deg > 0, lax.rsqrt(deg), 0.0)


def _dinv_kernel(deg_part):
    return pl.pallas_call(
        _dinv_body,
        out_shape=jax.ShapeDtypeStruct((1, NP), jnp.float32),
    )(deg_part)


def _dense1_body(x_ref, w1_ref, dc_ref, g1_ref):
    g1_ref[...] = dc_ref[...] * jnp.dot(x_ref[...], w1_ref[...],
                                        preferred_element_type=jnp.float32)


def _dense1(x, W1, dinv_col):
    return pl.pallas_call(
        _dense1_body,
        out_shape=jax.ShapeDtypeStruct((N, H), jnp.float32),
    )(x, W1, dinv_col)


def _dense2_body(agg_a_ref, agg_b_ref, g1_ref, dc_ref, b1_ref, w2_ref, g2_ref):
    dc = dc_ref[...]
    agg = agg_a_ref[0:N, :] + agg_b_ref[0:N, :]
    h1 = jax.nn.relu(dc * (agg + g1_ref[...]) + b1_ref[...])
    g2_ref[...] = dc * jnp.dot(h1, w2_ref[...],
                               preferred_element_type=jnp.float32)


def _dense2(agg_a, agg_b, g1, dinv_col, b1, W2):
    return pl.pallas_call(
        _dense2_body,
        out_shape=jax.ShapeDtypeStruct((N, 1), jnp.float32),
    )(agg_a, agg_b, g1, dinv_col, b1.reshape(1, H), W2)


def _dense3_body(sp_ref, g2_ref, dinv_ref, b2_ref, out_ref):
    s = sp_ref[0:1, 0:N] + sp_ref[1:2, 0:N]
    out_ref[...] = dinv_ref[0:1, 0:N] * (s + g2_ref[...]) + b2_ref[...]


def _dense3(s_part, g2_row, dinv_row, b2):
    return pl.pallas_call(
        _dense3_body,
        out_shape=jax.ShapeDtypeStruct((1, N), jnp.float32),
    )(s_part, g2_row, dinv_row, b2.reshape(1, 1))


def kernel(x, edge_index, edge_attr, W1, b1, W2, b2):
    src = edge_index[0]
    dst = edge_index[1]
    pad = NBLK_ALLOC * BLK - E
    srcf = jnp.concatenate([src, jnp.zeros((pad,), src.dtype)])
    dstp = jnp.concatenate([dst, jnp.zeros((pad,), dst.dtype)]).reshape(
        NBLK_ALLOC, BLK)
    ewf = jnp.concatenate([edge_attr, jnp.zeros((pad,), edge_attr.dtype)])
    ewp = ewf.reshape(NBLK_ALLOC, BLK)

    dstp64 = dstp.reshape(-1, BLK2)

    deg_part = _deg_kernel(dstp, ewp).reshape(NC, NP)
    dinv_row = _dinv_kernel(deg_part)
    dinv_col = dinv_row[0, :N].reshape(N, 1)
    g1 = _dense1(x, W1, dinv_col)
    agg_a, agg_b = _agg_kernel(g1, srcf, dstp64, ewf)
    g2 = _dense2(agg_a, agg_b, g1, dinv_col, b1, W2)
    s_part = _sagg_kernel(srcf, dstp, ewf, g2.reshape(N)).reshape(NC, NP)
    out_row = _dense3(s_part, g2.reshape(1, N), dinv_row, b2)
    return out_row.reshape(N, 1)

# --- scband reference (transcript-rebuilt; emitter-appended) ---
"""Pipeline reference for scband-aggregation-network-70308614635811 (READ-ONLY COPY).

The authoritative reference and input builder live on the scoring server;
editing this copy changes nothing except your own understanding.
"""

import jax, jax.numpy as jnp
import numpy as np

N = 10000
E = 320000
D = 128
H = 128


def gcn_conv(x, src, dst, edge_weight, W, b):
    n = x.shape[0]
    # add self loops with weight 1 (PyG GCNConv default, add_self_loops=True)
    loop = jnp.arange(n, dtype=src.dtype)
    s = jnp.concatenate([src, loop])
    d = jnp.concatenate([dst, loop])
    ew = jnp.concatenate([edge_weight, jnp.ones((n,), dtype=edge_weight.dtype)])
    # symmetric normalization: deg computed over destination nodes
    deg = jax.ops.segment_sum(ew, d, num_segments=n)
    dinv = jnp.where(deg > 0, jax.lax.rsqrt(deg), 0.0)
    norm = dinv[s] * ew * dinv[d]
    h = x @ W
    msg = norm[:, None] * jnp.take(h, s, axis=0)
    out = jax.ops.segment_sum(msg, d, num_segments=n)
    return out + b


def setup_inputs(seed: int = 0) -> dict:
    key = jax.random.key(seed)
    ks = jax.random.split(key, 6)
    x = jax.random.normal(ks[0], (N, D), dtype=jnp.float32)
    edge_index = jax.random.randint(ks[1], (2, E), 0, N, dtype=jnp.int32)
    edge_attr = jax.random.uniform(ks[2], (E,), dtype=jnp.float32)
    W1 = jax.random.normal(ks[3], (D, H), dtype=jnp.float32) * (1.0 / np.sqrt(D))
    b1 = jnp.zeros((H,), dtype=jnp.float32)
    W2 = jax.random.normal(ks[4], (H, 1), dtype=jnp.float32) * (1.0 / np.sqrt(H))
    b2 = jnp.zeros((1,), dtype=jnp.float32)
    return {"x": x, "edge_index": edge_index, "edge_attr": edge_attr,
            "W1": W1, "b1": b1, "W2": W2, "b2": b2}


def reference(x, edge_index, edge_attr, W1, b1, W2, b2):
    # eval mode: dropout_edge and Dropout are identity
    src, dst = edge_index[0], edge_index[1]
    h = gcn_conv(x, src, dst, edge_attr, W1, b1)
    h = jax.nn.relu(h)
    out = gcn_conv(h, src, dst, edge_attr, W2, b2)
    return out

if __name__ == "__main__":
    import jax
    _d = setup_inputs()
    print(jax.jit(kernel)(*tuple(_d.values())))

</pallas_src>

<mosaic_0001>
#map = affine_map<(d0, d1) -> (0)>
#map1 = affine_map<(d0, d1) -> (0, 0)>
module attributes {stable_mosaic.version = 14 : i64} {
  func.func @_sagg_body(%arg0: i32, %arg1: i32, %arg2: memref<329728xi32, #tpu.memory_space<hbm>>, %arg3: memref<2576x128xi32, #tpu.memory_space<hbm>>, %arg4: memref<329728xf32, #tpu.memory_space<hbm>>, %arg5: memref<10000xf32, #tpu.memory_space<hbm>>, %arg6: memref<20480xf32, #tpu.memory_space<hbm>>, %arg7: memref<10240xi32, #tpu.memory_space<vmem>>, %arg8: memref<80x128xi32, #tpu.memory_space<vmem>>, %arg9: memref<10240xf32, #tpu.memory_space<vmem>>, %arg10: memref<10000xf32, #tpu.memory_space<vmem>>, %arg11: memref<10240xf32, #tpu.memory_space<vmem>>, %arg12: memref<640xf32, #tpu.memory_space<vmem>>, %arg13: memref<10240xf32, #tpu.memory_space<vmem_shared>>) attributes {dimension_semantics = [#tpu.dimension_semantics<core_parallel>, #tpu.dimension_semantics<subcore_parallel>], iteration_bounds = array<i64: 2, 16>, scalar_prefetch = 0 : i64, scratch_operands = 7 : i64, tpu.core_type = #tpu.core_type<sc_vector_subcore>, window_params = [{transform_indices = #map}, {transform_indices = #map1}, {transform_indices = #map}, {transform_indices = #map}, {transform_indices = #map}]} {
    %mul3A = arith.constant 2 : i32
    %mul3A_0 = arith.muli %arg1, %mul3A : i32
    %add3A = arith.addi %mul3A_0, %arg0 : i32
    %scan3A = arith.constant 0 : i32
    %scan3A_1 = arith.constant 0 : i32
    %scan3A_2 = arith.constant 40 : i32
    %scan3A_3 = arith.addi %scan3A_1, %scan3A_2 : i32
    %scan3A_4 = arith.constant 4 : i32
    %scan3A_5 = scf.for %scan3A_34 = %scan3A_1 to %scan3A_3 step %scan3A_4 iter_args(%scan3A_35 = %scan3A) -> (i32)  : i32 {
      %broadcast_in_dim3A = arith.constant 0.000000e+00 : f32
      %broadcast_in_dim3A_36 = vector.broadcast %broadcast_in_dim3A : f32 to vector<16xf32>
      %mul3A_37 = arith.constant 16 : i32
      %mul3A_38 = arith.muli %scan3A_34, %mul3A_37 : i32
      %swap3A = arith.index_cast %mul3A_38 : i32 to index
      %swap3A_39 = tpu.vector_load %arg12[%swap3A] {strides = array<i32>} : memref<640xf32, #tpu.memory_space<vmem>>, vector<16xf32>,
      tpu.vector_store %arg12[%swap3A], %broadcast_in_dim3A_36 {strides = array<i32>} : memref<640xf32, #tpu.memory_space<vmem>>, vector<16xf32>,
      %scan3A_40 = arith.constant 0 : i32
      %scan3A_41 = arith.constant 1 : i32
      %scan3A_42 = arith.addi %scan3A_34, %scan3A_41 : i32
      %broadcast_in_dim3A_43 = arith.constant 0.000000e+00 : f32
      %broadcast_in_dim3A_44 = vector.broadcast %broadcast_in_dim3A_43 : f32 to vector<16xf32>
      %mul3A_45 = arith.constant 16 : i32
      %mul3A_46 = arith.muli %scan3A_42, %mul3A_45 : i32
      %swap3A_47 = arith.index_cast %mul3A_46 : i32 to index
      %swap3A_48 = tpu.vector_load %arg12[%swap3A_47] {strides = array<i32>} : memref<640xf32, #tpu.memory_space<vmem>>, vector<16xf32>,
      tpu.vector_store %arg12[%swap3A_47], %broadcast_in_dim3A_44 {strides = array<i32>} : memref<640xf32, #tpu.memory_space<vmem>>, vector<16xf32>,
      %scan3A_49 = arith.constant 0 : i32
      %scan3A_50 = arith.constant 2 : i32
      %scan3A_51 = arith.addi %scan3A_34, %scan3A_50 : i32
      %broadcast_in_dim3A_52 = arith.constant 0.000000e+00 : f32
      %broadcast_in_dim3A_53 = vector.broadcast %broadcast_in_dim3A_52 : f32 to vector<16xf32>
      %mul3A_54 = arith.constant 16 : i32
      %mul3A_55 = arith.muli %scan3A_51, %mul3A_54 : i32
      %swap3A_56 = arith.index_cast %mul3A_55 : i32 to index
      %swap3A_57 = tpu.vector_load %arg12[%swap3A_56] {strides = array<i32>} : memref<640xf32, #tpu.memory_space<vmem>>, vector<16xf32>,
      tpu.vector_store %arg12[%swap3A_56], %broadcast_in_dim3A_53 {strides = array<i32>} : memref<640xf32, #tpu.memory_space<vmem>>, vector<16xf32>,
      %scan3A_58 = arith.constant 0 : i32
      %scan3A_59 = arith.constant 3 : i32
      %scan3A_60 = arith.addi %scan3A_34, %scan3A_59 : i32
      %broadcast_in_dim3A_61 = arith.constant 0.000000e+00 : f32
      %broadcast_in_dim3A_62 = vector.broadcast %broadcast_in_dim3A_61 : f32 to vector<16xf32>
      %mul3A_63 = arith.constant 16 : i32
      %mul3A_64 = arith.muli %scan3A_60, %mul3A_63 : i32
      %swap3A_65 = arith.index_cast %mul3A_64 : i32 to index
      %swap3A_66 = tpu.vector_load %arg12[%swap3A_65] {strides = array<i32>} : memref<640xf32, #tpu.memory_space<vmem>>, vector<16xf32>,
      tpu.vector_store %arg12[%swap3A_65], %broadcast_in_dim3A_62 {strides = array<i32>} : memref<640xf32, #tpu.memory_space<vmem>>, vector<16xf32>,
      %scan3A_67 = arith.constant 0 : i32
      scf.yield %scan3A_67 : i32
    }
    %scan3A_6 = arith.constant 40 : i32
    %mul3A_7 = arith.constant 640 : i32
    %mul3A_8 = arith.muli %arg1, %mul3A_7 : i32
    "tpu.region"() ({
      %run_scoped3A = tpu.sem_alloc : memref<!tpu.dma_semaphore, #tpu.memory_space<semaphore_mem>>
      %dma_start3A = tpu.memref_slice %arg13[%mul3A_8] : memref<10240xf32, #tpu.memory_space<vmem_shared>> -> memref<640xf32, #tpu.memory_space<vmem_shared>>
      %dma_start3A_34 = tpu.memref_slice %arg13[%mul3A_8] : memref<10240xf32, #tpu.memory_space<vmem_shared>> -> memref<640xf32, #tpu.memory_space<vmem_shared>>
      tpu.enqueue_dma source(%arg12 : memref<640xf32, #tpu.memory_space<vmem>>) target(%dma_start3A_34 : memref<640xf32, #tpu.memory_space<vmem_shared>>) target_semaphore(%run_scoped3A : memref<!tpu.dma_semaphore, #tpu.memory_space<semaphore_mem>>)
      %dma_wait3A = tpu.memref_slice %arg13[%mul3A_8] : memref<10240xf32, #tpu.memory_space<vmem_shared>> -> memref<640xf32, #tpu.memory_space<vmem_shared>>
      %dma_wait3A_35 = tpu.memref_slice %arg13[%mul3A_8] : memref<10240xf32, #tpu.memory_space<vmem_shared>> -> memref<640xf32, #tpu.memory_space<vmem_shared>>
      tpu.wait_dma2 semaphore(%run_scoped3A : memref<!tpu.dma_semaphore, #tpu.memory_space<semaphore_mem>>) src(%arg12 : memref<640xf32, #tpu.memory_space<vmem>>) dst(%dma_wait3A_35 : memref<640xf32, #tpu.memory_space<vmem_shared>>)
      tpu.yield
    }) : () -> ()
    %barrier3A = arith.constant 0 : index
    tpu.barrier barrier_id(%barrier3A)
    %mul3A_9 = arith.constant 80 : i32
    %mul3A_10 = arith.muli %add3A, %mul3A_9 : i32
    %mul3A_11 = arith.constant 128 : i32
    %mul3A_12 = arith.muli %mul3A_10, %mul3A_11 : i32
    "tpu.region"() ({
      %run_scoped3A = tpu.sem_alloc : memref<!tpu.dma_semaphore, #tpu.memory_space<semaphore_mem>>
      %dma_start3A = tpu.memref_slice %arg2[%mul3A_12] : memref<329728xi32, #tpu.memory_space<hbm>> -> memref<10240xi32, #tpu.memory_space<hbm>>
      %dma_start3A_34 = tpu.memref_slice %arg2[%mul3A_12] : memref<329728xi32, #tpu.memory_space<hbm>> -> memref<10240xi32, #tpu.memory_space<hbm>>
      tpu.enqueue_dma source(%dma_start3A_34 : memref<10240xi32, #tpu.memory_space<hbm>>) target(%arg7 : memref<10240xi32, #tpu.memory_space<vmem>>) target_semaphore(%run_scoped3A : memref<!tpu.dma_semaphore, #tpu.memory_space<semaphore_mem>>)
      %dma_wait3A = tpu.memref_slice %arg2[%mul3A_12] : memref<329728xi32, #tpu.memory_space<hbm>> -> memref<10240xi32, #tpu.memory_space<hbm>>
      %dma_wait3A_35 = tpu.memref_slice %arg2[%mul3A_12] : memref<329728xi32, #tpu.memory_space<hbm>> -> memref<10240xi32, #tpu.memory_space<hbm>>
      tpu.wait_dma2 semaphore(%run_scoped3A : memref<!tpu.dma_semaphore, #tpu.memory_space<semaphore_mem>>) src(%dma_wait3A_35 : memref<10240xi32, #tpu.memory_space<hbm>>) dst(%arg7 : memref<10240xi32, #tpu.memory_space<vmem>>)
      tpu.yield
    }) : () -> ()
    %mul3A_13 = arith.constant 80 : i32
    %mul3A_14 = arith.muli %add3A, %mul3A_13 : i32
    "tpu.region"() ({
      %run_scoped3A = tpu.sem_alloc : memref<!tpu.dma_semaphore, #tpu.memory_space<semaphore_mem>>
      %dma_start3A = arith.constant 0 : i32
      %dma_start3A_34 = tpu.memref_slice %arg3[%mul3A_14, %dma_start3A] : memref<2576x128xi32, #tpu.memory_space<hbm>> -> memref<80x128xi32, #tpu.memory_space<hbm>>
      %dma_start3A_35 = arith.constant 0 : i32
      %dma_start3A_36 = tpu.memref_slice %arg3[%mul3A_14, %dma_start3A_35] : memref<2576x128xi32, #tpu.memory_space<hbm>> -> memref<80x128xi32, #tpu.memory_space<hbm>>
      tpu.enqueue_dma source(%dma_start3A_36 : memref<80x128xi32, #tpu.memory_space<hbm>>) target(%arg8 : memref<80x128xi32, #tpu.memory_space<vmem>>) target_semaphore(%run_scoped3A : memref<!tpu.dma_semaphore, #tpu.memory_space<semaphore_mem>>)
      %dma_wait3A = arith.constant 0 : i32
      %dma_wait3A_37 = tpu.memref_slice %arg3[%mul3A_14, %dma_wait3A] : memref<2576x128xi32, #tpu.memory_space<hbm>> -> memref<80x128xi32, #tpu.memory_space<hbm>>
      %dma_wait3A_38 = arith.constant 0 : i32
      %dma_wait3A_39 = tpu.memref_slice %arg3[%mul3A_14, %dma_wait3A_38] : memref<2576x128xi32, #tpu.memory_space<hbm>> -> memref<80x128xi32, #tpu.memory_space<hbm>>
      tpu.wait_dma2 semaphore(%run_scoped3A : memref<!tpu.dma_semaphore, #tpu.memory_space<semaphore_mem>>) src(%dma_wait3A_39 : memref<80x128xi32, #tpu.memory_space<hbm>>) dst(%arg8 : memref<80x128xi32, #tpu.memory_space<vmem>>)
      tpu.yield
    }) : () -> ()
    %mul3A_15 = arith.constant 80 : i32
    %mul3A_16 = arith.muli %add3A, %mul3A_15 : i32
    %mul3A_17 = arith.constant 128 : i32
    %mul3A_18 = arith.muli %mul3A_16, %mul3A_17 : i32
    "tpu.region"() ({
      %run_scoped3A = tpu.sem_alloc : memref<!tpu.dma_semaphore, #tpu.memory_space<semaphore_mem>>
      %dma_start3A = tpu.memref_slice %arg4[%mul3A_18] : memref<329728xf32, #tpu.memory_space<hbm>> -> memref<10240xf32, #tpu.memory_space<hbm>>
      %dma_start3A_34 = tpu.memref_slice %arg4[%mul3A_18] : memref<329728xf32, #tpu.memory_space<hbm>> -> memref<10240xf32, #tpu.memory_space<hbm>>
      tpu.enqueue_dma source(%dma_start3A_34 : memref<10240xf32, #tpu.memory_space<hbm>>) target(%arg9 : memref<10240xf32, #tpu.memory_space<vmem>>) target_semaphore(%run_scoped3A : memref<!tpu.dma_semaphore, #tpu.memory_space<semaphore_mem>>)
      %dma_wait3A = tpu.memref_slice %arg4[%mul3A_18] : memref<329728xf32, #tpu.memory_space<hbm>> -> memref<10240xf32, #tpu.memory_space<hbm>>
      %dma_wait3A_35 = tpu.memref_slice %arg4[%mul3A_18] : memref<329728xf32, #tpu.memory_space<hbm>> -> memref<10240xf32, #tpu.memory_space<hbm>>
      tpu.wait_dma2 semaphore(%run_scoped3A : memref<!tpu.dma_semaphore, #tpu.memory_space<semaphore_mem>>) src(%dma_wait3A_35 : memref<10240xf32, #tpu.memory_space<hbm>>) dst(%arg9 : memref<10240xf32, #tpu.memory_space<vmem>>)
      tpu.yield
    }) : () -> ()
    "tpu.region"() ({
      %run_scoped3A = tpu.sem_alloc : memref<!tpu.dma_semaphore, #tpu.memory_space<semaphore_mem>>
      tpu.enqueue_dma source(%arg5 : memref<10000xf32, #tpu.memory_space<hbm>>) target(%arg10 : memref<10000xf32, #tpu.memory_space<vmem>>) target_semaphore(%run_scoped3A : memref<!tpu.dma_semaphore, #tpu.memory_space<semaphore_mem>>)
      tpu.wait_dma2 semaphore(%run_scoped3A : memref<!tpu.dma_semaphore, #tpu.memory_space<semaphore_mem>>) src(%arg5 : memref<10000xf32, #tpu.memory_space<hbm>>) dst(%arg10 : memref<10000xf32, #tpu.memory_space<vmem>>)
      tpu.yield
    }) : () -> ()
    %scan3A_19 = arith.constant 0 : i32
    %scan3A_20 = arith.constant 0 : i32
    %scan3A_21 = arith.constant 80 : i32
    %scan3A_22 = arith.addi %scan3A_20, %scan3A_21 : i32
    %scan3A_23 = arith.constant 1 : i32
    %scan3A_24 = scf.for %scan3A_34 = %scan3A_20 to %scan3A_22 step %scan3A_23 iter_args(%scan3A_35 = %scan3A_19) -> (i32)  : i32 {
      %mul3A_36 = arith.constant 128 : i32
      %mul3A_37 = arith.muli %scan3A_34, %mul3A_36 : i32
      %add3A_38 = arith.constant 0 : i32
      %add3A_39 = arith.addi %mul3A_37, %add3A_38 : i32
      %get3A = arith.index_cast %add3A_39 : i32 to index
      %get3A_40 = tpu.vector_load %arg7[%get3A] {strides = array<i32>} : memref<10240xi32, #tpu.memory_space<vmem>>, vector<16xi32>,
      %gather3A = tpu.vector_load_idx %arg10[%get3A_40] : memref<10000xf32, #tpu.memory_space<vmem>>[vector<16xi32>], vector<16xf32>,
      %get3A_41 = arith.index_cast %add3A_39 : i32 to index
      %get3A_42 = tpu.vector_load %arg9[%get3A_41] {strides = array<i32>} : memref<10240xf32, #tpu.memory_space<vmem>>, vector<16xf32>,
      %mul3A_43 = arith.mulf %get3A_42, %gather3A : vector<16xf32>
      %swap3A = arith.index_cast %add3A_39 : i32 to index
      %swap3A_44 = tpu.vector_load %arg11[%swap3A] {strides = array<i32>} : memref<10240xf32, #tpu.memory_space<vmem>>, vector<16xf32>,
      tpu.vector_store %arg11[%swap3A], %mul3A_43 {strides = array<i32>} : memref<10240xf32, #tpu.memory_space<vmem>>, vector<16xf32>,
      %mul3A_45 = arith.constant 128 : i32
      %mul3A_46 = arith.muli %scan3A_34, %mul3A_45 : i32
      %add3A_47 = arith.constant 16 : i32
      %add3A_48 = arith.addi %mul3A_46, %add3A_47 : i32
      %get3A_49 = arith.index_cast %add3A_48 : i32 to index
      %get3A_50 = tpu.vector_load %arg7[%get3A_49] {strides = array<i32>} : memref<10240xi32, #tpu.memory_space<vmem>>, vector<16xi32>,
      %gather3A_51 = tpu.vector_load_idx %arg10[%get3A_50] : memref<10000xf32, #tpu.memory_space<vmem>>[vector<16xi32>], vector<16xf32>,
      %get3A_52 = arith.index_cast %add3A_48 : i32 to index
      %get3A_53 = tpu.vector_load %arg9[%get3A_52] {strides = array<i32>} : memref<10240xf32, #tpu.memory_space<vmem>>, vector<16xf32>,
      %mul3A_54 = arith.mulf %get3A_53, %gather3A_51 : vector<16xf32>
      %swap3A_55 = arith.index_cast %add3A_48 : i32 to index
      %swap3A_56 = tpu.vector_load %arg11[%swap3A_55] {strides = array<i32>} : memref<10240xf32, #tpu.memory_space<vmem>>, vector<16xf32>,
      tpu.vector_store %arg11[%swap3A_55], %mul3A_54 {strides = array<i32>} : memref<10240xf32, #tpu.memory_space<vmem>>, vector<16xf32>,
      %mul3A_57 = arith.constant 128 : i32
      %mul3A_58 = arith.muli %scan3A_34, %mul3A_57 : i32
      %add3A_59 = arith.constant 32 : i32
      %add3A_60 = arith.addi %mul3A_58, %add3A_59 : i32
      %get3A_61 = arith.index_cast %add3A_60 : i32 to index
      %get3A_62 = tpu.vector_load %arg7[%get3A_61] {strides = array<i32>} : memref<10240xi32, #tpu.memory_space<vmem>>, vector<16xi32>,
      %gather3A_63 = tpu.vector_load_idx %arg10[%get3A_62] : memref<10000xf32, #tpu.memory_space<vmem>>[vector<16xi32>], vector<16xf32>,
      %get3A_64 = arith.index_cast %add3A_60 : i32 to index
      %get3A_65 = tpu.vector_load %arg9[%get3A_64] {strides = array<i32>} : memref<10240xf32, #tpu.memory_space<vmem>>, vector<16xf32>,
      %mul3A_66 = arith.mulf %get3A_65, %gather3A_63 : vector<16xf32>
      %swap3A_67 = arith.index_cast %add3A_60 : i32 to index
      %swap3A_68 = tpu.vector_load %arg11[%swap3A_67] {strides = array<i32>} : memref<10240xf32, #tpu.memory_space<vmem>>, vector<16xf32>,
      tpu.vector_store %arg11[%swap3A_67], %mul3A_66 {strides = array<i32>} : memref<10240xf32, #tpu.memory_space<vmem>>, vector<16xf32>,
      %mul3A_69 = arith.constant 128 : i32
      %mul3A_70 = arith.muli %scan3A_34, %mul3A_69 : i32
      %add3A_71 = arith.constant 48 : i32
      %add3A_72 = arith.addi %mul3A_70, %add3A_71 : i32
      %get3A_73 = arith.index_cast %add3A_72 : i32 to index
      %get3A_74 = tpu.vector_load %arg7[%get3A_73] {strides = array<i32>} : memref<10240xi32, #tpu.memory_space<vmem>>, vector<16xi32>,
      %gather3A_75 = tpu.vector_load_idx %arg10[%get3A_74] : memref<10000xf32, #tpu.memory_space<vmem>>[vector<16xi32>], vector<16xf32>,
      %get3A_76 = arith.index_cast %add3A_72 : i32 to index
      %get3A_77 = tpu.vector_load %arg9[%get3A_76] {strides = array<i32>} : memref<10240xf32, #tpu.memory_space<vmem>>, vector<16xf32>,
      %mul3A_78 = arith.mulf %get3A_77, %gather3A_75 : vector<16xf32>
      %swap3A_79 = arith.index_cast %add3A_72 : i32 to index
      %swap3A_80 = tpu.vector_load %arg11[%swap3A_79] {strides = array<i32>} : memref<10240xf32, #tpu.memory_space<vmem>>, vector<16xf32>,
      tpu.vector_store %arg11[%swap3A_79], %mul3A_78 {strides = array<i32>} : memref<10240xf32, #tpu.memory_space<vmem>>, vector<16xf32>,
      %mul3A_81 = arith.constant 128 : i32
      %mul3A_82 = arith.muli %scan3A_34, %mul3A_81 : i32
      %add3A_83 = arith.constant 64 : i32
      %add3A_84 = arith.addi %mul3A_82, %add3A_83 : i32
      %get3A_85 = arith.index_cast %add3A_84 : i32 to index
      %get3A_86 = tpu.vector_load %arg7[%get3A_85] {strides = array<i32>} : memref<10240xi32, #tpu.memory_space<vmem>>, vector<16xi32>,
      %gather3A_87 = tpu.vector_load_idx %arg10[%get3A_86] : memref<10000xf32, #tpu.memory_space<vmem>>[vector<16xi32>], vector<16xf32>,
      %get3A_88 = arith.index_cast %add3A_84 : i32 to index
      %get3A_89 = tpu.vector_load %arg9[%get3A_88] {strides = array<i32>} : memref<10240xf32, #tpu.memory_space<vmem>>, vector<16xf32>,
      %mul3A_90 = arith.mulf %get3A_89, %gather3A_87 : vector<16xf32>
      %swap3A_91 = arith.index_cast %add3A_84 : i32 to index
      %swap3A_92 = tpu.vector_load %arg11[%swap3A_91] {strides = array<i32>} : memref<10240xf32, #tpu.memory_space<vmem>>, vector<16xf32>,
      tpu.vector_store %arg11[%swap3A_91], %mul3A_90 {strides = array<i32>} : memref<10240xf32, #tpu.memory_space<vmem>>, vector<16xf32>,
      %mul3A_93 = arith.constant 128 : i32
      %mul3A_94 = arith.muli %scan3A_34, %mul3A_93 : i32
      %add3A_95 = arith.constant 80 : i32
      %add3A_96 = arith.addi %mul3A_94, %add3A_95 : i32
      %get3A_97 = arith.index_cast %add3A_96 : i32 to index
      %get3A_98 = tpu.vector_load %arg7[%get3A_97] {strides = array<i32>} : memref<10240xi32, #tpu.memory_space<vmem>>, vector<16xi32>,
      %gather3A_99 = tpu.vector_load_idx %arg10[%get3A_98] : memref<10000xf32, #tpu.memory_space<vmem>>[vector<16xi32>], vector<16xf32>,
      %get3A_100 = arith.index_cast %add3A_96 : i32 to index
      %get3A_101 = tpu.vector_load %arg9[%get3A_100] {strides = array<i32>} : memref<10240xf32, #tpu.memory_space<vmem>>, vector<16xf32>,
      %mul3A_102 = arith.mulf %get3A_101, %gather3A_99 : vector<16xf32>
      %swap3A_103 = arith.index_cast %add3A_96 : i32 to index
      %swap3A_104 = tpu.vector_load %arg11[%swap3A_103] {strides = array<i32>} : memref<10240xf32, #tpu.memory_space<vmem>>, vector<16xf32>,
      tpu.vector_store %arg11[%swap3A_103], %mul3A_102 {strides = array<i32>} : memref<10240xf32, #tpu.memory_space<vmem>>, vector<16xf32>,
      %mul3A_105 = arith.constant 128 : i32
      %mul3A_106 = arith.muli %scan3A_34, %mul3A_105 : i32
      %add3A_107 = arith.constant 96 : i32
      %add3A_108 = arith.addi %mul3A_106, %add3A_107 : i32
      %get3A_109 = arith.index_cast %add3A_108 : i32 to index
      %get3A_110 = tpu.vector_load %arg7[%get3A_109] {strides = array<i32>} : memref<10240xi32, #tpu.memory_space<vmem>>, vector<16xi32>,
      %gather3A_111 = tpu.vector_load_idx %arg10[%get3A_110] : memref<10000xf32, #tpu.memory_space<vmem>>[vector<16xi32>], vector<16xf32>,
      %get3A_112 = arith.index_cast %add3A_108 : i32 to index
      %get3A_113 = tpu.vector_load %arg9[%get3A_112] {strides = array<i32>} : memref<10240xf32, #tpu.memory_space<vmem>>, vector<16xf32>,
      %mul3A_114 = arith.mulf %get3A_113, %gather3A_111 : vector<16xf32>
      %swap3A_115 = arith.index_cast %add3A_108 : i32 to index
      %swap3A_116 = tpu.vector_load %arg11[%swap3A_115] {strides = array<i32>} : memref<10240xf32, #tpu.memory_space<vmem>>, vector<16xf32>,
      tpu.vector_store %arg11[%swap3A_115], %mul3A_114 {strides = array<i32>} : memref<10240xf32, #tpu.memory_space<vmem>>, vector<16xf32>,
      %mul3A_117 = arith.constant 128 : i32
      %mul3A_118 = arith.muli %scan3A_34, %mul3A_117 : i32
      %add3A_119 = arith.constant 112 : i32
      %add3A_120 = arith.addi %mul3A_118, %add3A_119 : i32
      %get3A_121 = arith.index_cast %add3A_120 : i32 to index
      %get3A_122 = tpu.vector_load %arg7[%get3A_121] {strides = array<i32>} : memref<10240xi32, #tpu.memory_space<vmem>>, vector<16xi32>,
      %gather3A_123 = tpu.vector_load_idx %arg10[%get3A_122] : memref<10000xf32, #tpu.memory_space<vmem>>[vector<16xi32>], vector<16xf32>,
      %get3A_124 = arith.index_cast %add3A_120 : i32 to index
      %get3A_125 = tpu.vector_load %arg9[%get3A_124] {strides = array<i32>} : memref<10240xf32, #tpu.memory_space<vmem>>, vector<16xf32>,
      %mul3A_126 = arith.mulf %get3A_125, %gather3A_123 : vector<16xf32>
      %swap3A_127 = arith.index_cast %add3A_120 : i32 to index
      %swap3A_128 = tpu.vector_load %arg11[%swap3A_127] {strides = array<i32>} : memref<10240xf32, #tpu.memory_space<vmem>>, vector<16xf32>,
      tpu.vector_store %arg11[%swap3A_127], %mul3A_126 {strides = array<i32>} : memref<10240xf32, #tpu.memory_space<vmem>>, vector<16xf32>,
      %mul3A_129 = arith.constant 128 : i32
      %mul3A_130 = arith.muli %scan3A_34, %mul3A_129 : i32
      "tpu.region"() ({
        %run_scoped3A = tpu.sem_alloc : memref<!tpu.dma_semaphore, #tpu.memory_space<semaphore_mem>>
        %dma_start3A = tpu.memref_slice %arg11[%mul3A_130] : memref<10240xf32, #tpu.memory_space<vmem>> -> memref<128xf32, #tpu.memory_space<vmem>>
        %dma_start3A_132 = arith.constant 0 : i32
        %dma_start3A_133 = tpu.memref_slice %arg8[%scan3A_34, %dma_start3A_132] : memref<80x128xi32, #tpu.memory_space<vmem>> -> memref<1x128xi32, #tpu.memory_space<vmem>>
        %dma_start3A_134 = tpu.memref_squeeze %dma_start3A_133 : memref<1x128xi32, #tpu.memory_space<vmem>> -> memref<128xi32, #tpu.memory_space<vmem>>
        %dma_start3A_135 = arith.constant 0 : i32
        %dma_start3A_136 = tpu.memref_slice %arg13[%dma_start3A_135] : memref<10240xf32, #tpu.memory_space<vmem_shared>> -> memref<10240xf32, #tpu.memory_space<vmem_shared>>
        tpu.enqueue_indirect_dma source(%dma_start3A : memref<128xf32, #tpu.memory_space<vmem>>) target(%dma_start3A_136 : memref<10240xf32, #tpu.memory_space<vmem_shared>>) offsets(%dma_start3A_134 : memref<128xi32, #tpu.memory_space<vmem>>) semaphore(%run_scoped3A : memref<!tpu.dma_semaphore, #tpu.memory_space<semaphore_mem>>) {add = true}
        %dma_wait3A = tpu.memref_slice %arg11[%mul3A_130] : memref<10240xf32, #tpu.memory_space<vmem>> -> memref<128xf32, #tpu.memory_space<vmem>>
        %dma_wait3A_137 = arith.constant 0 : i32
        %dma_wait3A_138 = tpu.memref_slice %arg8[%scan3A_34, %dma_wait3A_137] : memref<80x128xi32, #tpu.memory_space<vmem>> -> memref<1x128xi32, #tpu.memory_space<vmem>>
        %dma_wait3A_139 = tpu.memref_squeeze %dma_wait3A_138 : memref<1x128xi32, #tpu.memory_space<vmem>> -> memref<128xi32, #tpu.memory_space<vmem>>
        %dma_wait3A_140 = arith.constant 0 : i32
        %dma_wait3A_141 = tpu.memref_slice %arg13[%dma_wait3A_140] : memref<10240xf32, #tpu.memory_space<vmem_shared>> -> memref<10240xf32, #tpu.memory_space<vmem_shared>>
        tpu.wait_indirect_dma semaphore(%run_scoped3A : memref<!tpu.dma_semaphore, #tpu.memory_space<semaphore_mem>>) src(%dma_wait3A : memref<128xf32, #tpu.memory_space<vmem>>) dst(%dma_wait3A_141 : memref<10240xf32, #tpu.memory_space<vmem_shared>>)
        tpu.yield
      }) : () -> ()
      %scan3A_131 = arith.constant 0 : i32
      scf.yield %scan3A_131 : i32
    }
    %scan3A_25 = arith.constant 80 : i32
    %barrier3A_26 = arith.constant 0 : index
    tpu.barrier barrier_id(%barrier3A_26)
    %mul3A_27 = arith.constant 640 : i32
    %mul3A_28 = arith.muli %arg1, %mul3A_27 : i32
    %mul3A_29 = arith.constant 10240 : i32
    %mul3A_30 = arith.muli %arg0, %mul3A_29 : i32
    %mul3A_31 = arith.constant 640 : i32
    %mul3A_32 = arith.muli %arg1, %mul3A_31 : i32
    %add3A_33 = arith.addi %mul3A_30, %mul3A_32 : i32
    "tpu.region"() ({
      %run_scoped3A = tpu.sem_alloc : memref<!tpu.dma_semaphore, #tpu.memory_space<semaphore_mem>>
      %dma_start3A = tpu.memref_slice %arg6[%add3A_33] : memref<20480xf32, #tpu.memory_space<hbm>> -> memref<640xf32, #tpu.memory_space<hbm>>
      %dma_start3A_34 = tpu.memref_slice %arg13[%mul3A_28] : memref<10240xf32, #tpu.memory_space<vmem_shared>> -> memref<640xf32, #tpu.memory_space<vmem_shared>>
      tpu.enqueue_dma source(%dma_start3A_34 : memref<640xf32, #tpu.memory_space<vmem_shared>>) target(%dma_start3A : memref<640xf32, #tpu.memory_space<hbm>>) target_semaphore(%run_scoped3A : memref<!tpu.dma_semaphore, #tpu.memory_space<semaphore_mem>>)
      %dma_wait3A = tpu.memref_slice %arg6[%add3A_33] : memref<20480xf32, #tpu.memory_space<hbm>> -> memref<640xf32, #tpu.memory_space<hbm>>
      %dma_wait3A_35 = tpu.memref_slice %arg13[%mul3A_28] : memref<10240xf32, #tpu.memory_space<vmem_shared>> -> memref<640xf32, #tpu.memory_space<vmem_shared>>
      tpu.wait_dma2 semaphore(%run_scoped3A : memref<!tpu.dma_semaphore, #tpu.memory_space<semaphore_mem>>) src(%dma_wait3A_35 : memref<640xf32, #tpu.memory_space<vmem_shared>>) dst(%dma_wait3A : memref<640xf32, #tpu.memory_space<hbm>>)
      tpu.yield
    }) : () -> ()
    return
  }
}

#map = affine_map<(d0, d1) -> (0, 0)>
#map1 = affine_map<(d0, d1) -> (0)>
module attributes {stable_mosaic.version = 14 : i64} {
  func.func @_deg_body(%arg0: i32, %arg1: i32, %arg2: memref<2576x128xi32, #tpu.memory_space<hbm>>, %arg3: memref<2576x128xf32, #tpu.memory_space<hbm>>, %arg4: memref<20480xf32, #tpu.memory_space<hbm>>, %arg5: memref<80x128xi32, #tpu.memory_space<vmem>>, %arg6: memref<80x128xf32, #tpu.memory_space<vmem>>, %arg7: memref<640xf32, #tpu.memory_space<vmem>>, %arg8: memref<10240xf32, #tpu.memory_space<vmem_shared>>) attributes {dimension_semantics = [#tpu.dimension_semantics<core_parallel>, #tpu.dimension_semantics<subcore_parallel>], iteration_bounds = array<i64: 2, 16>, scalar_prefetch = 0 : i64, scratch_operands = 4 : i64, tpu.core_type = #tpu.core_type<sc_vector_subcore>, window_params = [{transform_indices = #map}, {transform_indices = #map}, {transform_indices = #map1}]} {
    %mul3A = arith.constant 2 : i32
    %mul3A_0 = arith.muli %arg1, %mul3A : i32
    %add3A = arith.addi %mul3A_0, %arg0 : i32
    %scan3A = arith.constant 0 : i32
    %scan3A_1 = arith.constant 0 : i32
    %scan3A_2 = arith.constant 40 : i32
    %scan3A_3 = arith.addi %scan3A_1, %scan3A_2 : i32
    %scan3A_4 = arith.constant 4 : i32
    %scan3A_5 = scf.for %scan3A_28 = %scan3A_1 to %scan3A_3 step %scan3A_4 iter_args(%scan3A_29 = %scan3A) -> (i32)  : i32 {
      %broadcast_in_dim3A = arith.constant 0.000000e+00 : f32
      %broadcast_in_dim3A_30 = vector.broadcast %broadcast_in_dim3A : f32 to vector<16xf32>
      %mul3A_31 = arith.constant 16 : i32
      %mul3A_32 = arith.muli %scan3A_28, %mul3A_31 : i32
      %swap3A = arith.index_cast %mul3A_32 : i32 to index
      %swap3A_33 = tpu.vector_load %arg7[%swap3A] {strides = array<i32>} : memref<640xf32, #tpu.memory_space<vmem>>, vector<16xf32>,
      tpu.vector_store %arg7[%swap3A], %broadcast_in_dim3A_30 {strides = array<i32>} : memref<640xf32, #tpu.memory_space<vmem>>, vector<16xf32>,
      %scan3A_34 = arith.constant 0 : i32
      %scan3A_35 = arith.constant 1 : i32
      %scan3A_36 = arith.addi %scan3A_28, %scan3A_35 : i32
      %broadcast_in_dim3A_37 = arith.constant 0.000000e+00 : f32
      %broadcast_in_dim3A_38 = vector.broadcast %broadcast_in_dim3A_37 : f32 to vector<16xf32>
      %mul3A_39 = arith.constant 16 : i32
      %mul3A_40 = arith.muli %scan3A_36, %mul3A_39 : i32
      %swap3A_41 = arith.index_cast %mul3A_40 : i32 to index
      %swap3A_42 = tpu.vector_load %arg7[%swap3A_41] {strides = array<i32>} : memref<640xf32, #tpu.memory_space<vmem>>, vector<16xf32>,
      tpu.vector_store %arg7[%swap3A_41], %broadcast_in_dim3A_38 {strides = array<i32>} : memref<640xf32, #tpu.memory_space<vmem>>, vector<16xf32>,
      %scan3A_43 = arith.constant 0 : i32
      %scan3A_44 = arith.constant 2 : i32
      %scan3A_45 = arith.addi %scan3A_28, %scan3A_44 : i32
      %broadcast_in_dim3A_46 = arith.constant 0.000000e+00 : f32
      %broadcast_in_dim3A_47 = vector.broadcast %broadcast_in_dim3A_46 : f32 to vector<16xf32>
      %mul3A_48 = arith.constant 16 : i32
      %mul3A_49 = arith.muli %scan3A_45, %mul3A_48 : i32
      %swap3A_50 = arith.index_cast %mul3A_49 : i32 to index
      %swap3A_51 = tpu.vector_load %arg7[%swap3A_50] {strides = array<i32>} : memref<640xf32, #tpu.memory_space<vmem>>, vector<16xf32>,
      tpu.vector_store %arg7[%swap3A_50], %broadcast_in_dim3A_47 {strides = array<i32>} : memref<640xf32, #tpu.memory_space<vmem>>, vector<16xf32>,
      %scan3A_52 = arith.constant 0 : i32
      %scan3A_53 = arith.constant 3 : i32
      %scan3A_54 = arith.addi %scan3A_28, %scan3A_53 : i32
      %broadcast_in_dim3A_55 = arith.constant 0.000000e+00 : f32
      %broadcast_in_dim3A_56 = vector.broadcast %broadcast_in_dim3A_55 : f32 to vector<16xf32>
      %mul3A_57 = arith.constant 16 : i32
      %mul3A_58 = arith.muli %scan3A_54, %mul3A_57 : i32
      %swap3A_59 = arith.index_cast %mul3A_58 : i32 to index
      %swap3A_60 = tpu.vector_load %arg7[%swap3A_59] {strides = array<i32>} : memref<640xf32, #tpu.memory_space<vmem>>, vector<16xf32>,
      tpu.vector_store %arg7[%swap3A_59], %broadcast_in_dim3A_56 {strides = array<i32>} : memref<640xf32, #tpu.memory_space<vmem>>, vector<16xf32>,
      %scan3A_61 = arith.constant 0 : i32
      scf.yield %scan3A_61 : i32
    }
    %scan3A_6 = arith.constant 40 : i32
    %mul3A_7 = arith.constant 640 : i32
    %mul3A_8 = arith.muli %arg1, %mul3A_7 : i32
    "tpu.region"() ({
      %run_scoped3A = tpu.sem_alloc : memref<!tpu.dma_semaphore, #tpu.memory_space<semaphore_mem>>
      %dma_start3A = tpu.memref_slice %arg8[%mul3A_8] : memref<10240xf32, #tpu.memory_space<vmem_shared>> -> memref<640xf32, #tpu.memory_space<vmem_shared>>
      %dma_start3A_28 = tpu.memref_slice %arg8[%mul3A_8] : memref<10240xf32, #tpu.memory_space<vmem_shared>> -> memref<640xf32, #tpu.memory_space<vmem_shared>>
      tpu.enqueue_dma source(%arg7 : memref<640xf32, #tpu.memory_space<vmem>>) target(%dma_start3A_28 : memref<640xf32, #tpu.memory_space<vmem_shared>>) target_semaphore(%run_scoped3A : memref<!tpu.dma_semaphore, #tpu.memory_space<semaphore_mem>>)
      %dma_wait3A = tpu.memref_slice %arg8[%mul3A_8] : memref<10240xf32, #tpu.memory_space<vmem_shared>> -> memref<640xf32, #tpu.memory_space<vmem_shared>>
      %dma_wait3A_29 = tpu.memref_slice %arg8[%mul3A_8] : memref<10240xf32, #tpu.memory_space<vmem_shared>> -> memref<640xf32, #tpu.memory_space<vmem_shared>>
      tpu.wait_dma2 semaphore(%run_scoped3A : memref<!tpu.dma_semaphore, #tpu.memory_space<semaphore_mem>>) src(%arg7 : memref<640xf32, #tpu.memory_space<vmem>>) dst(%dma_wait3A_29 : memref<640xf32, #tpu.memory_space<vmem_shared>>)
      tpu.yield
    }) : () -> ()
    %barrier3A = arith.constant 0 : index
    tpu.barrier barrier_id(%barrier3A)
    %mul3A_9 = arith.constant 80 : i32
    %mul3A_10 = arith.muli %add3A, %mul3A_9 : i32
    "tpu.region"() ({
      %run_scoped3A = tpu.sem_alloc : memref<!tpu.dma_semaphore, #tpu.memory_space<semaphore_mem>>
      %dma_start3A = arith.constant 0 : i32
      %dma_start3A_28 = tpu.memref_slice %arg2[%mul3A_10, %dma_start3A] : memref<2576x128xi32, #tpu.memory_space<hbm>> -> memref<80x128xi32, #tpu.memory_space<hbm>>
      %dma_start3A_29 = arith.constant 0 : i32
      %dma_start3A_30 = tpu.memref_slice %arg2[%mul3A_10, %dma_start3A_29] : memref<2576x128xi32, #tpu.memory_space<hbm>> -> memref<80x128xi32, #tpu.memory_space<hbm>>
      tpu.enqueue_dma source(%dma_start3A_30 : memref<80x128xi32, #tpu.memory_space<hbm>>) target(%arg5 : memref<80x128xi32, #tpu.memory_space<vmem>>) target_semaphore(%run_scoped3A : memref<!tpu.dma_semaphore, #tpu.memory_space<semaphore_mem>>)
      %dma_wait3A = arith.constant 0 : i32
      %dma_wait3A_31 = tpu.memref_slice %arg2[%mul3A_10, %dma_wait3A] : memref<2576x128xi32, #tpu.memory_space<hbm>> -> memref<80x128xi32, #tpu.memory_space<hbm>>
      %dma_wait3A_32 = arith.constant 0 : i32
      %dma_wait3A_33 = tpu.memref_slice %arg2[%mul3A_10, %dma_wait3A_32] : memref<2576x128xi32, #tpu.memory_space<hbm>> -> memref<80x128xi32, #tpu.memory_space<hbm>>
      tpu.wait_dma2 semaphore(%run_scoped3A : memref<!tpu.dma_semaphore, #tpu.memory_space<semaphore_mem>>) src(%dma_wait3A_33 : memref<80x128xi32, #tpu.memory_space<hbm>>) dst(%arg5 : memref<80x128xi32, #tpu.memory_space<vmem>>)
      tpu.yield
    }) : () -> ()
    %mul3A_11 = arith.constant 80 : i32
    %mul3A_12 = arith.muli %add3A, %mul3A_11 : i32
    "tpu.region"() ({
      %run_scoped3A = tpu.sem_alloc : memref<!tpu.dma_semaphore, #tpu.memory_space<semaphore_mem>>
      %dma_start3A = arith.constant 0 : i32
      %dma_start3A_28 = tpu.memref_slice %arg3[%mul3A_12, %dma_start3A] : memref<2576x128xf32, #tpu.memory_space<hbm>> -> memref<80x128xf32, #tpu.memory_space<hbm>>
      %dma_start3A_29 = arith.constant 0 : i32
      %dma_start3A_30 = tpu.memref_slice %arg3[%mul3A_12, %dma_start3A_29] : memref<2576x128xf32, #tpu.memory_space<hbm>> -> memref<80x128xf32, #tpu.memory_space<hbm>>
      tpu.enqueue_dma source(%dma_start3A_30 : memref<80x128xf32, #tpu.memory_space<hbm>>) target(%arg6 : memref<80x128xf32, #tpu.memory_space<vmem>>) target_semaphore(%run_scoped3A : memref<!tpu.dma_semaphore, #tpu.memory_space<semaphore_mem>>)
      %dma_wait3A = arith.constant 0 : i32
      %dma_wait3A_31 = tpu.memref_slice %arg3[%mul3A_12, %dma_wait3A] : memref<2576x128xf32, #tpu.memory_space<hbm>> -> memref<80x128xf32, #tpu.memory_space<hbm>>
      %dma_wait3A_32 = arith.constant 0 : i32
      %dma_wait3A_33 = tpu.memref_slice %arg3[%mul3A_12, %dma_wait3A_32] : memref<2576x128xf32, #tpu.memory_space<hbm>> -> memref<80x128xf32, #tpu.memory_space<hbm>>
      tpu.wait_dma2 semaphore(%run_scoped3A : memref<!tpu.dma_semaphore, #tpu.memory_space<semaphore_mem>>) src(%dma_wait3A_33 : memref<80x128xf32, #tpu.memory_space<hbm>>) dst(%arg6 : memref<80x128xf32, #tpu.memory_space<vmem>>)
      tpu.yield
    }) : () -> ()
    %scan3A_13 = arith.constant 0 : i32
    %scan3A_14 = arith.constant 0 : i32
    %scan3A_15 = arith.constant 80 : i32
    %scan3A_16 = arith.addi %scan3A_14, %scan3A_15 : i32
    %scan3A_17 = arith.constant 1 : i32
    %scan3A_18 = scf.for %scan3A_28 = %scan3A_14 to %scan3A_16 step %scan3A_17 iter_args(%scan3A_29 = %scan3A_13) -> (i32)  : i32 {
      "tpu.region"() ({
        %run_scoped3A = tpu.sem_alloc : memref<!tpu.dma_semaphore, #tpu.memory_space<semaphore_mem>>
        %dma_start3A = arith.constant 0 : i32
        %dma_start3A_31 = tpu.memref_slice %arg6[%scan3A_28, %dma_start3A] : memref<80x128xf32, #tpu.memory_space<vmem>> -> memref<1x128xf32, #tpu.memory_space<vmem>>
        %dma_start3A_32 = tpu.memref_squeeze %dma_start3A_31 : memref<1x128xf32, #tpu.memory_space<vmem>> -> memref<128xf32, #tpu.memory_space<vmem>>
        %dma_start3A_33 = arith.constant 0 : i32
        %dma_start3A_34 = tpu.memref_slice %arg5[%scan3A_28, %dma_start3A_33] : memref<80x128xi32, #tpu.memory_space<vmem>> -> memref<1x128xi32, #tpu.memory_space<vmem>>
        %dma_start3A_35 = tpu.memref_squeeze %dma_start3A_34 : memref<1x128xi32, #tpu.memory_space<vmem>> -> memref<128xi32, #tpu.memory_space<vmem>>
        %dma_start3A_36 = arith.constant 0 : i32
        %dma_start3A_37 = tpu.memref_slice %arg8[%dma_start3A_36] : memref<10240xf32, #tpu.memory_space<vmem_shared>> -> memref<10240xf32, #tpu.memory_space<vmem_shared>>
        tpu.enqueue_indirect_dma source(%dma_start3A_32 : memref<128xf32, #tpu.memory_space<vmem>>) target(%dma_start3A_37 : memref<10240xf32, #tpu.memory_space<vmem_shared>>) offsets(%dma_start3A_35 : memref<128xi32, #tpu.memory_space<vmem>>) semaphore(%run_scoped3A : memref<!tpu.dma_semaphore, #tpu.memory_space<semaphore_mem>>) {add = true}
        %dma_wait3A = arith.constant 0 : i32
        %dma_wait3A_38 = tpu.memref_slice %arg6[%scan3A_28, %dma_wait3A] : memref<80x128xf32, #tpu.memory_space<vmem>> -> memref<1x128xf32, #tpu.memory_space<vmem>>
        %dma_wait3A_39 = tpu.memref_squeeze %dma_wait3A_38 : memref<1x128xf32, #tpu.memory_space<vmem>> -> memref<128xf32, #tpu.memory_space<vmem>>
        %dma_wait3A_40 = arith.constant 0 : i32
        %dma_wait3A_41 = tpu.memref_slice %arg5[%scan3A_28, %dma_wait3A_40] : memref<80x128xi32, #tpu.memory_space<vmem>> -> memref<1x128xi32, #tpu.memory_space<vmem>>
        %dma_wait3A_42 = tpu.memref_squeeze %dma_wait3A_41 : memref<1x128xi32, #tpu.memory_space<vmem>> -> memref<128xi32, #tpu.memory_space<vmem>>
        %dma_wait3A_43 = arith.constant 0 : i32
        %dma_wait3A_44 = tpu.memref_slice %arg8[%dma_wait3A_43] : memref<10240xf32, #tpu.memory_space<vmem_shared>> -> memref<10240xf32, #tpu.memory_space<vmem_shared>>
        tpu.wait_indirect_dma semaphore(%run_scoped3A : memref<!tpu.dma_semaphore, #tpu.memory_space<semaphore_mem>>) src(%dma_wait3A_39 : memref<128xf32, #tpu.memory_space<vmem>>) dst(%dma_wait3A_44 : memref<10240xf32, #tpu.memory_space<vmem_shared>>)
        tpu.yield
      }) : () -> ()
      %scan3A_30 = arith.constant 0 : i32
      scf.yield %scan3A_30 : i32
    }
    %scan3A_19 = arith.constant 80 : i32
    %barrier3A_20 = arith.constant 0 : index
    tpu.barrier barrier_id(%barrier3A_20)
    %mul3A_21 = arith.constant 640 : i32
    %mul3A_22 = arith.muli %arg1, %mul3A_21 : i32
    %mul3A_23 = arith.constant 10240 : i32
    %mul3A_24 = arith.muli %arg0, %mul3A_23 : i32
    %mul3A_25 = arith.constant 640 : i32
    %mul3A_26 = arith.muli %arg1, %mul3A_25 : i32
    %add3A_27 = arith.addi %mul3A_24, %mul3A_26 : i32
    "tpu.region"() ({
      %run_scoped3A = tpu.sem_alloc : memref<!tpu.dma_semaphore, #tpu.memory_space<semaphore_mem>>
      %dma_start3A = tpu.memref_slice %arg4[%add3A_27] : memref<20480xf32, #tpu.memory_space<hbm>> -> memref<640xf32, #tpu.memory_space<hbm>>
      %dma_start3A_28 = tpu.memref_slice %arg8[%mul3A_22] : memref<10240xf32, #tpu.memory_space<vmem_shared>> -> memref<640xf32, #tpu.memory_space<vmem_shared>>
      tpu.enqueue_dma source(%dma_start3A_28 : memref<640xf32, #tpu.memory_space<vmem_shared>>) target(%dma_start3A : memref<640xf32, #tpu.memory_space<hbm>>) target_semaphore(%run_scoped3A : memref<!tpu.dma_semaphore, #tpu.memory_space<semaphore_mem>>)
      %dma_wait3A = tpu.memref_slice %arg4[%add3A_27] : memref<20480xf32, #tpu.memory_space<hbm>> -> memref<640xf32, #tpu.memory_space<hbm>>
      %dma_wait3A_29 = tpu.memref_slice %arg8[%mul3A_22] : memref<10240xf32, #tpu.memory_space<vmem_shared>> -> memref<640xf32, #tpu.memory_space<vmem_shared>>
      tpu.wait_dma2 semaphore(%run_scoped3A : memref<!tpu.dma_semaphore, #tpu.memory_space<semaphore_mem>>) src(%dma_wait3A_29 : memref<640xf32, #tpu.memory_space<vmem_shared>>) dst(%dma_wait3A : memref<640xf32, #tpu.memory_space<hbm>>)
      tpu.yield
    }) : () -> ()
    return
  }
}

#map = affine_map<(d0, d1) -> (0, 0)>
#map1 = affine_map<(d0, d1) -> (0)>
module attributes {stable_mosaic.version = 14 : i64} {
  func.func @_agg_body(%arg0: i32, %arg1: i32, %arg2: memref<10000x128xf32, #tpu.memory_space<hbm>>, %arg3: memref<329728xi32, #tpu.memory_space<hbm>>, %arg4: memref<2576x128xi32, #tpu.memory_space<hbm>>, %arg5: memref<329728xf32, #tpu.memory_space<hbm>>, %arg6: memref<10240x128xf32, #tpu.memory_space<hbm>>, %arg7: memref<10240x128xf32, #tpu.memory_space<hbm>>, %arg8: memref<2048xi32, #tpu.memory_space<vmem>>, %arg9: memref<16x128xi32, #tpu.memory_space<vmem>>, %arg10: memref<2048xf32, #tpu.memory_space<vmem>>, %arg11: memref<256x128xf32, #tpu.memory_space<vmem>>, %arg12: memref<10240x128xf32, #tpu.memory_space<vmem_shared>>, %arg13: memref<!tpu.dma_semaphore, #tpu.memory_space<semaphore_mem>>, %arg14: memref<!tpu.dma_semaphore, #tpu.memory_space<semaphore_mem>>) attributes {dimension_semantics = [#tpu.dimension_semantics<core_parallel>, #tpu.dimension_semantics<subcore_parallel>], iteration_bounds = array<i64: 2, 16>, scalar_prefetch = 0 : i64, scratch_operands = 7 : i64, tpu.core_type = #tpu.core_type<sc_vector_subcore>, window_params = [{transform_indices = #map}, {transform_indices = #map1}, {transform_indices = #map}, {transform_indices = #map1}, {transform_indices = #map}, {transform_indices = #map}]} {
    %eq3A = arith.constant 0 : i32
    %eq3A_0 = arith.cmpi eq, %arg0, %eq3A : i32
    %select_n3A = arith.constant 8 : i32
    %select_n3A_1 = arith.constant 152 : i32
    %select_n3A_2 = arith.select %eq3A_0, %select_n3A_1, %select_n3A : i32
    %eq3A_3 = arith.constant 0 : i32
    %eq3A_4 = arith.cmpi eq, %arg0, %eq3A_3 : i32
    %mul3A = arith.constant 152 : i32
    %mul3A_5 = arith.muli %arg1, %mul3A : i32
    %mul3A_6 = arith.constant 8 : i32
    %mul3A_7 = arith.muli %arg1, %mul3A_6 : i32
    %add3A = arith.constant 2432 : i32
    %add3A_8 = arith.addi %add3A, %mul3A_7 : i32
    %select_n3A_9 = arith.select %eq3A_4, %mul3A_5, %add3A_8 : i32
    %scan3A = arith.constant 0 : i32
    %scan3A_10 = arith.constant 0 : i32
    %scan3A_11 = arith.constant 128 : i32
    %scan3A_12 = arith.addi %scan3A_10, %scan3A_11 : i32
    %scan3A_13 = arith.constant 1 : i32
    %scan3A_14 = scf.for %scan3A_52 = %scan3A_10 to %scan3A_12 step %scan3A_13 iter_args(%scan3A_53 = %scan3A) -> (i32)  : i32 {
      %broadcast_in_dim3A = arith.constant 0.000000e+00 : f32
      %broadcast_in_dim3A_54 = vector.broadcast %broadcast_in_dim3A : f32 to vector<16xf32>
      %swap3A = arith.index_cast %scan3A_52 : i32 to index
      %swap3A_55 = arith.constant 0 : index
      %swap3A_56 = tpu.vector_load %arg11[%swap3A, %swap3A_55] {strides = array<i32>} : memref<256x128xf32, #tpu.memory_space<vmem>>, vector<16xf32>,
      tpu.vector_store %arg11[%swap3A, %swap3A_55], %broadcast_in_dim3A_54 {strides = array<i32>} : memref<256x128xf32, #tpu.memory_space<vmem>>, vector<16xf32>,
      %broadcast_in_dim3A_57 = arith.constant 0.000000e+00 : f32
      %broadcast_in_dim3A_58 = vector.broadcast %broadcast_in_dim3A_57 : f32 to vector<16xf32>
      %swap3A_59 = arith.index_cast %scan3A_52 : i32 to index
      %swap3A_60 = arith.constant 16 : index
      %swap3A_61 = tpu.vector_load %arg11[%swap3A_59, %swap3A_60] {strides = array<i32>} : memref<256x128xf32, #tpu.memory_space<vmem>>, vector<16xf32>,
      tpu.vector_store %arg11[%swap3A_59, %swap3A_60], %broadcast_in_dim3A_58 {strides = array<i32>} : memref<256x128xf32, #tpu.memory_space<vmem>>, vector<16xf32>,
      %broadcast_in_dim3A_62 = arith.constant 0.000000e+00 : f32
      %broadcast_in_dim3A_63 = vector.broadcast %broadcast_in_dim3A_62 : f32 to vector<16xf32>
      %swap3A_64 = arith.index_cast %scan3A_52 : i32 to index
      %swap3A_65 = arith.constant 32 : index
      %swap3A_66 = tpu.vector_load %arg11[%swap3A_64, %swap3A_65] {strides = array<i32>} : memref<256x128xf32, #tpu.memory_space<vmem>>, vector<16xf32>,
      tpu.vector_store %arg11[%swap3A_64, %swap3A_65], %broadcast_in_dim3A_63 {strides = array<i32>} : memref<256x128xf32, #tpu.memory_space<vmem>>, vector<16xf32>,
      %broadcast_in_dim3A_67 = arith.constant 0.000000e+00 : f32
      %broadcast_in_dim3A_68 = vector.broadcast %broadcast_in_dim3A_67 : f32 to vector<16xf32>
      %swap3A_69 = arith.index_cast %scan3A_52 : i32 to index
      %swap3A_70 = arith.constant 48 : index
      %swap3A_71 = tpu.vector_load %arg11[%swap3A_69, %swap3A_70] {strides = array<i32>} : memref<256x128xf32, #tpu.memory_space<vmem>>, vector<16xf32>,
      tpu.vector_store %arg11[%swap3A_69, %swap3A_70], %broadcast_in_dim3A_68 {strides = array<i32>} : memref<256x128xf32, #tpu.memory_space<vmem>>, vector<16xf32>,
      %broadcast_in_dim3A_72 = arith.constant 0.000000e+00 : f32
      %broadcast_in_dim3A_73 = vector.broadcast %broadcast_in_dim3A_72 : f32 to vector<16xf32>
      %swap3A_74 = arith.index_cast %scan3A_52 : i32 to index
      %swap3A_75 = arith.constant 64 : index
      %swap3A_76 = tpu.vector_load %arg11[%swap3A_74, %swap3A_75] {strides = array<i32>} : memref<256x128xf32, #tpu.memory_space<vmem>>, vector<16xf32>,
      tpu.vector_store %arg11[%swap3A_74, %swap3A_75], %broadcast_in_dim3A_73 {strides = array<i32>} : memref<256x128xf32, #tpu.memory_space<vmem>>, vector<16xf32>,
      %broadcast_in_dim3A_77 = arith.constant 0.000000e+00 : f32
      %broadcast_in_dim3A_78 = vector.broadcast %broadcast_in_dim3A_77 : f32 to vector<16xf32>
      %swap3A_79 = arith.index_cast %scan3A_52 : i32 to index
      %swap3A_80 = arith.constant 80 : index
      %swap3A_81 = tpu.vector_load %arg11[%swap3A_79, %swap3A_80] {strides = array<i32>} : memref<256x128xf32, #tpu.memory_space<vmem>>, vector<16xf32>,
      tpu.vector_store %arg11[%swap3A_79, %swap3A_80], %broadcast_in_dim3A_78 {strides = array<i32>} : memref<256x128xf32, #tpu.memory_space<vmem>>, vector<16xf32>,
      %broadcast_in_dim3A_82 = arith.constant 0.000000e+00 : f32
      %broadcast_in_dim3A_83 = vector.broadcast %broadcast_in_dim3A_82 : f32 to vector<16xf32>
      %swap3A_84 = arith.index_cast %scan3A_52 : i32 to index
      %swap3A_85 = arith.constant 96 : index
      %swap3A_86 = tpu.vector_load %arg11[%swap3A_84, %swap3A_85] {strides = array<i32>} : memref<256x128xf32, #tpu.memory_space<vmem>>, vector<16xf32>,
      tpu.vector_store %arg11[%swap3A_84, %swap3A_85], %broadcast_in_dim3A_83 {strides = array<i32>} : memref<256x128xf32, #tpu.memory_space<vmem>>, vector<16xf32>,
      %broadcast_in_dim3A_87 = arith.constant 0.000000e+00 : f32
      %broadcast_in_dim3A_88 = vector.broadcast %broadcast_in_dim3A_87 : f32 to vector<16xf32>
      %swap3A_89 = arith.index_cast %scan3A_52 : i32 to index
      %swap3A_90 = arith.constant 112 : index
      %swap3A_91 = tpu.vector_load %arg11[%swap3A_89, %swap3A_90] {strides = array<i32>} : memref<256x128xf32, #tpu.memory_space<vmem>>, vector<16xf32>,
      tpu.vector_store %arg11[%swap3A_89, %swap3A_90], %broadcast_in_dim3A_88 {strides = array<i32>} : memref<256x128xf32, #tpu.memory_space<vmem>>, vector<16xf32>,
      %scan3A_92 = arith.constant 0 : i32
      scf.yield %scan3A_92 : i32
    }
    %scan3A_15 = arith.constant 128 : i32
    %mul3A_16 = arith.constant 640 : i32
    %mul3A_17 = arith.muli %arg1, %mul3A_16 : i32
    %add3A_18 = arith.constant 0 : i32
    %add3A_19 = arith.addi %mul3A_17, %add3A_18 : i32
    "tpu.region"() ({
      %run_scoped3A = tpu.sem_alloc : memref<!tpu.dma_semaphore, #tpu.memory_space<semaphore_mem>>
      %dma_start3A = arith.constant 0 : i32
      %dma_start3A_52 = arith.constant 0 : i32
      %dma_start3A_53 = tpu.memref_slice %arg11[%dma_start3A, %dma_start3A_52] : memref<256x128xf32, #tpu.memory_space<vmem>> -> memref<128x128xf32, #tpu.memory_space<vmem>>
      %dma_start3A_54 = arith.constant 0 : i32
      %dma_start3A_55 = tpu.memref_slice %arg12[%add3A_19, %dma_start3A_54] : memref<10240x128xf32, #tpu.memory_space<vmem_shared>> -> memref<128x128xf32, #tpu.memory_space<vmem_shared>>
      %dma_start3A_56 = arith.constant 0 : i32
      %dma_start3A_57 = tpu.memref_slice %arg12[%add3A_19, %dma_start3A_56] : memref<10240x128xf32, #tpu.memory_space<vmem_shared>> -> memref<128x128xf32, #tpu.memory_space<vmem_shared>>
      %dma_start3A_58 = arith.constant 0 : i32
      %dma_start3A_59 = arith.constant 0 : i32
      %dma_start3A_60 = tpu.memref_slice %arg11[%dma_start3A_58, %dma_start3A_59] : memref<256x128xf32, #tpu.memory_space<vmem>> -> memref<128x128xf32, #tpu.memory_space<vmem>>
      tpu.enqueue_dma source(%dma_start3A_60 : memref<128x128xf32, #tpu.memory_space<vmem>>) target(%dma_start3A_57 : memref<128x128xf32, #tpu.memory_space<vmem_shared>>) target_semaphore(%run_scoped3A : memref<!tpu.dma_semaphore, #tpu.memory_space<semaphore_mem>>)
      %dma_wait3A = arith.constant 0 : i32
      %dma_wait3A_61 = arith.constant 0 : i32
      %dma_wait3A_62 = tpu.memref_slice %arg11[%dma_wait3A, %dma_wait3A_61] : memref<256x128xf32, #tpu.memory_space<vmem>> -> memref<128x128xf32, #tpu.memory_space<vmem>>
      %dma_wait3A_63 = arith.constant 0 : i32
      %dma_wait3A_64 = tpu.memref_slice %arg12[%add3A_19, %dma_wait3A_63] : memref<10240x128xf32, #tpu.memory_space<vmem_shared>> -> memref<128x128xf32, #tpu.memory_space<vmem_shared>>
      %dma_wait3A_65 = arith.constant 0 : i32
      %dma_wait3A_66 = tpu.memref_slice %arg12[%add3A_19, %dma_wait3A_65] : memref<10240x128xf32, #tpu.memory_space<vmem_shared>> -> memref<128x128xf32, #tpu.memory_space<vmem_shared>>
      %dma_wait3A_67 = arith.constant 0 : i32
      %dma_wait3A_68 = arith.constant 0 : i32
      %dma_wait3A_69 = tpu.memref_slice %arg11[%dma_wait3A_67, %dma_wait3A_68] : memref<256x128xf32, #tpu.memory_space<vmem>> -> memref<128x128xf32, #tpu.memory_space<vmem>>
      tpu.wait_dma2 semaphore(%run_scoped3A : memref<!tpu.dma_semaphore, #tpu.memory_space<semaphore_mem>>) src(%dma_wait3A_69 : memref<128x128xf32, #tpu.memory_space<vmem>>) dst(%dma_wait3A_66 : memref<128x128xf32, #tpu.memory_space<vmem_shared>>)
      tpu.yield
    }) : () -> ()
    %add3A_20 = arith.constant 128 : i32
    %add3A_21 = arith.addi %mul3A_17, %add3A_20 : i32
    "tpu.region"() ({
      %run_scoped3A = tpu.sem_alloc : memref<!tpu.dma_semaphore, #tpu.memory_space<semaphore_mem>>
      %dma_start3A = arith.constant 0 : i32
      %dma_start3A_52 = arith.constant 0 : i32
      %dma_start3A_53 = tpu.memref_slice %arg11[%dma_start3A, %dma_start3A_52] : memref<256x128xf32, #tpu.memory_space<vmem>> -> memref<128x128xf32, #tpu.memory_space<vmem>>
      %dma_start3A_54 = arith.constant 0 : i32
      %dma_start3A_55 = tpu.memref_slice %arg12[%add3A_21, %dma_start3A_54] : memref<10240x128xf32, #tpu.memory_space<vmem_shared>> -> memref<128x128xf32, #tpu.memory_space<vmem_shared>>
      %dma_start3A_56 = arith.constant 0 : i32
      %dma_start3A_57 = tpu.memref_slice %arg12[%add3A_21, %dma_start3A_56] : memref<10240x128xf32, #tpu.memory_space<vmem_shared>> -> memref<128x128xf32, #tpu.memory_space<vmem_shared>>
      %dma_start3A_58 = arith.constant 0 : i32
      %dma_start3A_59 = arith.constant 0 : i32
      %dma_start3A_60 = tpu.memref_slice %arg11[%dma_start3A_58, %dma_start3A_59] : memref<256x128xf32, #tpu.memory_space<vmem>> -> memref<128x128xf32, #tpu.memory_space<vmem>>
      tpu.enqueue_dma source(%dma_start3A_60 : memref<128x128xf32, #tpu.memory_space<vmem>>) target(%dma_start3A_57 : memref<128x128xf32, #tpu.memory_space<vmem_shared>>) target_semaphore(%run_scoped3A : memref<!tpu.dma_semaphore, #tpu.memory_space<semaphore_mem>>)
      %dma_wait3A = arith.constant 0 : i32
      %dma_wait3A_61 = arith.constant 0 : i32
      %dma_wait3A_62 = tpu.memref_slice %arg11[%dma_wait3A, %dma_wait3A_61] : memref<256x128xf32, #tpu.memory_space<vmem>> -> memref<128x128xf32, #tpu.memory_space<vmem>>
      %dma_wait3A_63 = arith.constant 0 : i32
      %dma_wait3A_64 = tpu.memref_slice %arg12[%add3A_21, %dma_wait3A_63] : memref<10240x128xf32, #tpu.memory_space<vmem_shared>> -> memref<128x128xf32, #tpu.memory_space<vmem_shared>>
      %dma_wait3A_65 = arith.constant 0 : i32
      %dma_wait3A_66 = tpu.memref_slice %arg12[%add3A_21, %dma_wait3A_65] : memref<10240x128xf32, #tpu.memory_space<vmem_shared>> -> memref<128x128xf32, #tpu.memory_space<vmem_shared>>
      %dma_wait3A_67 = arith.constant 0 : i32
      %dma_wait3A_68 = arith.constant 0 : i32
      %dma_wait3A_69 = tpu.memref_slice %arg11[%dma_wait3A_67, %dma_wait3A_68] : memref<256x128xf32, #tpu.memory_space<vmem>> -> memref<128x128xf32, #tpu.memory_space<vmem>>
      tpu.wait_dma2 semaphore(%run_scoped3A : memref<!tpu.dma_semaphore, #tpu.memory_space<semaphore_mem>>) src(%dma_wait3A_69 : memref<128x128xf32, #tpu.memory_space<vmem>>) dst(%dma_wait3A_66 : memref<128x128xf32, #tpu.memory_space<vmem_shared>>)
      tpu.yield
    }) : () -> ()
    %add3A_22 = arith.constant 256 : i32
    %add3A_23 = arith.addi %mul3A_17, %add3A_22 : i32
    "tpu.region"() ({
      %run_scoped3A = tpu.sem_alloc : memref<!tpu.dma_semaphore, #tpu.memory_space<semaphore_mem>>
      %dma_start3A = arith.constant 0 : i32
      %dma_start3A_52 = arith.constant 0 : i32
      %dma_start3A_53 = tpu.memref_slice %arg11[%dma_start3A, %dma_start3A_52] : memref<256x128xf32, #tpu.memory_space<vmem>> -> memref<128x128xf32, #tpu.memory_space<vmem>>
      %dma_start3A_54 = arith.constant 0 : i32
      %dma_start3A_55 = tpu.memref_slice %arg12[%add3A_23, %dma_start3A_54] : memref<10240x128xf32, #tpu.memory_space<vmem_shared>> -> memref<128x128xf32, #tpu.memory_space<vmem_shared>>
      %dma_start3A_56 = arith.constant 0 : i32
      %dma_start3A_57 = tpu.memref_slice %arg12[%add3A_23, %dma_start3A_56] : memref<10240x128xf32, #tpu.memory_space<vmem_shared>> -> memref<128x128xf32, #tpu.memory_space<vmem_shared>>
      %dma_start3A_58 = arith.constant 0 : i32
      %dma_start3A_59 = arith.constant 0 : i32
      %dma_start3A_60 = tpu.memref_slice %arg11[%dma_start3A_58, %dma_start3A_59] : memref<256x128xf32, #tpu.memory_space<vmem>> -> memref<128x128xf32, #tpu.memory_space<vmem>>
      tpu.enqueue_dma source(%dma_start3A_60 : memref<128x128xf32, #tpu.memory_space<vmem>>) target(%dma_start3A_57 : memref<128x128xf32, #tpu.memory_space<vmem_shared>>) target_semaphore(%run_scoped3A : memref<!tpu.dma_semaphore, #tpu.memory_space<semaphore_mem>>)
      %dma_wait3A = arith.constant 0 : i32
      %dma_wait3A_61 = arith.constant 0 : i32
      %dma_wait3A_62 = tpu.memref_slice %arg11[%dma_wait3A, %dma_wait3A_61] : memref<256x128xf32, #tpu.memory_space<vmem>> -> memref<128x128xf32, #tpu.memory_space<vmem>>
      %dma_wait3A_63 = arith.constant 0 : i32
      %dma_wait3A_64 = tpu.memref_slice %arg12[%add3A_23, %dma_wait3A_63] : memref<10240x128xf32, #tpu.memory_space<vmem_shared>> -> memref<128x128xf32, #tpu.memory_space<vmem_shared>>
      %dma_wait3A_65 = arith.constant 0 : i32
      %dma_wait3A_66 = tpu.memref_slice %arg12[%add3A_23, %dma_wait3A_65] : memref<10240x128xf32, #tpu.memory_space<vmem_shared>> -> memref<128x128xf32, #tpu.memory_space<vmem_shared>>
      %dma_wait3A_67 = arith.constant 0 : i32
      %dma_wait3A_68 = arith.constant 0 : i32
      %dma_wait3A_69 = tpu.memref_slice %arg11[%dma_wait3A_67, %dma_wait3A_68] : memref<256x128xf32, #tpu.memory_space<vmem>> -> memref<128x128xf32, #tpu.memory_space<vmem>>
      tpu.wait_dma2 semaphore(%run_scoped3A : memref<!tpu.dma_semaphore, #tpu.memory_space<semaphore_mem>>) src(%dma_wait3A_69 : memref<128x128xf32, #tpu.memory_space<vmem>>) dst(%dma_wait3A_66 : memref<128x128xf32, #tpu.memory_space<vmem_shared>>)
      tpu.yield
    }) : () -> ()
    %add3A_24 = arith.constant 384 : i32
    %add3A_25 = arith.addi %mul3A_17, %add3A_24 : i32
    "tpu.region"() ({
      %run_scoped3A = tpu.sem_alloc : memref<!tpu.dma_semaphore, #tpu.memory_space<semaphore_mem>>
      %dma_start3A = arith.constant 0 : i32
      %dma_start3A_52 = arith.constant 0 : i32
      %dma_start3A_53 = tpu.memref_slice %arg11[%dma_start3A, %dma_start3A_52] : memref<256x128xf32, #tpu.memory_space<vmem>> -> memref<128x128xf32, #tpu.memory_space<vmem>>
      %dma_start3A_54 = arith.constant 0 : i32
      %dma_start3A_55 = tpu.memref_slice %arg12[%add3A_25, %dma_start3A_54] : memref<10240x128xf32, #tpu.memory_space<vmem_shared>> -> memref<128x128xf32, #tpu.memory_space<vmem_shared>>
      %dma_start3A_56 = arith.constant 0 : i32
      %dma_start3A_57 = tpu.memref_slice %arg12[%add3A_25, %dma_start3A_56] : memref<10240x128xf32, #tpu.memory_space<vmem_shared>> -> memref<128x128xf32, #tpu.memory_space<vmem_shared>>
      %dma_start3A_58 = arith.constant 0 : i32
      %dma_start3A_59 = arith.constant 0 : i32
      %dma_start3A_60 = tpu.memref_slice %arg11[%dma_start3A_58, %dma_start3A_59] : memref<256x128xf32, #tpu.memory_space<vmem>> -> memref<128x128xf32, #tpu.memory_space<vmem>>
      tpu.enqueue_dma source(%dma_start3A_60 : memref<128x128xf32, #tpu.memory_space<vmem>>) target(%dma_start3A_57 : memref<128x128xf32, #tpu.memory_space<vmem_shared>>) target_semaphore(%run_scoped3A : memref<!tpu.dma_semaphore, #tpu.memory_space<semaphore_mem>>)
      %dma_wait3A = arith.constant 0 : i32
      %dma_wait3A_61 = arith.constant 0 : i32
      %dma_wait3A_62 = tpu.memref_slice %arg11[%dma_wait3A, %dma_wait3A_61] : memref<256x128xf32, #tpu.memory_space<vmem>> -> memref<128x128xf32, #tpu.memory_space<vmem>>
      %dma_wait3A_63 = arith.constant 0 : i32
      %dma_wait3A_64 = tpu.memref_slice %arg12[%add3A_25, %dma_wait3A_63] : memref<10240x128xf32, #tpu.memory_space<vmem_shared>> -> memref<128x128xf32, #tpu.memory_space<vmem_shared>>
      %dma_wait3A_65 = arith.constant 0 : i32
      %dma_wait3A_66 = tpu.memref_slice %arg12[%add3A_25, %dma_wait3A_65] : memref<10240x128xf32, #tpu.memory_space<vmem_shared>> -> memref<128x128xf32, #tpu.memory_space<vmem_shared>>
      %dma_wait3A_67 = arith.constant 0 : i32
      %dma_wait3A_68 = arith.constant 0 : i32
      %dma_wait3A_69 = tpu.memref_slice %arg11[%dma_wait3A_67, %dma_wait3A_68] : memref<256x128xf32, #tpu.memory_space<vmem>> -> memref<128x128xf32, #tpu.memory_space<vmem>>
      tpu.wait_dma2 semaphore(%run_scoped3A : memref<!tpu.dma_semaphore, #tpu.memory_space<semaphore_mem>>) src(%dma_wait3A_69 : memref<128x128xf32, #tpu.memory_space<vmem>>) dst(%dma_wait3A_66 : memref<128x128xf32, #tpu.memory_space<vmem_shared>>)
      tpu.yield
    }) : () -> ()
    %add3A_26 = arith.constant 512 : i32
    %add3A_27 = arith.addi %mul3A_17, %add3A_26 : i32
    "tpu.region"() ({
      %run_scoped3A = tpu.sem_alloc : memref<!tpu.dma_semaphore, #tpu.memory_space<semaphore_mem>>
      %dma_start3A = arith.constant 0 : i32
      %dma_start3A_52 = arith.constant 0 : i32
      %dma_start3A_53 = tpu.memref_slice %arg11[%dma_start3A, %dma_start3A_52] : memref<256x128xf32, #tpu.memory_space<vmem>> -> memref<128x128xf32, #tpu.memory_space<vmem>>
      %dma_start3A_54 = arith.constant 0 : i32
      %dma_start3A_55 = tpu.memref_slice %arg12[%add3A_27, %dma_start3A_54] : memref<10240x128xf32, #tpu.memory_space<vmem_shared>> -> memref<128x128xf32, #tpu.memory_space<vmem_shared>>
      %dma_start3A_56 = arith.constant 0 : i32
      %dma_start3A_57 = tpu.memref_slice %arg12[%add3A_27, %dma_start3A_56] : memref<10240x128xf32, #tpu.memory_space<vmem_shared>> -> memref<128x128xf32, #tpu.memory_space<vmem_shared>>
      %dma_start3A_58 = arith.constant 0 : i32
      %dma_start3A_59 = arith.constant 0 : i32
      %dma_start3A_60 = tpu.memref_slice %arg11[%dma_start3A_58, %dma_start3A_59] : memref<256x128xf32, #tpu.memory_space<vmem>> -> memref<128x128xf32, #tpu.memory_space<vmem>>
      tpu.enqueue_dma source(%dma_start3A_60 : memref<128x128xf32, #tpu.memory_space<vmem>>) target(%dma_start3A_57 : memref<128x128xf32, #tpu.memory_space<vmem_shared>>) target_semaphore(%run_scoped3A : memref<!tpu.dma_semaphore, #tpu.memory_space<semaphore_mem>>)
      %dma_wait3A = arith.constant 0 : i32
      %dma_wait3A_61 = arith.constant 0 : i32
      %dma_wait3A_62 = tpu.memref_slice %arg11[%dma_wait3A, %dma_wait3A_61] : memref<256x128xf32, #tpu.memory_space<vmem>> -> memref<128x128xf32, #tpu.memory_space<vmem>>
      %dma_wait3A_63 = arith.constant 0 : i32
      %dma_wait3A_64 = tpu.memref_slice %arg12[%add3A_27, %dma_wait3A_63] : memref<10240x128xf32, #tpu.memory_space<vmem_shared>> -> memref<128x128xf32, #tpu.memory_space<vmem_shared>>
      %dma_wait3A_65 = arith.constant 0 : i32
      %dma_wait3A_66 = tpu.memref_slice %arg12[%add3A_27, %dma_wait3A_65] : memref<10240x128xf32, #tpu.memory_space<vmem_shared>> -> memref<128x128xf32, #tpu.memory_space<vmem_shared>>
      %dma_wait3A_67 = arith.constant 0 : i32
      %dma_wait3A_68 = arith.constant 0 : i32
      %dma_wait3A_69 = tpu.memref_slice %arg11[%dma_wait3A_67, %dma_wait3A_68] : memref<256x128xf32, #tpu.memory_space<vmem>> -> memref<128x128xf32, #tpu.memory_space<vmem>>
      tpu.wait_dma2 semaphore(%run_scoped3A : memref<!tpu.dma_semaphore, #tpu.memory_space<semaphore_mem>>) src(%dma_wait3A_69 : memref<128x128xf32, #tpu.memory_space<vmem>>) dst(%dma_wait3A_66 : memref<128x128xf32, #tpu.memory_space<vmem_shared>>)
      tpu.yield
    }) : () -> ()
    %barrier3A = arith.constant 0 : index
    tpu.barrier barrier_id(%barrier3A)
    %while3A = arith.constant 0 : i32
    %while3A_28 = arith.constant 0 : i32
    %while3A_29 = arith.subi %select_n3A_2, %while3A : i32
    %while3A_30 = arith.addi %while3A, %while3A_29 : i32
    %while3A_31 = arith.constant 1 : i32
    %while3A_32 = arith.divsi %while3A_29, %while3A_31 : i32
    %while3A_33 = arith.muli %while3A_32, %while3A_31 : i32
    %while3A_34 = arith.addi %while3A, %while3A_33 : i32
    %while3A_35 = arith.constant 1 : i32
    %while3A_36 = scf.for %while3A_52 = %while3A to %while3A_34 step %while3A_35 iter_args(%while3A_53 = %while3A_28) -> (i32)  : i32 {
      %rem3A = arith.constant 16 : i32
      %rem3A_54 = arith.remsi %while3A_52, %rem3A : i32
      %rem3A_55 = arith.constant 2 : i32
      %rem3A_56 = arith.remsi %while3A_52, %rem3A_55 : i32
      %eq3A_57 = arith.constant 0 : i32
      %eq3A_58 = arith.cmpi eq, %rem3A_54, %eq3A_57 : i32
      %convert_element_type3A_59 = arith.extui %eq3A_58 : i1 to i32
      %cond3A_60 = arith.constant 0 : i32
      %cond3A_61 = arith.cmpi ne, %convert_element_type3A_59, %cond3A_60 : i32
      scf.if %cond3A_61 {
        %gt3A_105 = arith.constant 0 : i32
        %gt3A_106 = arith.cmpi sgt, %while3A_52, %gt3A_105 : i32
        %convert_element_type3A_107 = arith.extui %gt3A_106 : i1 to i32
        %cond3A_108 = arith.constant 0 : i32
        %cond3A_109 = arith.cmpi ne, %convert_element_type3A_107, %cond3A_108 : i32
        scf.if %cond3A_109 {
          %dma_wait3A_124 = arith.constant 0 : i32
          %dma_wait3A_125 = arith.constant 0 : i32
          %dma_wait3A_126 = arith.constant 0 : i32
          %dma_wait3A_127 = tpu.memref_slice %arg11[%dma_wait3A_125, %dma_wait3A_126] : memref<256x128xf32, #tpu.memory_space<vmem>> -> memref<128x128xf32, #tpu.memory_space<vmem>>
          %dma_wait3A_128 = arith.constant 0 : i32
          %dma_wait3A_129 = tpu.memref_slice %arg9[%dma_wait3A_124, %dma_wait3A_128] : memref<16x128xi32, #tpu.memory_space<vmem>> -> memref<1x128xi32, #tpu.memory_space<vmem>>
          %dma_wait3A_130 = tpu.memref_squeeze %dma_wait3A_129 : memref<1x128xi32, #tpu.memory_space<vmem>> -> memref<128xi32, #tpu.memory_space<vmem>>
          %dma_wait3A_131 = arith.constant 0 : i32
          %dma_wait3A_132 = arith.constant 0 : i32
          %dma_wait3A_133 = tpu.memref_slice %arg12[%dma_wait3A_131, %dma_wait3A_132] : memref<10240x128xf32, #tpu.memory_space<vmem_shared>> -> memref<10240x128xf32, #tpu.memory_space<vmem_shared>>
          tpu.wait_indirect_dma semaphore(%arg14 : memref<!tpu.dma_semaphore, #tpu.memory_space<semaphore_mem>>) src(%dma_wait3A_127 : memref<128x128xf32, #tpu.memory_space<vmem>>) dst(%dma_wait3A_133 : memref<10240x128xf32, #tpu.memory_space<vmem_shared>>)
        } else {
        }
        %div3A = arith.constant 16 : i32
        %div3A_110 = arith.divsi %while3A_52, %div3A : i32
        %mul3A_111 = arith.constant 16 : i32
        %mul3A_112 = arith.muli %div3A_110, %mul3A_111 : i32
        %add3A_113 = arith.addi %select_n3A_9, %mul3A_112 : i32
        %mul3A_114 = arith.constant 128 : i32
        %mul3A_115 = arith.muli %add3A_113, %mul3A_114 : i32
        "tpu.region"() ({
          %run_scoped3A = tpu.sem_alloc : memref<!tpu.dma_semaphore, #tpu.memory_space<semaphore_mem>>
          %dma_start3A_124 = tpu.memref_slice %arg3[%mul3A_115] : memref<329728xi32, #tpu.memory_space<hbm>> -> memref<2048xi32, #tpu.memory_space<hbm>>
          %dma_start3A_125 = tpu.memref_slice %arg3[%mul3A_115] : memref<329728xi32, #tpu.memory_space<hbm>> -> memref<2048xi32, #tpu.memory_space<hbm>>
          tpu.enqueue_dma source(%dma_start3A_125 : memref<2048xi32, #tpu.memory_space<hbm>>) target(%arg8 : memref<2048xi32, #tpu.memory_space<vmem>>) target_semaphore(%run_scoped3A : memref<!tpu.dma_semaphore, #tpu.memory_space<semaphore_mem>>)
          %dma_wait3A_126 = tpu.memref_slice %arg3[%mul3A_115] : memref<329728xi32, #tpu.memory_space<hbm>> -> memref<2048xi32, #tpu.memory_space<hbm>>
          %dma_wait3A_127 = tpu.memref_slice %arg3[%mul3A_115] : memref<329728xi32, #tpu.memory_space<hbm>> -> memref<2048xi32, #tpu.memory_space<hbm>>
          tpu.wait_dma2 semaphore(%run_scoped3A : memref<!tpu.dma_semaphore, #tpu.memory_space<semaphore_mem>>) src(%dma_wait3A_127 : memref<2048xi32, #tpu.memory_space<hbm>>) dst(%arg8 : memref<2048xi32, #tpu.memory_space<vmem>>)
          tpu.yield
        }) : () -> ()
        "tpu.region"() ({
          %run_scoped3A = tpu.sem_alloc : memref<!tpu.dma_semaphore, #tpu.memory_space<semaphore_mem>>
          %dma_start3A_124 = arith.constant 0 : i32
          %dma_start3A_125 = tpu.memref_slice %arg4[%add3A_113, %dma_start3A_124] : memref<2576x128xi32, #tpu.memory_space<hbm>> -> memref<16x128xi32, #tpu.memory_space<hbm>>
          %dma_start3A_126 = arith.constant 0 : i32
          %dma_start3A_127 = tpu.memref_slice %arg4[%add3A_113, %dma_start3A_126] : memref<2576x128xi32, #tpu.memory_space<hbm>> -> memref<16x128xi32, #tpu.memory_space<hbm>>
          tpu.enqueue_dma source(%dma_start3A_127 : memref<16x128xi32, #tpu.memory_space<hbm>>) target(%arg9 : memref<16x128xi32, #tpu.memory_space<vmem>>) target_semaphore(%run_scoped3A : memref<!tpu.dma_semaphore, #tpu.memory_space<semaphore_mem>>)
          %dma_wait3A_128 = arith.constant 0 : i32
          %dma_wait3A_129 = tpu.memref_slice %arg4[%add3A_113, %dma_wait3A_128] : memref<2576x128xi32, #tpu.memory_space<hbm>> -> memref<16x128xi32, #tpu.memory_space<hbm>>
          %dma_wait3A_130 = arith.constant 0 : i32
          %dma_wait3A_131 = tpu.memref_slice %arg4[%add3A_113, %dma_wait3A_130] : memref<2576x128xi32, #tpu.memory_space<hbm>> -> memref<16x128xi32, #tpu.memory_space<hbm>>
          tpu.wait_dma2 semaphore(%run_scoped3A : memref<!tpu.dma_semaphore, #tpu.memory_space<semaphore_mem>>) src(%dma_wait3A_131 : memref<16x128xi32, #tpu.memory_space<hbm>>) dst(%arg9 : memref<16x128xi32, #tpu.memory_space<vmem>>)
          tpu.yield
        }) : () -> ()
        %mul3A_116 = arith.constant 128 : i32
        %mul3A_117 = arith.muli %add3A_113, %mul3A_116 : i32
        "tpu.region"() ({
          %run_scoped3A = tpu.sem_alloc : memref<!tpu.dma_semaphore, #tpu.memory_space<semaphore_mem>>
          %dma_start3A_124 = tpu.memref_slice %arg5[%mul3A_117] : memref<329728xf32, #tpu.memory_space<hbm>> -> memref<2048xf32, #tpu.memory_space<hbm>>
          %dma_start3A_125 = tpu.memref_slice %arg5[%mul3A_117] : memref<329728xf32, #tpu.memory_space<hbm>> -> memref<2048xf32, #tpu.memory_space<hbm>>
          tpu.enqueue_dma source(%dma_start3A_125 : memref<2048xf32, #tpu.memory_space<hbm>>) target(%arg10 : memref<2048xf32, #tpu.memory_space<vmem>>) target_semaphore(%run_scoped3A : memref<!tpu.dma_semaphore, #tpu.memory_space<semaphore_mem>>)
          %dma_wait3A_126 = tpu.memref_slice %arg5[%mul3A_117] : memref<329728xf32, #tpu.memory_space<hbm>> -> memref<2048xf32, #tpu.memory_space<hbm>>
          %dma_wait3A_127 = tpu.memref_slice %arg5[%mul3A_117] : memref<329728xf32, #tpu.memory_space<hbm>> -> memref<2048xf32, #tpu.memory_space<hbm>>
          tpu.wait_dma2 semaphore(%run_scoped3A : memref<!tpu.dma_semaphore, #tpu.memory_space<semaphore_mem>>) src(%dma_wait3A_127 : memref<2048xf32, #tpu.memory_space<hbm>>) dst(%arg10 : memref<2048xf32, #tpu.memory_space<vmem>>)
          tpu.yield
        }) : () -> ()
        %add3A_118 = arith.constant 0 : i32
        %add3A_119 = arith.addi %while3A_52, %add3A_118 : i32
        %lt3A_120 = arith.cmpi slt, %add3A_119, %select_n3A_2 : i32
        %convert_element_type3A_121 = arith.extui %lt3A_120 : i1 to i32
        %cond3A_122 = arith.constant 0 : i32
        %cond3A_123 = arith.cmpi ne, %convert_element_type3A_121, %cond3A_122 : i32
        scf.if %cond3A_123 {
          %add3A_124 = arith.constant 0 : i32
          %add3A_125 = arith.addi %while3A_52, %add3A_124 : i32
          %rem3A_126 = arith.constant 2 : i32
          %rem3A_127 = arith.remsi %add3A_125, %rem3A_126 : i32
          %mul3A_128 = arith.constant 128 : i32
          %mul3A_129 = arith.muli %rem3A_127, %mul3A_128 : i32
          %dma_start3A_130 = arith.constant 0 : i32
          %dma_start3A_131 = tpu.memref_slice %arg11[%mul3A_129, %dma_start3A_130] : memref<256x128xf32, #tpu.memory_space<vmem>> -> memref<128x128xf32, #tpu.memory_space<vmem>>
          %dma_start3A_132 = arith.constant 0 : i32
          %dma_start3A_133 = tpu.memref_slice %arg8[%dma_start3A_132] : memref<2048xi32, #tpu.memory_space<vmem>> -> memref<128xi32, #tpu.memory_space<vmem>>
          %dma_start3A_134 = arith.constant 0 : i32
          %dma_start3A_135 = arith.constant 0 : i32
          %dma_start3A_136 = tpu.memref_slice %arg2[%dma_start3A_134, %dma_start3A_135] : memref<10000x128xf32, #tpu.memory_space<hbm>> -> memref<10000x128xf32, #tpu.memory_space<hbm>>
          tpu.enqueue_indirect_dma source(%dma_start3A_136 : memref<10000x128xf32, #tpu.memory_space<hbm>>) target(%dma_start3A_131 : memref<128x128xf32, #tpu.memory_space<vmem>>) offsets(%dma_start3A_133 : memref<128xi32, #tpu.memory_space<vmem>>) semaphore(%arg13 : memref<!tpu.dma_semaphore, #tpu.memory_space<semaphore_mem>>)
        } else {
        }
      } else {
      }
      %dma_wait3A = arith.constant 0 : i32
      %dma_wait3A_62 = arith.constant 0 : i32
      %dma_wait3A_63 = tpu.memref_slice %arg11[%dma_wait3A, %dma_wait3A_62] : memref<256x128xf32, #tpu.memory_space<vmem>> -> memref<128x128xf32, #tpu.memory_space<vmem>>
      %dma_wait3A_64 = arith.constant 0 : i32
      %dma_wait3A_65 = tpu.memref_slice %arg8[%dma_wait3A_64] : memref<2048xi32, #tpu.memory_space<vmem>> -> memref<128xi32, #tpu.memory_space<vmem>>
      %dma_wait3A_66 = arith.constant 0 : i32
      %dma_wait3A_67 = arith.constant 0 : i32
      %dma_wait3A_68 = tpu.memref_slice %arg2[%dma_wait3A_66, %dma_wait3A_67] : memref<10000x128xf32, #tpu.memory_space<hbm>> -> memref<10000x128xf32, #tpu.memory_space<hbm>>
      tpu.wait_indirect_dma semaphore(%arg13 : memref<!tpu.dma_semaphore, #tpu.memory_space<semaphore_mem>>) src(%dma_wait3A_68 : memref<10000x128xf32, #tpu.memory_space<hbm>>) dst(%dma_wait3A_63 : memref<128x128xf32, #tpu.memory_space<vmem>>)
      %ne3A = arith.constant 0 : i32
      %ne3A_69 = arith.cmpi ne, %rem3A_54, %ne3A : i32
      %gt3A_70 = arith.constant 0 : i32
      %gt3A_71 = arith.cmpi sgt, %while3A_52, %gt3A_70 : i32
      %and3A = arith.andi %ne3A_69, %gt3A_71 : i1
      %convert_element_type3A_72 = arith.extui %and3A : i1 to i32
      %cond3A_73 = arith.constant 0 : i32
      %cond3A_74 = arith.cmpi ne, %convert_element_type3A_72, %cond3A_73 : i32
      scf.if %cond3A_74 {
        %dma_wait3A_105 = arith.constant 0 : i32
        %dma_wait3A_106 = arith.constant 0 : i32
        %dma_wait3A_107 = arith.constant 0 : i32
        %dma_wait3A_108 = tpu.memref_slice %arg11[%dma_wait3A_106, %dma_wait3A_107] : memref<256x128xf32, #tpu.memory_space<vmem>> -> memref<128x128xf32, #tpu.memory_space<vmem>>
        %dma_wait3A_109 = arith.constant 0 : i32
        %dma_wait3A_110 = tpu.memref_slice %arg9[%dma_wait3A_105, %dma_wait3A_109] : memref<16x128xi32, #tpu.memory_space<vmem>> -> memref<1x128xi32, #tpu.memory_space<vmem>>
        %dma_wait3A_111 = tpu.memref_squeeze %dma_wait3A_110 : memref<1x128xi32, #tpu.memory_space<vmem>> -> memref<128xi32, #tpu.memory_space<vmem>>
        %dma_wait3A_112 = arith.constant 0 : i32
        %dma_wait3A_113 = arith.constant 0 : i32
        %dma_wait3A_114 = tpu.memref_slice %arg12[%dma_wait3A_112, %dma_wait3A_113] : memref<10240x128xf32, #tpu.memory_space<vmem_shared>> -> memref<10240x128xf32, #tpu.memory_space<vmem_shared>>
        tpu.wait_indirect_dma semaphore(%arg14 : memref<!tpu.dma_semaphore, #tpu.memory_space<semaphore_mem>>) src(%dma_wait3A_108 : memref<128x128xf32, #tpu.memory_space<vmem>>) dst(%dma_wait3A_114 : memref<10240x128xf32, #tpu.memory_space<vmem_shared>>)
      } else {
      }
      %add3A_75 = arith.constant 2 : i32
      %add3A_76 = arith.addi %rem3A_54, %add3A_75 : i32
      %sub3A = arith.constant 1 : i32
      %sub3A_77 = arith.subi %add3A_76, %sub3A : i32
      %lt3A = arith.constant 16 : i32
      %lt3A_78 = arith.cmpi slt, %sub3A_77, %lt3A : i32
      %add3A_79 = arith.constant 2 : i32
      %add3A_80 = arith.addi %while3A_52, %add3A_79 : i32
      %sub3A_81 = arith.constant 1 : i32
      %sub3A_82 = arith.subi %add3A_80, %sub3A_81 : i32
      %lt3A_83 = arith.cmpi slt, %sub3A_82, %select_n3A_2 : i32
      %and3A_84 = arith.andi %lt3A_78, %lt3A_83 : i1
      %convert_element_type3A_85 = arith.extui %and3A_84 : i1 to i32
      %cond3A_86 = arith.constant 0 : i32
      %cond3A_87 = arith.cmpi ne, %convert_element_type3A_85, %cond3A_86 : i32
      scf.if %cond3A_87 {
        %add3A_105 = arith.constant 2 : i32
        %add3A_106 = arith.addi %rem3A_54, %add3A_105 : i32
        %sub3A_107 = arith.constant 1 : i32
        %sub3A_108 = arith.subi %add3A_106, %sub3A_107 : i32
        %add3A_109 = arith.constant 2 : i32
        %add3A_110 = arith.addi %while3A_52, %add3A_109 : i32
        %sub3A_111 = arith.constant 1 : i32
        %sub3A_112 = arith.subi %add3A_110, %sub3A_111 : i32
        %rem3A_113 = arith.constant 2 : i32
        %rem3A_114 = arith.remsi %sub3A_112, %rem3A_113 : i32
        %mul3A_115 = arith.constant 128 : i32
        %mul3A_116 = arith.muli %sub3A_108, %mul3A_115 : i32
        %mul3A_117 = arith.constant 128 : i32
        %mul3A_118 = arith.muli %rem3A_114, %mul3A_117 : i32
        %dma_start3A_119 = arith.constant 0 : i32
        %dma_start3A_120 = tpu.memref_slice %arg11[%mul3A_118, %dma_start3A_119] : memref<256x128xf32, #tpu.memory_space<vmem>> -> memref<128x128xf32, #tpu.memory_space<vmem>>
        %dma_start3A_121 = tpu.memref_slice %arg8[%mul3A_116] : memref<2048xi32, #tpu.memory_space<vmem>> -> memref<128xi32, #tpu.memory_space<vmem>>
        %dma_start3A_122 = arith.constant 0 : i32
        %dma_start3A_123 = arith.constant 0 : i32
        %dma_start3A_124 = tpu.memref_slice %arg2[%dma_start3A_122, %dma_start3A_123] : memref<10000x128xf32, #tpu.memory_space<hbm>> -> memref<10000x128xf32, #tpu.memory_space<hbm>>
        tpu.enqueue_indirect_dma source(%dma_start3A_124 : memref<10000x128xf32, #tpu.memory_space<hbm>>) target(%dma_start3A_120 : memref<128x128xf32, #tpu.memory_space<vmem>>) offsets(%dma_start3A_121 : memref<128xi32, #tpu.memory_space<vmem>>) semaphore(%arg13 : memref<!tpu.dma_semaphore, #tpu.memory_space<semaphore_mem>>)
      } else {
      }
      %scan3A_88 = arith.constant 0 : i32
      %scan3A_89 = arith.constant 0 : i32
      %scan3A_90 = arith.constant 128 : i32
      %scan3A_91 = arith.addi %scan3A_89, %scan3A_90 : i32
      %scan3A_92 = arith.constant 4 : i32
      %scan3A_93 = scf.for %scan3A_105 = %scan3A_89 to %scan3A_91 step %scan3A_92 iter_args(%scan3A_106 = %scan3A_88) -> (i32)  : i32 {
        %mul3A_107 = arith.constant 128 : i32
        %mul3A_108 = arith.muli %rem3A_54, %mul3A_107 : i32
        %add3A_109 = arith.addi %mul3A_108, %scan3A_105 : i32
        %broadcast_in_dim3A = vector.broadcast %add3A_109 : i32 to vector<16xi32>
        %gather3A = tpu.vector_load_idx %arg10[%broadcast_in_dim3A] : memref<2048xf32, #tpu.memory_space<vmem>>[vector<16xi32>], vector<16xf32>,
        %mul3A_110 = arith.constant 128 : i32
        %mul3A_111 = arith.muli %rem3A_56, %mul3A_110 : i32
        %add3A_112 = arith.addi %mul3A_111, %scan3A_105 : i32
        %get3A = arith.index_cast %add3A_112 : i32 to index
        %get3A_113 = arith.constant 0 : index
        %get3A_114 = tpu.vector_load %arg11[%get3A, %get3A_113] {strides = array<i32>} : memref<256x128xf32, #tpu.memory_space<vmem>>, vector<16xf32>,
        %mul3A_115 = arith.mulf %get3A_114, %gather3A : vector<16xf32>
        %swap3A = arith.index_cast %add3A_112 : i32 to index
        %swap3A_116 = arith.constant 0 : index
        %swap3A_117 = tpu.vector_load %arg11[%swap3A, %swap3A_116] {strides = array<i32>} : memref<256x128xf32, #tpu.memory_space<vmem>>, vector<16xf32>,
        tpu.vector_store %arg11[%swap3A, %swap3A_116], %mul3A_115 {strides = array<i32>} : memref<256x128xf32, #tpu.memory_space<vmem>>, vector<16xf32>,
        %get3A_118 = arith.index_cast %add3A_112 : i32 to index
        %get3A_119 = arith.constant 16 : index
        %get3A_120 = tpu.vector_load %arg11[%get3A_118, %get3A_119] {strides = array<i32>} : memref<256x128xf32, #tpu.memory_space<vmem>>, vector<16xf32>,
        %mul3A_121 = arith.mulf %get3A_120, %gather3A : vector<16xf32>
        %swap3A_122 = arith.index_cast %add3A_112 : i32 to index
        %swap3A_123 = arith.constant 16 : index
        %swap3A_124 = tpu.vector_load %arg11[%swap3A_122, %swap3A_123] {strides = array<i32>} : memref<256x128xf32, #tpu.memory_space<vmem>>, vector<16xf32>,
        tpu.vector_store %arg11[%swap3A_122, %swap3A_123], %mul3A_121 {strides = array<i32>} : memref<256x128xf32, #tpu.memory_space<vmem>>, vector<16xf32>,
        %get3A_125 = arith.index_cast %add3A_112 : i32 to index
        %get3A_126 = arith.constant 32 : index
        %get3A_127 = tpu.vector_load %arg11[%get3A_125, %get3A_126] {strides = array<i32>} : memref<256x128xf32, #tpu.memory_space<vmem>>, vector<16xf32>,
        %mul3A_128 = arith.mulf %get3A_127, %gather3A : vector<16xf32>
        %swap3A_129 = arith.index_cast %add3A_112 : i32 to index
        %swap3A_130 = arith.constant 32 : index
        %swap3A_131 = tpu.vector_load %arg11[%swap3A_129, %swap3A_130] {strides = array<i32>} : memref<256x128xf32, #tpu.memory_space<vmem>>, vector<16xf32>,
        tpu.vector_store %arg11[%swap3A_129, %swap3A_130], %mul3A_128 {strides = array<i32>} : memref<256x128xf32, #tpu.memory_space<vmem>>, vector<16xf32>,
        %get3A_132 = arith.index_cast %add3A_112 : i32 to index
        %get3A_133 = arith.constant 48 : index
        %get3A_134 = tpu.vector_load %arg11[%get3A_132, %get3A_133] {strides = array<i32>} : memref<256x128xf32, #tpu.memory_space<vmem>>, vector<16xf32>,
        %mul3A_135 = arith.mulf %get3A_134, %gather3A : vector<16xf32>
        %swap3A_136 = arith.index_cast %add3A_112 : i32 to index
        %swap3A_137 = arith.constant 48 : index
        %swap3A_138 = tpu.vector_load %arg11[%swap3A_136, %swap3A_137] {strides = array<i32>} : memref<256x128xf32, #tpu.memory_space<vmem>>, vector<16xf32>,
        tpu.vector_store %arg11[%swap3A_136, %swap3A_137], %mul3A_135 {strides = array<i32>} : memref<256x128xf32, #tpu.memory_space<vmem>>, vector<16xf32>,
        %get3A_139 = arith.index_cast %add3A_112 : i32 to index
        %get3A_140 = arith.constant 64 : index
        %get3A_141 = tpu.vector_load %arg11[%get3A_139, %get3A_140] {strides = array<i32>} : memref<256x128xf32, #tpu.memory_space<vmem>>, vector<16xf32>,
        %mul3A_142 = arith.mulf %get3A_141, %gather3A : vector<16xf32>
        %swap3A_143 = arith.index_cast %add3A_112 : i32 to index
        %swap3A_144 = arith.constant 64 : index
        %swap3A_145 = tpu.vector_load %arg11[%swap3A_143, %swap3A_144] {strides = array<i32>} : memref<256x128xf32, #tpu.memory_space<vmem>>, vector<16xf32>,
        tpu.vector_store %arg11[%swap3A_143, %swap3A_144], %mul3A_142 {strides = array<i32>} : memref<256x128xf32, #tpu.memory_space<vmem>>, vector<16xf32>,
        %get3A_146 = arith.index_cast %add3A_112 : i32 to index
        %get3A_147 = arith.constant 80 : index
        %get3A_148 = tpu.vector_load %arg11[%get3A_146, %get3A_147] {strides = array<i32>} : memref<256x128xf32, #tpu.memory_space<vmem>>, vector<16xf32>,
        %mul3A_149 = arith.mulf %get3A_148, %gather3A : vector<16xf32>
        %swap3A_150 = arith.index_cast %add3A_112 : i32 to index
        %swap3A_151 = arith.constant 80 : index
        %swap3A_152 = tpu.vector_load %arg11[%swap3A_150, %swap3A_151] {strides = array<i32>} : memref<256x128xf32, #tpu.memory_space<vmem>>, vector<16xf32>,
        tpu.vector_store %arg11[%swap3A_150, %swap3A_151], %mul3A_149 {strides = array<i32>} : memref<256x128xf32, #tpu.memory_space<vmem>>, vector<16xf32>,
        %get3A_153 = arith.index_cast %add3A_112 : i32 to index
        %get3A_154 = arith.constant 96 : index
        %get3A_155 = tpu.vector_load %arg11[%get3A_153, %get3A_154] {strides = array<i32>} : memref<256x128xf32, #tpu.memory_space<vmem>>, vector<16xf32>,
        %mul3A_156 = arith.mulf %get3A_155, %gather3A : vector<16xf32>
        %swap3A_157 = arith.index_cast %add3A_112 : i32 to index
        %swap3A_158 = arith.constant 96 : index
        %swap3A_159 = tpu.vector_load %arg11[%swap3A_157, %swap3A_158] {strides = array<i32>} : memref<256x128xf32, #tpu.memory_space<vmem>>, vector<16xf32>,
        tpu.vector_store %arg11[%swap3A_157, %swap3A_158], %mul3A_156 {strides = array<i32>} : memref<256x128xf32, #tpu.memory_space<vmem>>, vector<16xf32>,
        %get3A_160 = arith.index_cast %add3A_112 : i32 to index
        %get3A_161 = arith.constant 112 : index
        %get3A_162 = tpu.vector_load %arg11[%get3A_160, %get3A_161] {strides = array<i32>} : memref<256x128xf32, #tpu.memory_space<vmem>>, vector<16xf32>,
        %mul3A_163 = arith.mulf %get3A_162, %gather3A : vector<16xf32>
        %swap3A_164 = arith.index_cast %add3A_112 : i32 to index
        %swap3A_165 = arith.constant 112 : index
        %swap3A_166 = tpu.vector_load %arg11[%swap3A_164, %swap3A_165] {strides = array<i32>} : memref<256x128xf32, #tpu.memory_space<vmem>>, vector<16xf32>,
        tpu.vector_store %arg11[%swap3A_164, %swap3A_165], %mul3A_163 {strides = array<i32>} : memref<256x128xf32, #tpu.memory_space<vmem>>, vector<16xf32>,
        %scan3A_167 = arith.constant 0 : i32
        %scan3A_168 = arith.constant 1 : i32
        %scan3A_169 = arith.addi %scan3A_105, %scan3A_168 : i32
        %mul3A_170 = arith.constant 128 : i32
        %mul3A_171 = arith.muli %rem3A_54, %mul3A_170 : i32
        %add3A_172 = arith.addi %mul3A_171, %scan3A_169 : i32
        %broadcast_in_dim3A_173 = vector.broadcast %add3A_172 : i32 to vector<16xi32>
        %gather3A_174 = tpu.vector_load_idx %arg10[%broadcast_in_dim3A_173] : memref<2048xf32, #tpu.memory_space<vmem>>[vector<16xi32>], vector<16xf32>,
        %mul3A_175 = arith.constant 128 : i32
        %mul3A_176 = arith.muli %rem3A_56, %mul3A_175 : i32
        %add3A_177 = arith.addi %mul3A_176, %scan3A_169 : i32
        %get3A_178 = arith.index_cast %add3A_177 : i32 to index
        %get3A_179 = arith.constant 0 : index
        %get3A_180 = tpu.vector_load %arg11[%get3A_178, %get3A_179] {strides = array<i32>} : memref<256x128xf32, #tpu.memory_space<vmem>>, vector<16xf32>,
        %mul3A_181 = arith.mulf %get3A_180, %gather3A_174 : vector<16xf32>
        %swap3A_182 = arith.index_cast %add3A_177 : i32 to index
        %swap3A_183 = arith.constant 0 : index
        %swap3A_184 = tpu.vector_load %arg11[%swap3A_182, %swap3A_183] {strides = array<i32>} : memref<256x128xf32, #tpu.memory_space<vmem>>, vector<16xf32>,
        tpu.vector_store %arg11[%swap3A_182, %swap3A_183], %mul3A_181 {strides = array<i32>} : memref<256x128xf32, #tpu.memory_space<vmem>>, vector<16xf32>,
        %get3A_185 = arith.index_cast %add3A_177 : i32 to index
        %get3A_186 = arith.constant 16 : index
        %get3A_187 = tpu.vector_load %arg11[%get3A_185, %get3A_186] {strides = array<i32>} : memref<256x128xf32, #tpu.memory_space<vmem>>, vector<16xf32>,
        %mul3A_188 = arith.mulf %get3A_187, %gather3A_174 : vector<16xf32>
        %swap3A_189 = arith.index_cast %add3A_177 : i32 to index
        %swap3A_190 = arith.constant 16 : index
        %swap3A_191 = tpu.vector_load %arg11[%swap3A_189, %swap3A_190] {strides = array<i32>} : memref<256x128xf32, #tpu.memory_space<vmem>>, vector<16xf32>,
        tpu.vector_store %arg11[%swap3A_189, %swap3A_190], %mul3A_188 {strides = array<i32>} : memref<256x128xf32, #tpu.memory_space<vmem>>, vector<16xf32>,
        %get3A_192 = arith.index_cast %add3A_177 : i32 to index
        %get3A_193 = arith.constant 32 : index
        %get3A_194 = tpu.vector_load %arg11[%get3A_192, %get3A_193] {strides = array<i32>} : memref<256x128xf32, #tpu.memory_space<vmem>>, vector<16xf32>,
        %mul3A_195 = arith.mulf %get3A_194, %gather3A_174 : vector<16xf32>
        %swap3A_196 = arith.index_cast %add3A_177 : i32 to index
        %swap3A_197 = arith.constant 32 : index
        %swap3A_198 = tpu.vector_load %arg11[%swap3A_196, %swap3A_197] {strides = array<i32>} : memref<256x128xf32, #tpu.memory_space<vmem>>, vector<16xf32>,
        tpu.vector_store %arg11[%swap3A_196, %swap3A_197], %mul3A_195 {strides = array<i32>} : memref<256x128xf32, #tpu.memory_space<vmem>>, vector<16xf32>,
        %get3A_199 = arith.index_cast %add3A_177 : i32 to index
        %get3A_200 = arith.constant 48 : index
        %get3A_201 = tpu.vector_load %arg11[%get3A_199, %get3A_200] {strides = array<i32>} : memref<256x128xf32, #tpu.memory_space<vmem>>, vector<16xf32>,
        %mul3A_202 = arith.mulf %get3A_201, %gather3A_174 : vector<16xf32>
        %swap3A_203 = arith.index_cast %add3A_177 : i32 to index
        %swap3A_204 = arith.constant 48 : index
        %swap3A_205 = tpu.vector_load %arg11[%swap3A_203, %swap3A_204] {strides = array<i32>} : memref<256x128xf32, #tpu.memory_space<vmem>>, vector<16xf32>,
        tpu.vector_store %arg11[%swap3A_203, %swap3A_204], %mul3A_202 {strides = array<i32>} : memref<256x128xf32, #tpu.memory_space<vmem>>, vector<16xf32>,
        %get3A_206 = arith.index_cast %add3A_177 : i32 to index
        %get3A_207 = arith.constant 64 : index
        %get3A_208 = tpu.vector_load %arg11[%get3A_206, %get3A_207] {strides = array<i32>} : memref<256x128xf32, #tpu.memory_space<vmem>>, vector<16xf32>,
        %mul3A_209 = arith.mulf %get3A_208, %gather3A_174 : vector<16xf32>
        %swap3A_210 = arith.index_cast %add3A_177 : i32 to index
        %swap3A_211 = arith.constant 64 : index
        %swap3A_212 = tpu.vector_load %arg11[%swap3A_210, %swap3A_211] {strides = array<i32>} : memref<256x128xf32, #tpu.memory_space<vmem>>, vector<16xf32>,
        tpu.vector_store %arg11[%swap3A_210, %swap3A_211], %mul3A_209 {strides = array<i32>} : memref<256x128xf32, #tpu.memory_space<vmem>>, vector<16xf32>,
        %get3A_213 = arith.index_cast %add3A_177 : i32 to index
        %get3A_214 = arith.constant 80 : index
        %get3A_215 = tpu.vector_load %arg11[%get3A_213, %get3A_214] {strides = array<i32>} : memref<256x128xf32, #tpu.memory_space<vmem>>, vector<16xf32>,
        %mul3A_216 = arith.mulf %get3A_215, %gather3A_174 : vector<16xf32>
        %swap3A_217 = arith.index_cast %add3A_177 : i32 to index
        %swap3A_218 = arith.constant 80 : index
        %swap3A_219 = tpu.vector_load %arg11[%swap3A_217, %swap3A_218] {strides = array<i32>} : memref<256x128xf32, #tpu.memory_space<vmem>>, vector<16xf32>,
        tpu.vector_store %arg11[%swap3A_217, %swap3A_218], %mul3A_216 {strides = array<i32>} : memref<256x128xf32, #tpu.memory_space<vmem>>, vector<16xf32>,
        %get3A_220 = arith.index_cast %add3A_177 : i32 to index
        %get3A_221 = arith.constant 96 : index
        %get3A_222 = tpu.vector_load %arg11[%get3A_220, %get3A_221] {strides = array<i32>} : memref<256x128xf32, #tpu.memory_space<vmem>>, vector<16xf32>,
        %mul3A_223 = arith.mulf %get3A_222, %gather3A_174 : vector<16xf32>
        %swap3A_224 = arith.index_cast %add3A_177 : i32 to index
        %swap3A_225 = arith.constant 96 : index
        %swap3A_226 = tpu.vector_load %arg11[%swap3A_224, %swap3A_225] {strides = array<i32>} : memref<256x128xf32, #tpu.memory_space<vmem>>, vector<16xf32>,
        tpu.vector_store %arg11[%swap3A_224, %swap3A_225], %mul3A_223 {strides = array<i32>} : memref<256x128xf32, #tpu.memory_space<vmem>>, vector<16xf32>,
        %get3A_227 = arith.index_cast %add3A_177 : i32 to index
        %get3A_228 = arith.constant 112 : index
        %get3A_229 = tpu.vector_load %arg11[%get3A_227, %get3A_228] {strides = array<i32>} : memref<256x128xf32, #tpu.memory_space<vmem>>, vector<16xf32>,
        %mul3A_230 = arith.mulf %get3A_229, %gather3A_174 : vector<16xf32>
        %swap3A_231 = arith.index_cast %add3A_177 : i32 to index
        %swap3A_232 = arith.constant 112 : index
        %swap3A_233 = tpu.vector_load %arg11[%swap3A_231, %swap3A_232] {strides = array<i32>} : memref<256x128xf32, #tpu.memory_space<vmem>>, vector<16xf32>,
        tpu.vector_store %arg11[%swap3A_231, %swap3A_232], %mul3A_230 {strides = array<i32>} : memref<256x128xf32, #tpu.memory_space<vmem>>, vector<16xf32>,
        %scan3A_234 = arith.constant 0 : i32
        %scan3A_235 = arith.constant 2 : i32
        %scan3A_236 = arith.addi %scan3A_105, %scan3A_235 : i32
        %mul3A_237 = arith.constant 128 : i32
        %mul3A_238 = arith.muli %rem3A_54, %mul3A_237 : i32
        %add3A_239 = arith.addi %mul3A_238, %scan3A_236 : i32
        %broadcast_in_dim3A_240 = vector.broadcast %add3A_239 : i32 to vector<16xi32>
        %gather3A_241 = tpu.vector_load_idx %arg10[%broadcast_in_dim3A_240] : memref<2048xf32, #tpu.memory_space<vmem>>[vector<16xi32>], vector<16xf32>,
        %mul3A_242 = arith.constant 128 : i32
        %mul3A_243 = arith.muli %rem3A_56, %mul3A_242 : i32
        %add3A_244 = arith.addi %mul3A_243, %scan3A_236 : i32
        %get3A_245 = arith.index_cast %add3A_244 : i32 to index
        %get3A_246 = arith.constant 0 : index
        %get3A_247 = tpu.vector_load %arg11[%get3A_245, %get3A_246] {strides = array<i32>} : memref<256x128xf32, #tpu.memory_space<vmem>>, vector<16xf32>,
        %mul3A_248 = arith.mulf %get3A_247, %gather3A_241 : vector<16xf32>
        %swap3A_249 = arith.index_cast %add3A_244 : i32 to index
        %swap3A_250 = arith.constant 0 : index
        %swap3A_251 = tpu.vector_load %arg11[%swap3A_249, %swap3A_250] {strides = array<i32>} : memref<256x128xf32, #tpu.memory_space<vmem>>, vector<16xf32>,
        tpu.vector_store %arg11[%swap3A_249, %swap3A_250], %mul3A_248 {strides = array<i32>} : memref<256x128xf32, #tpu.memory_space<vmem>>, vector<16xf32>,
        %get3A_252 = arith.index_cast %add3A_244 : i32 to index
        %get3A_253 = arith.constant 16 : index
        %get3A_254 = tpu.vector_load %arg11[%get3A_252, %get3A_253] {strides = array<i32>} : memref<256x128xf32, #tpu.memory_space<vmem>>, vector<16xf32>,
        %mul3A_255 = arith.mulf %get3A_254, %gather3A_241 : vector<16xf32>
        %swap3A_256 = arith.index_cast %add3A_244 : i32 to index
        %swap3A_257 = arith.constant 16 : index
        %swap3A_258 = tpu.vector_load %arg11[%swap3A_256, %swap3A_257] {strides = array<i32>} : memref<256x128xf32, #tpu.memory_space<vmem>>, vector<16xf32>,
        tpu.vector_store %arg11[%swap3A_256, %swap3A_257], %mul3A_255 {strides = array<i32>} : memref<256x128xf32, #tpu.memory_space<vmem>>, vector<16xf32>,
        %get3A_259 = arith.index_cast %add3A_244 : i32 to index
        %get3A_260 = arith.constant 32 : index
        %get3A_261 = tpu.vector_load %arg11[%get3A_259, %get3A_260] {strides = array<i32>} : memref<256x128xf32, #tpu.memory_space<vmem>>, vector<16xf32>,
        %mul3A_262 = arith.mulf %get3A_261, %gather3A_241 : vector<16xf32>
        %swap3A_263 = arith.index_cast %add3A_244 : i32 to index
        %swap3A_264 = arith.constant 32 : index
        %swap3A_265 = tpu.vector_load %arg11[%swap3A_263, %swap3A_264] {strides = array<i32>} : memref<256x128xf32, #tpu.memory_space<vmem>>, vector<16xf32>,
        tpu.vector_store %arg11[%swap3A_263, %swap3A_264], %mul3A_262 {strides = array<i32>} : memref<256x128xf32, #tpu.memory_space<vmem>>, vector<16xf32>,
        %get3A_266 = arith.index_cast %add3A_244 : i32 to index
        %get3A_267 = arith.constant 48 : index
        %get3A_268 = tpu.vector_load %arg11[%get3A_266, %get3A_267] {strides = array<i32>} : memref<256x128xf32, #tpu.memory_space<vmem>>, vector<16xf32>,
        %mul3A_269 = arith.mulf %get3A_268, %gather3A_241 : vector<16xf32>
        %swap3A_270 = arith.index_cast %add3A_244 : i32 to index
        %swap3A_271 = arith.constant 48 : index
        %swap3A_272 = tpu.vector_load %arg11[%swap3A_270, %swap3A_271] {strides = array<i32>} : memref<256x128xf32, #tpu.memory_space<vmem>>, vector<16xf32>,
        tpu.vector_store %arg11[%swap3A_270, %swap3A_271], %mul3A_269 {strides = array<i32>} : memref<256x128xf32, #tpu.memory_space<vmem>>, vector<16xf32>,
        %get3A_273 = arith.index_cast %add3A_244 : i32 to index
        %get3A_274 = arith.constant 64 : index
        %get3A_275 = tpu.vector_load %arg11[%get3A_273, %get3A_274] {strides = array<i32>} : memref<256x128xf32, #tpu.memory_space<vmem>>, vector<16xf32>,
        %mul3A_276 = arith.mulf %get3A_275, %gather3A_241 : vector<16xf32>
        %swap3A_277 = arith.index_cast %add3A_244 : i32 to index
        %swap3A_278 = arith.constant 64 : index
        %swap3A_279 = tpu.vector_load %arg11[%swap3A_277, %swap3A_278] {strides = array<i32>} : memref<256x128xf32, #tpu.memory_space<vmem>>, vector<16xf32>,
        tpu.vector_store %arg11[%swap3A_277, %swap3A_278], %mul3A_276 {strides = array<i32>} : memref<256x128xf32, #tpu.memory_space<vmem>>, vector<16xf32>,
        %get3A_280 = arith.index_cast %add3A_244 : i32 to index
        %get3A_281 = arith.constant 80 : index
        %get3A_282 = tpu.vector_load %arg11[%get3A_280, %get3A_281] {strides = array<i32>} : memref<256x128xf32, #tpu.memory_space<vmem>>, vector<16xf32>,
        %mul3A_283 = arith.mulf %get3A_282, %gather3A_241 : vector<16xf32>
        %swap3A_284 = arith.index_cast %add3A_244 : i32 to index
        %swap3A_285 = arith.constant 80 : index
        %swap3A_286 = tpu.vector_load %arg11[%swap3A_284, %swap3A_285] {strides = array<i32>} : memref<256x128xf32, #tpu.memory_space<vmem>>, vector<16xf32>,
        tpu.vector_store %arg11[%swap3A_284, %swap3A_285], %mul3A_283 {strides = array<i32>} : memref<256x128xf32, #tpu.memory_space<vmem>>, vector<16xf32>,
        %get3A_287 = arith.index_cast %add3A_244 : i32 to index
        %get3A_288 = arith.constant 96 : index
        %get3A_289 = tpu.vector_load %arg11[%get3A_287, %get3A_288] {strides = array<i32>} : memref<256x128xf32, #tpu.memory_space<vmem>>, vector<16xf32>,
        %mul3A_290 = arith.mulf %get3A_289, %gather3A_241 : vector<16xf32>
        %swap3A_291 = arith.index_cast %add3A_244 : i32 to index
        %swap3A_292 = arith.constant 96 : index
        %swap3A_293 = tpu.vector_load %arg11[%swap3A_291, %swap3A_292] {strides = array<i32>} : memref<256x128xf32, #tpu.memory_space<vmem>>, vector<16xf32>,
        tpu.vector_store %arg11[%swap3A_291, %swap3A_292], %mul3A_290 {strides = array<i32>} : memref<256x128xf32, #tpu.memory_space<vmem>>, vector<16xf32>,
        %get3A_294 = arith.index_cast %add3A_244 : i32 to index
        %get3A_295 = arith.constant 112 : index
        %get3A_296 = tpu.vector_load %arg11[%get3A_294, %get3A_295] {strides = array<i32>} : memref<256x128xf32, #tpu.memory_space<vmem>>, vector<16xf32>,
        %mul3A_297 = arith.mulf %get3A_296, %gather3A_241 : vector<16xf32>
        %swap3A_298 = arith.index_cast %add3A_244 : i32 to index
        %swap3A_299 = arith.constant 112 : index
        %swap3A_300 = tpu.vector_load %arg11[%swap3A_298, %swap3A_299] {strides = array<i32>} : memref<256x128xf32, #tpu.memory_space<vmem>>, vector<16xf32>,
        tpu.vector_store %arg11[%swap3A_298, %swap3A_299], %mul3A_297 {strides = array<i32>} : memref<256x128xf32, #tpu.memory_space<vmem>>, vector<16xf32>,
        %scan3A_301 = arith.constant 0 : i32
        %scan3A_302 = arith.constant 3 : i32
        %scan3A_303 = arith.addi %scan3A_105, %scan3A_302 : i32
        %mul3A_304 = arith.constant 128 : i32
        %mul3A_305 = arith.muli %rem3A_54, %mul3A_304 : i32
        %add3A_306 = arith.addi %mul3A_305, %scan3A_303 : i32
        %broadcast_in_dim3A_307 = vector.broadcast %add3A_306 : i32 to vector<16xi32>
        %gather3A_308 = tpu.vector_load_idx %arg10[%broadcast_in_dim3A_307] : memref<2048xf32, #tpu.memory_space<vmem>>[vector<16xi32>], vector<16xf32>,
        %mul3A_309 = arith.constant 128 : i32
        %mul3A_310 = arith.muli %rem3A_56, %mul3A_309 : i32
        %add3A_311 = arith.addi %mul3A_310, %scan3A_303 : i32
        %get3A_312 = arith.index_cast %add3A_311 : i32 to index
        %get3A_313 = arith.constant 0 : index
        %get3A_314 = tpu.vector_load %arg11[%get3A_312, %get3A_313] {strides = array<i32>} : memref<256x128xf32, #tpu.memory_space<vmem>>, vector<16xf32>,
        %mul3A_315 = arith.mulf %get3A_314, %gather3A_308 : vector<16xf32>
        %swap3A_316 = arith.index_cast %add3A_311 : i32 to index
        %swap3A_317 = arith.constant 0 : index
        %swap3A_318 = tpu.vector_load %arg11[%swap3A_316, %swap3A_317] {strides = array<i32>} : memref<256x128xf32, #tpu.memory_space<vmem>>, vector<16xf32>,
        tpu.vector_store %arg11[%swap3A_316, %swap3A_317], %mul3A_315 {strides = array<i32>} : memref<256x128xf32, #tpu.memory_space<vmem>>, vector<16xf32>,
        %get3A_319 = arith.index_cast %add3A_311 : i32 to index
        %get3A_320 = arith.constant 16 : index
        %get3A_321 = tpu.vector_load %arg11[%get3A_319, %get3A_320] {strides = array<i32>} : memref<256x128xf32, #tpu.memory_space<vmem>>, vector<16xf32>,
        %mul3A_322 = arith.mulf %get3A_321, %gather3A_308 : vector<16xf32>
        %swap3A_323 = arith.index_cast %add3A_311 : i32 to index
        %swap3A_324 = arith.constant 16 : index
        %swap3A_325 = tpu.vector_load %arg11[%swap3A_323, %swap3A_324] {strides = array<i32>} : memref<256x128xf32, #tpu.memory_space<vmem>>, vector<16xf32>,
        tpu.vector_store %arg11[%swap3A_323, %swap3A_324], %mul3A_322 {strides = array<i32>} : memref<256x128xf32, #tpu.memory_space<vmem>>, vector<16xf32>,
        %get3A_326 = arith.index_cast %add3A_311 : i32 to index
        %get3A_327 = arith.constant 32 : index
        %get3A_328 = tpu.vector_load %arg11[%get3A_326, %get3A_327] {strides = array<i32>} : memref<256x128xf32, #tpu.memory_space<vmem>>, vector<16xf32>,
        %mul3A_329 = arith.mulf %get3A_328, %gather3A_308 : vector<16xf32>
        %swap3A_330 = arith.index_cast %add3A_311 : i32 to index
        %swap3A_331 = arith.constant 32 : index
        %swap3A_332 = tpu.vector_load %arg11[%swap3A_330, %swap3A_331] {strides = array<i32>} : memref<256x128xf32, #tpu.memory_space<vmem>>, vector<16xf32>,
        tpu.vector_store %arg11[%swap3A_330, %swap3A_331], %mul3A_329 {strides = array<i32>} : memref<256x128xf32, #tpu.memory_space<vmem>>, vector<16xf32>,
        %get3A_333 = arith.index_cast %add3A_311 : i32 to index
        %get3A_334 = arith.constant 48 : index
        %get3A_335 = tpu.vector_load %arg11[%get3A_333, %get3A_334] {strides = array<i32>} : memref<256x128xf32, #tpu.memory_space<vmem>>, vector<16xf32>,
        %mul3A_336 = arith.mulf %get3A_335, %gather3A_308 : vector<16xf32>
        %swap3A_337 = arith.index_cast %add3A_311 : i32 to index
        %swap3A_338 = arith.constant 48 : index
        %swap3A_339 = tpu.vector_load %arg11[%swap3A_337, %swap3A_338] {strides = array<i32>} : memref<256x128xf32, #tpu.memory_space<vmem>>, vector<16xf32>,
        tpu.vector_store %arg11[%swap3A_337, %swap3A_338], %mul3A_336 {strides = array<i32>} : memref<256x128xf32, #tpu.memory_space<vmem>>, vector<16xf32>,
        %get3A_340 = arith.index_cast %add3A_311 : i32 to index
        %get3A_341 = arith.constant 64 : index
        %get3A_342 = tpu.vector_load %arg11[%get3A_340, %get3A_341] {strides = array<i32>} : memref<256x128xf32, #tpu.memory_space<vmem>>, vector<16xf32>,
        %mul3A_343 = arith.mulf %get3A_342, %gather3A_308 : vector<16xf32>
        %swap3A_344 = arith.index_cast %add3A_311 : i32 to index
        %swap3A_345 = arith.constant 64 : index
        %swap3A_346 = tpu.vector_load %arg11[%swap3A_344, %swap3A_345] {strides = array<i32>} : memref<256x128xf32, #tpu.memory_space<vmem>>, vector<16xf32>,
        tpu.vector_store %arg11[%swap3A_344, %swap3A_345], %mul3A_343 {strides = array<i32>} : memref<256x128xf32, #tpu.memory_space<vmem>>, vector<16xf32>,
        %get3A_347 = arith.index_cast %add3A_311 : i32 to index
        %get3A_348 = arith.constant 80 : index
        %get3A_349 = tpu.vector_load %arg11[%get3A_347, %get3A_348] {strides = array<i32>} : memref<256x128xf32, #tpu.memory_space<vmem>>, vector<16xf32>,
        %mul3A_350 = arith.mulf %get3A_349, %gather3A_308 : vector<16xf32>
        %swap3A_351 = arith.index_cast %add3A_311 : i32 to index
        %swap3A_352 = arith.constant 80 : index
        %swap3A_353 = tpu.vector_load %arg11[%swap3A_351, %swap3A_352] {strides = array<i32>} : memref<256x128xf32, #tpu.memory_space<vmem>>, vector<16xf32>,
        tpu.vector_store %arg11[%swap3A_351, %swap3A_352], %mul3A_350 {strides = array<i32>} : memref<256x128xf32, #tpu.memory_space<vmem>>, vector<16xf32>,
        %get3A_354 = arith.index_cast %add3A_311 : i32 to index
        %get3A_355 = arith.constant 96 : index
        %get3A_356 = tpu.vector_load %arg11[%get3A_354, %get3A_355] {strides = array<i32>} : memref<256x128xf32, #tpu.memory_space<vmem>>, vector<16xf32>,
        %mul3A_357 = arith.mulf %get3A_356, %gather3A_308 : vector<16xf32>
        %swap3A_358 = arith.index_cast %add3A_311 : i32 to index
        %swap3A_359 = arith.constant 96 : index
        %swap3A_360 = tpu.vector_load %arg11[%swap3A_358, %swap3A_359] {strides = array<i32>} : memref<256x128xf32, #tpu.memory_space<vmem>>, vector<16xf32>,
        tpu.vector_store %arg11[%swap3A_358, %swap3A_359], %mul3A_357 {strides = array<i32>} : memref<256x128xf32, #tpu.memory_space<vmem>>, vector<16xf32>,
        %get3A_361 = arith.index_cast %add3A_311 : i32 to index
        %get3A_362 = arith.constant 112 : index
        %get3A_363 = tpu.vector_load %arg11[%get3A_361, %get3A_362] {strides = array<i32>} : memref<256x128xf32, #tpu.memory_space<vmem>>, vector<16xf32>,
        %mul3A_364 = arith.mulf %get3A_363, %gather3A_308 : vector<16xf32>
        %swap3A_365 = arith.index_cast %add3A_311 : i32 to index
        %swap3A_366 = arith.constant 112 : index
        %swap3A_367 = tpu.vector_load %arg11[%swap3A_365, %swap3A_366] {strides = array<i32>} : memref<256x128xf32, #tpu.memory_space<vmem>>, vector<16xf32>,
        tpu.vector_store %arg11[%swap3A_365, %swap3A_366], %mul3A_364 {strides = array<i32>} : memref<256x128xf32, #tpu.memory_space<vmem>>, vector<16xf32>,
        %scan3A_368 = arith.constant 0 : i32
        scf.yield %scan3A_368 : i32
      }
      %scan3A_94 = arith.constant 128 : i32
      %mul3A_95 = arith.constant 128 : i32
      %mul3A_96 = arith.muli %rem3A_56, %mul3A_95 : i32
      %dma_start3A = arith.constant 0 : i32
      %dma_start3A_97 = tpu.memref_slice %arg11[%mul3A_96, %dma_start3A] : memref<256x128xf32, #tpu.memory_space<vmem>> -> memref<128x128xf32, #tpu.memory_space<vmem>>
      %dma_start3A_98 = arith.constant 0 : i32
      %dma_start3A_99 = tpu.memref_slice %arg9[%rem3A_54, %dma_start3A_98] : memref<16x128xi32, #tpu.memory_space<vmem>> -> memref<1x128xi32, #tpu.memory_space<vmem>>
      %dma_start3A_100 = tpu.memref_squeeze %dma_start3A_99 : memref<1x128xi32, #tpu.memory_space<vmem>> -> memref<128xi32, #tpu.memory_space<vmem>>
      %dma_start3A_101 = arith.constant 0 : i32
      %dma_start3A_102 = arith.constant 0 : i32
      %dma_start3A_103 = tpu.memref_slice %arg12[%dma_start3A_101, %dma_start3A_102] : memref<10240x128xf32, #tpu.memory_space<vmem_shared>> -> memref<10240x128xf32, #tpu.memory_space<vmem_shared>>
      tpu.enqueue_indirect_dma source(%dma_start3A_97 : memref<128x128xf32, #tpu.memory_space<vmem>>) target(%dma_start3A_103 : memref<10240x128xf32, #tpu.memory_space<vmem_shared>>) offsets(%dma_start3A_100 : memref<128xi32, #tpu.memory_space<vmem>>) semaphore(%arg14 : memref<!tpu.dma_semaphore, #tpu.memory_space<semaphore_mem>>) {add = true}
      %while3A_104 = arith.constant 0 : i32
      scf.yield %while3A_104 : i32
    }
    %while3A_37 = arith.constant 1 : i32
    %while3A_38 = scf.for %while3A_52 = %while3A_34 to %while3A_30 step %while3A_37 iter_args(%while3A_53 = %while3A_36) -> (i32)  : i32 {
      %rem3A = arith.constant 16 : i32
      %rem3A_54 = arith.remsi %while3A_52, %rem3A : i32
      %rem3A_55 = arith.constant 2 : i32
      %rem3A_56 = arith.remsi %while3A_52, %rem3A_55 : i32
      %eq3A_57 = arith.constant 0 : i32
      %eq3A_58 = arith.cmpi eq, %rem3A_54, %eq3A_57 : i32
      %convert_element_type3A_59 = arith.extui %eq3A_58 : i1 to i32
      %cond3A_60 = arith.constant 0 : i32
      %cond3A_61 = arith.cmpi ne, %convert_element_type3A_59, %cond3A_60 : i32
      scf.if %cond3A_61 {
        %gt3A_105 = arith.constant 0 : i32
        %gt3A_106 = arith.cmpi sgt, %while3A_52, %gt3A_105 : i32
        %convert_element_type3A_107 = arith.extui %gt3A_106 : i1 to i32
        %cond3A_108 = arith.constant 0 : i32
        %cond3A_109 = arith.cmpi ne, %convert_element_type3A_107, %cond3A_108 : i32
        scf.if %cond3A_109 {
          %dma_wait3A_124 = arith.constant 0 : i32
          %dma_wait3A_125 = arith.constant 0 : i32
          %dma_wait3A_126 = arith.constant 0 : i32
          %dma_wait3A_127 = tpu.memref_slice %arg11[%dma_wait3A_125, %dma_wait3A_126] : memref<256x128xf32, #tpu.memory_space<vmem>> -> memref<128x128xf32, #tpu.memory_space<vmem>>
          %dma_wait3A_128 = arith.constant 0 : i32
          %dma_wait3A_129 = tpu.memref_slice %arg9[%dma_wait3A_124, %dma_wait3A_128] : memref<16x128xi32, #tpu.memory_space<vmem>> -> memref<1x128xi32, #tpu.memory_space<vmem>>
          %dma_wait3A_130 = tpu.memref_squeeze %dma_wait3A_129 : memref<1x128xi32, #tpu.memory_space<vmem>> -> memref<128xi32, #tpu.memory_space<vmem>>
          %dma_wait3A_131 = arith.constant 0 : i32
          %dma_wait3A_132 = arith.constant 0 : i32
          %dma_wait3A_133 = tpu.memref_slice %arg12[%dma_wait3A_131, %dma_wait3A_132] : memref<10240x128xf32, #tpu.memory_space<vmem_shared>> -> memref<10240x128xf32, #tpu.memory_space<vmem_shared>>
          tpu.wait_indirect_dma semaphore(%arg14 : memref<!tpu.dma_semaphore, #tpu.memory_space<semaphore_mem>>) src(%dma_wait3A_127 : memref<128x128xf32, #tpu.memory_space<vmem>>) dst(%dma_wait3A_133 : memref<10240x128xf32, #tpu.memory_space<vmem_shared>>)
        } else {
        }
        %div3A = arith.constant 16 : i32
        %div3A_110 = arith.divsi %while3A_52, %div3A : i32
        %mul3A_111 = arith.constant 16 : i32
        %mul3A_112 = arith.muli %div3A_110, %mul3A_111 : i32
        %add3A_113 = arith.addi %select_n3A_9, %mul3A_112 : i32
        %mul3A_114 = arith.constant 128 : i32
        %mul3A_115 = arith.muli %add3A_113, %mul3A_114 : i32
        "tpu.region"() ({
          %run_scoped3A = tpu.sem_alloc : memref<!tpu.dma_semaphore, #tpu.memory_space<semaphore_mem>>
          %dma_start3A_124 = tpu.memref_slice %arg3[%mul3A_115] : memref<329728xi32, #tpu.memory_space<hbm>> -> memref<2048xi32, #tpu.memory_space<hbm>>
          %dma_start3A_125 = tpu.memref_slice %arg3[%mul3A_115] : memref<329728xi32, #tpu.memory_space<hbm>> -> memref<2048xi32, #tpu.memory_space<hbm>>
          tpu.enqueue_dma source(%dma_start3A_125 : memref<2048xi32, #tpu.memory_space<hbm>>) target(%arg8 : memref<2048xi32, #tpu.memory_space<vmem>>) target_semaphore(%run_scoped3A : memref<!tpu.dma_semaphore, #tpu.memory_space<semaphore_mem>>)
          %dma_wait3A_126 = tpu.memref_slice %arg3[%mul3A_115] : memref<329728xi32, #tpu.memory_space<hbm>> -> memref<2048xi32, #tpu.memory_space<hbm>>
          %dma_wait3A_127 = tpu.memref_slice %arg3[%mul3A_115] : memref<329728xi32, #tpu.memory_space<hbm>> -> memref<2048xi32, #tpu.memory_space<hbm>>
          tpu.wait_dma2 semaphore(%run_scoped3A : memref<!tpu.dma_semaphore, #tpu.memory_space<semaphore_mem>>) src(%dma_wait3A_127 : memref<2048xi32, #tpu.memory_space<hbm>>) dst(%arg8 : memref<2048xi32, #tpu.memory_space<vmem>>)
          tpu.yield
        }) : () -> ()
        "tpu.region"() ({
          %run_scoped3A = tpu.sem_alloc : memref<!tpu.dma_semaphore, #tpu.memory_space<semaphore_mem>>
          %dma_start3A_124 = arith.constant 0 : i32
          %dma_start3A_125 = tpu.memref_slice %arg4[%add3A_113, %dma_start3A_124] : memref<2576x128xi32, #tpu.memory_space<hbm>> -> memref<16x128xi32, #tpu.memory_space<hbm>>
          %dma_start3A_126 = arith.constant 0 : i32
          %dma_start3A_127 = tpu.memref_slice %arg4[%add3A_113, %dma_start3A_126] : memref<2576x128xi32, #tpu.memory_space<hbm>> -> memref<16x128xi32, #tpu.memory_space<hbm>>
          tpu.enqueue_dma source(%dma_start3A_127 : memref<16x128xi32, #tpu.memory_space<hbm>>) target(%arg9 : memref<16x128xi32, #tpu.memory_space<vmem>>) target_semaphore(%run_scoped3A : memref<!tpu.dma_semaphore, #tpu.memory_space<semaphore_mem>>)
          %dma_wait3A_128 = arith.constant 0 : i32
          %dma_wait3A_129 = tpu.memref_slice %arg4[%add3A_113, %dma_wait3A_128] : memref<2576x128xi32, #tpu.memory_space<hbm>> -> memref<16x128xi32, #tpu.memory_space<hbm>>
          %dma_wait3A_130 = arith.constant 0 : i32
          %dma_wait3A_131 = tpu.memref_slice %arg4[%add3A_113, %dma_wait3A_130] : memref<2576x128xi32, #tpu.memory_space<hbm>> -> memref<16x128xi32, #tpu.memory_space<hbm>>
          tpu.wait_dma2 semaphore(%run_scoped3A : memref<!tpu.dma_semaphore, #tpu.memory_space<semaphore_mem>>) src(%dma_wait3A_131 : memref<16x128xi32, #tpu.memory_space<hbm>>) dst(%arg9 : memref<16x128xi32, #tpu.memory_space<vmem>>)
          tpu.yield
        }) : () -> ()
        %mul3A_116 = arith.constant 128 : i32
        %mul3A_117 = arith.muli %add3A_113, %mul3A_116 : i32
        "tpu.region"() ({
          %run_scoped3A = tpu.sem_alloc : memref<!tpu.dma_semaphore, #tpu.memory_space<semaphore_mem>>
          %dma_start3A_124 = tpu.memref_slice %arg5[%mul3A_117] : memref<329728xf32, #tpu.memory_space<hbm>> -> memref<2048xf32, #tpu.memory_space<hbm>>
          %dma_start3A_125 = tpu.memref_slice %arg5[%mul3A_117] : memref<329728xf32, #tpu.memory_space<hbm>> -> memref<2048xf32, #tpu.memory_space<hbm>>
          tpu.enqueue_dma source(%dma_start3A_125 : memref<2048xf32, #tpu.memory_space<hbm>>) target(%arg10 : memref<2048xf32, #tpu.memory_space<vmem>>) target_semaphore(%run_scoped3A : memref<!tpu.dma_semaphore, #tpu.memory_space<semaphore_mem>>)
          %dma_wait3A_126 = tpu.memref_slice %arg5[%mul3A_117] : memref<329728xf32, #tpu.memory_space<hbm>> -> memref<2048xf32, #tpu.memory_space<hbm>>
          %dma_wait3A_127 = tpu.memref_slice %arg5[%mul3A_117] : memref<329728xf32, #tpu.memory_space<hbm>> -> memref<2048xf32, #tpu.memory_space<hbm>>
          tpu.wait_dma2 semaphore(%run_scoped3A : memref<!tpu.dma_semaphore, #tpu.memory_space<semaphore_mem>>) src(%dma_wait3A_127 : memref<2048xf32, #tpu.memory_space<hbm>>) dst(%arg10 : memref<2048xf32, #tpu.memory_space<vmem>>)
          tpu.yield
        }) : () -> ()
        %add3A_118 = arith.constant 0 : i32
        %add3A_119 = arith.addi %while3A_52, %add3A_118 : i32
        %lt3A_120 = arith.cmpi slt, %add3A_119, %select_n3A_2 : i32
        %convert_element_type3A_121 = arith.extui %lt3A_120 : i1 to i32
        %cond3A_122 = arith.constant 0 : i32
        %cond3A_123 = arith.cmpi ne, %convert_element_type3A_121, %cond3A_122 : i32
        scf.if %cond3A_123 {
          %add3A_124 = arith.constant 0 : i32
          %add3A_125 = arith.addi %while3A_52, %add3A_124 : i32
          %rem3A_126 = arith.constant 2 : i32
          %rem3A_127 = arith.remsi %add3A_125, %rem3A_126 : i32
          %mul3A_128 = arith.constant 128 : i32
          %mul3A_129 = arith.muli %rem3A_127, %mul3A_128 : i32
          %dma_start3A_130 = arith.constant 0 : i32
          %dma_start3A_131 = tpu.memref_slice %arg11[%mul3A_129, %dma_start3A_130] : memref<256x128xf32, #tpu.memory_space<vmem>> -> memref<128x128xf32, #tpu.memory_space<vmem>>
          %dma_start3A_132 = arith.constant 0 : i32
          %dma_start3A_133 = tpu.memref_slice %arg8[%dma_start3A_132] : memref<2048xi32, #tpu.memory_space<vmem>> -> memref<128xi32, #tpu.memory_space<vmem>>
          %dma_start3A_134 = arith.constant 0 : i32
          %dma_start3A_135 = arith.constant 0 : i32
          %dma_start3A_136 = tpu.memref_slice %arg2[%dma_start3A_134, %dma_start3A_135] : memref<10000x128xf32, #tpu.memory_space<hbm>> -> memref<10000x128xf32, #tpu.memory_space<hbm>>
          tpu.enqueue_indirect_dma source(%dma_start3A_136 : memref<10000x128xf32, #tpu.memory_space<hbm>>) target(%dma_start3A_131 : memref<128x128xf32, #tpu.memory_space<vmem>>) offsets(%dma_start3A_133 : memref<128xi32, #tpu.memory_space<vmem>>) semaphore(%arg13 : memref<!tpu.dma_semaphore, #tpu.memory_space<semaphore_mem>>)
        } else {
        }
      } else {
      }
      %dma_wait3A = arith.constant 0 : i32
      %dma_wait3A_62 = arith.constant 0 : i32
      %dma_wait3A_63 = tpu.memref_slice %arg11[%dma_wait3A, %dma_wait3A_62] : memref<256x128xf32, #tpu.memory_space<vmem>> -> memref<128x128xf32, #tpu.memory_space<vmem>>
      %dma_wait3A_64 = arith.constant 0 : i32
      %dma_wait3A_65 = tpu.memref_slice %arg8[%dma_wait3A_64] : memref<2048xi32, #tpu.memory_space<vmem>> -> memref<128xi32, #tpu.memory_space<vmem>>
      %dma_wait3A_66 = arith.constant 0 : i32
      %dma_wait3A_67 = arith.constant 0 : i32
      %dma_wait3A_68 = tpu.memref_slice %arg2[%dma_wait3A_66, %dma_wait3A_67] : memref<10000x128xf32, #tpu.memory_space<hbm>> -> memref<10000x128xf32, #tpu.memory_space<hbm>>
      tpu.wait_indirect_dma semaphore(%arg13 : memref<!tpu.dma_semaphore, #tpu.memory_space<semaphore_mem>>) src(%dma_wait3A_68 : memref<10000x128xf32, #tpu.memory_space<hbm>>) dst(%dma_wait3A_63 : memref<128x128xf32, #tpu.memory_space<vmem>>)
      %ne3A = arith.constant 0 : i32
      %ne3A_69 = arith.cmpi ne, %rem3A_54, %ne3A : i32
      %gt3A_70 = arith.constant 0 : i32
      %gt3A_71 = arith.cmpi sgt, %while3A_52, %gt3A_70 : i32
      %and3A = arith.andi %ne3A_69, %gt3A_71 : i1
      %convert_element_type3A_72 = arith.extui %and3A : i1 to i32
      %cond3A_73 = arith.constant 0 : i32
      %cond3A_74 = arith.cmpi ne, %convert_element_type3A_72, %cond3A_73 : i32
      scf.if %cond3A_74 {
        %dma_wait3A_105 = arith.constant 0 : i32
        %dma_wait3A_106 = arith.constant 0 : i32
        %dma_wait3A_107 = arith.constant 0 : i32
        %dma_wait3A_108 = tpu.memref_slice %arg11[%dma_wait3A_106, %dma_wait3A_107] : memref<256x128xf32, #tpu.memory_space<vmem>> -> memref<128x128xf32, #tpu.memory_space<vmem>>
        %dma_wait3A_109 = arith.constant 0 : i32
        %dma_wait3A_110 = tpu.memref_slice %arg9[%dma_wait3A_105, %dma_wait3A_109] : memref<16x128xi32, #tpu.memory_space<vmem>> -> memref<1x128xi32, #tpu.memory_space<vmem>>
        %dma_wait3A_111 = tpu.memref_squeeze %dma_wait3A_110 : memref<1x128xi32, #tpu.memory_space<vmem>> -> memref<128xi32, #tpu.memory_space<vmem>>
        %dma_wait3A_112 = arith.constant 0 : i32
        %dma_wait3A_113 = arith.constant 0 : i32
        %dma_wait3A_114 = tpu.memref_slice %arg12[%dma_wait3A_112, %dma_wait3A_113] : memref<10240x128xf32, #tpu.memory_space<vmem_shared>> -> memref<10240x128xf32, #tpu.memory_space<vmem_shared>>
        tpu.wait_indirect_dma semaphore(%arg14 : memref<!tpu.dma_semaphore, #tpu.memory_space<semaphore_mem>>) src(%dma_wait3A_108 : memref<128x128xf32, #tpu.memory_space<vmem>>) dst(%dma_wait3A_114 : memref<10240x128xf32, #tpu.memory_space<vmem_shared>>)
      } else {
      }
      %add3A_75 = arith.constant 2 : i32
      %add3A_76 = arith.addi %rem3A_54, %add3A_75 : i32
      %sub3A = arith.constant 1 : i32
      %sub3A_77 = arith.subi %add3A_76, %sub3A : i32
      %lt3A = arith.constant 16 : i32
      %lt3A_78 = arith.cmpi slt, %sub3A_77, %lt3A : i32
      %add3A_79 = arith.constant 2 : i32
      %add3A_80 = arith.addi %while3A_52, %add3A_79 : i32
      %sub3A_81 = arith.constant 1 : i32
      %sub3A_82 = arith.subi %add3A_80, %sub3A_81 : i32
      %lt3A_83 = arith.cmpi slt, %sub3A_82, %select_n3A_2 : i32
      %and3A_84 = arith.andi %lt3A_78, %lt3A_83 : i1
      %convert_element_type3A_85 = arith.extui %and3A_84 : i1 to i32
      %cond3A_86 = arith.constant 0 : i32
      %cond3A_87 = arith.cmpi ne, %convert_element_type3A_85, %cond3A_86 : i32
      scf.if %cond3A_87 {
        %add3A_105 = arith.constant 2 : i32
        %add3A_106 = arith.addi %rem3A_54, %add3A_105 : i32
        %sub3A_107 = arith.constant 1 : i32
        %sub3A_108 = arith.subi %add3A_106, %sub3A_107 : i32
        %add3A_109 = arith.constant 2 : i32
        %add3A_110 = arith.addi %while3A_52, %add3A_109 : i32
        %sub3A_111 = arith.constant 1 : i32
        %sub3A_112 = arith.subi %add3A_110, %sub3A_111 : i32
        %rem3A_113 = arith.constant 2 : i32
        %rem3A_114 = arith.remsi %sub3A_112, %rem3A_113 : i32
        %mul3A_115 = arith.constant 128 : i32
        %mul3A_116 = arith.muli %sub3A_108, %mul3A_115 : i32
        %mul3A_117 = arith.constant 128 : i32
        %mul3A_118 = arith.muli %rem3A_114, %mul3A_117 : i32
        %dma_start3A_119 = arith.constant 0 : i32
        %dma_start3A_120 = tpu.memref_slice %arg11[%mul3A_118, %dma_start3A_119] : memref<256x128xf32, #tpu.memory_space<vmem>> -> memref<128x128xf32, #tpu.memory_space<vmem>>
        %dma_start3A_121 = tpu.memref_slice %arg8[%mul3A_116] : memref<2048xi32, #tpu.memory_space<vmem>> -> memref<128xi32, #tpu.memory_space<vmem>>
        %dma_start3A_122 = arith.constant 0 : i32
        %dma_start3A_123 = arith.constant 0 : i32
        %dma_start3A_124 = tpu.memref_slice %arg2[%dma_start3A_122, %dma_start3A_123] : memref<10000x128xf32, #tpu.memory_space<hbm>> -> memref<10000x128xf32, #tpu.memory_space<hbm>>
        tpu.enqueue_indirect_dma source(%dma_start3A_124 : memref<10000x128xf32, #tpu.memory_space<hbm>>) target(%dma_start3A_120 : memref<128x128xf32, #tpu.memory_space<vmem>>) offsets(%dma_start3A_121 : memref<128xi32, #tpu.memory_space<vmem>>) semaphore(%arg13 : memref<!tpu.dma_semaphore, #tpu.memory_space<semaphore_mem>>)
      } else {
      }
      %scan3A_88 = arith.constant 0 : i32
      %scan3A_89 = arith.constant 0 : i32
      %scan3A_90 = arith.constant 128 : i32
      %scan3A_91 = arith.addi %scan3A_89, %scan3A_90 : i32
      %scan3A_92 = arith.constant 4 : i32
      %scan3A_93 = scf.for %scan3A_105 = %scan3A_89 to %scan3A_91 step %scan3A_92 iter_args(%scan3A_106 = %scan3A_88) -> (i32)  : i32 {
        %mul3A_107 = arith.constant 128 : i32
        %mul3A_108 = arith.muli %rem3A_54, %mul3A_107 : i32
        %add3A_109 = arith.addi %mul3A_108, %scan3A_105 : i32
        %broadcast_in_dim3A = vector.broadcast %add3A_109 : i32 to vector<16xi32>
        %gather3A = tpu.vector_load_idx %arg10[%broadcast_in_dim3A] : memref<2048xf32, #tpu.memory_space<vmem>>[vector<16xi32>], vector<16xf32>,
        %mul3A_110 = arith.constant 128 : i32
        %mul3A_111 = arith.muli %rem3A_56, %mul3A_110 : i32
        %add3A_112 = arith.addi %mul3A_111, %scan3A_105 : i32
        %get3A = arith.index_cast %add3A_112 : i32 to index
        %get3A_113 = arith.constant 0 : index
        %get3A_114 = tpu.vector_load %arg11[%get3A, %get3A_113] {strides = array<i32>} : memref<256x128xf32, #tpu.memory_space<vmem>>, vector<16xf32>,
        %mul3A_115 = arith.mulf %get3A_114, %gather3A : vector<16xf32>
        %swap3A = arith.index_cast %add3A_112 : i32 to index
        %swap3A_116 = arith.constant 0 : index
        %swap3A_117 = tpu.vector_load %arg11[%swap3A, %swap3A_116] {strides = array<i32>} : memref<256x128xf32, #tpu.memory_space<vmem>>, vector<16xf32>,
        tpu.vector_store %arg11[%swap3A, %swap3A_116], %mul3A_115 {strides = array<i32>} : memref<256x128xf32, #tpu.memory_space<vmem>>, vector<16xf32>,
        %get3A_118 = arith.index_cast %add3A_112 : i32 to index
        %get3A_119 = arith.constant 16 : index
        %get3A_120 = tpu.vector_load %arg11[%get3A_118, %get3A_119] {strides = array<i32>} : memref<256x128xf32, #tpu.memory_space<vmem>>, vector<16xf32>,
        %mul3A_121 = arith.mulf %get3A_120, %gather3A : vector<16xf32>
        %swap3A_122 = arith.index_cast %add3A_112 : i32 to index
        %swap3A_123 = arith.constant 16 : index
        %swap3A_124 = tpu.vector_load %arg11[%swap3A_122, %swap3A_123] {strides = array<i32>} : memref<256x128xf32, #tpu.memory_space<vmem>>, vector<16xf32>,
        tpu.vector_store %arg11[%swap3A_122, %swap3A_123], %mul3A_121 {strides = array<i32>} : memref<256x128xf32, #tpu.memory_space<vmem>>, vector<16xf32>,
        %get3A_125 = arith.index_cast %add3A_112 : i32 to index
        %get3A_126 = arith.constant 32 : index
        %get3A_127 = tpu.vector_load %arg11[%get3A_125, %get3A_126] {strides = array<i32>} : memref<256x128xf32, #tpu.memory_space<vmem>>, vector<16xf32>,
        %mul3A_128 = arith.mulf %get3A_127, %gather3A : vector<16xf32>
        %swap3A_129 = arith.index_cast %add3A_112 : i32 to index
        %swap3A_130 = arith.constant 32 : index
        %swap3A_131 = tpu.vector_load %arg11[%swap3A_129, %swap3A_130] {strides = array<i32>} : memref<256x128xf32, #tpu.memory_space<vmem>>, vector<16xf32>,
        tpu.vector_store %arg11[%swap3A_129, %swap3A_130], %mul3A_128 {strides = array<i32>} : memref<256x128xf32, #tpu.memory_space<vmem>>, vector<16xf32>,
        %get3A_132 = arith.index_cast %add3A_112 : i32 to index
        %get3A_133 = arith.constant 48 : index
        %get3A_134 = tpu.vector_load %arg11[%get3A_132, %get3A_133] {strides = array<i32>} : memref<256x128xf32, #tpu.memory_space<vmem>>, vector<16xf32>,
        %mul3A_135 = arith.mulf %get3A_134, %gather3A : vector<16xf32>
        %swap3A_136 = arith.index_cast %add3A_112 : i32 to index
        %swap3A_137 = arith.constant 48 : index
        %swap3A_138 = tpu.vector_load %arg11[%swap3A_136, %swap3A_137] {strides = array<i32>} : memref<256x128xf32, #tpu.memory_space<vmem>>, vector<16xf32>,
        tpu.vector_store %arg11[%swap3A_136, %swap3A_137], %mul3A_135 {strides = array<i32>} : memref<256x128xf32, #tpu.memory_space<vmem>>, vector<16xf32>,
        %get3A_139 = arith.index_cast %add3A_112 : i32 to index
        %get3A_140 = arith.constant 64 : index
        %get3A_141 = tpu.vector_load %arg11[%get3A_139, %get3A_140] {strides = array<i32>} : memref<256x128xf32, #tpu.memory_space<vmem>>, vector<16xf32>,
        %mul3A_142 = arith.mulf %get3A_141, %gather3A : vector<16xf32>
        %swap3A_143 = arith.index_cast %add3A_112 : i32 to index
        %swap3A_144 = arith.constant 64 : index
        %swap3A_145 = tpu.vector_load %arg11[%swap3A_143, %swap3A_144] {strides = array<i32>} : memref<256x128xf32, #tpu.memory_space<vmem>>, vector<16xf32>,
        tpu.vector_store %arg11[%swap3A_143, %swap3A_144], %mul3A_142 {strides = array<i32>} : memref<256x128xf32, #tpu.memory_space<vmem>>, vector<16xf32>,
        %get3A_146 = arith.index_cast %add3A_112 : i32 to index
        %get3A_147 = arith.constant 80 : index
        %get3A_148 = tpu.vector_load %arg11[%get3A_146, %get3A_147] {strides = array<i32>} : memref<256x128xf32, #tpu.memory_space<vmem>>, vector<16xf32>,
        %mul3A_149 = arith.mulf %get3A_148, %gather3A : vector<16xf32>
        %swap3A_150 = arith.index_cast %add3A_112 : i32 to index
        %swap3A_151 = arith.constant 80 : index
        %swap3A_152 = tpu.vector_load %arg11[%swap3A_150, %swap3A_151] {strides = array<i32>} : memref<256x128xf32, #tpu.memory_space<vmem>>, vector<16xf32>,
        tpu.vector_store %arg11[%swap3A_150, %swap3A_151], %mul3A_149 {strides = array<i32>} : memref<256x128xf32, #tpu.memory_space<vmem>>, vector<16xf32>,
        %get3A_153 = arith.index_cast %add3A_112 : i32 to index
        %get3A_154 = arith.constant 96 : index
        %get3A_155 = tpu.vector_load %arg11[%get3A_153, %get3A_154] {strides = array<i32>} : memref<256x128xf32, #tpu.memory_space<vmem>>, vector<16xf32>,
        %mul3A_156 = arith.mulf %get3A_155, %gather3A : vector<16xf32>
        %swap3A_157 = arith.index_cast %add3A_112 : i32 to index
        %swap3A_158 = arith.constant 96 : index
        %swap3A_159 = tpu.vector_load %arg11[%swap3A_157, %swap3A_158] {strides = array<i32>} : memref<256x128xf32, #tpu.memory_space<vmem>>, vector<16xf32>,
        tpu.vector_store %arg11[%swap3A_157, %swap3A_158], %mul3A_156 {strides = array<i32>} : memref<256x128xf32, #tpu.memory_space<vmem>>, vector<16xf32>,
        %get3A_160 = arith.index_cast %add3A_112 : i32 to index
        %get3A_161 = arith.constant 112 : index
        %get3A_162 = tpu.vector_load %arg11[%get3A_160, %get3A_161] {strides = array<i32>} : memref<256x128xf32, #tpu.memory_space<vmem>>, vector<16xf32>,
        %mul3A_163 = arith.mulf %get3A_162, %gather3A : vector<16xf32>
        %swap3A_164 = arith.index_cast %add3A_112 : i32 to index
        %swap3A_165 = arith.constant 112 : index
        %swap3A_166 = tpu.vector_load %arg11[%swap3A_164, %swap3A_165] {strides = array<i32>} : memref<256x128xf32, #tpu.memory_space<vmem>>, vector<16xf32>,
        tpu.vector_store %arg11[%swap3A_164, %swap3A_165], %mul3A_163 {strides = array<i32>} : memref<256x128xf32, #tpu.memory_space<vmem>>, vector<16xf32>,
        %scan3A_167 = arith.constant 0 : i32
        %scan3A_168 = arith.constant 1 : i32
        %scan3A_169 = arith.addi %scan3A_105, %scan3A_168 : i32
        %mul3A_170 = arith.constant 128 : i32
        %mul3A_171 = arith.muli %rem3A_54, %mul3A_170 : i32
        %add3A_172 = arith.addi %mul3A_171, %scan3A_169 : i32
        %broadcast_in_dim3A_173 = vector.broadcast %add3A_172 : i32 to vector<16xi32>
        %gather3A_174 = tpu.vector_load_idx %arg10[%broadcast_in_dim3A_173] : memref<2048xf32, #tpu.memory_space<vmem>>[vector<16xi32>], vector<16xf32>,
        %mul3A_175 = arith.constant 128 : i32
        %mul3A_176 = arith.muli %rem3A_56, %mul3A_175 : i32
        %add3A_177 = arith.addi %mul3A_176, %scan3A_169 : i32
        %get3A_178 = arith.index_cast %add3A_177 : i32 to index
        %get3A_179 = arith.constant 0 : index
        %get3A_180 = tpu.vector_load %arg11[%get3A_178, %get3A_179] {strides = array<i32>} : memref<256x128xf32, #tpu.memory_space<vmem>>, vector<16xf32>,
        %mul3A_181 = arith.mulf %get3A_180, %gather3A_174 : vector<16xf32>
        %swap3A_182 = arith.index_cast %add3A_177 : i32 to index
        %swap3A_183 = arith.constant 0 : index
        %swap3A_184 = tpu.vector_load %arg11[%swap3A_182, %swap3A_183] {strides = array<i32>} : memref<256x128xf32, #tpu.memory_space<vmem>>, vector<16xf32>,
        tpu.vector_store %arg11[%swap3A_182, %swap3A_183], %mul3A_181 {strides = array<i32>} : memref<256x128xf32, #tpu.memory_space<vmem>>, vector<16xf32>,
        %get3A_185 = arith.index_cast %add3A_177 : i32 to index
        %get3A_186 = arith.constant 16 : index
        %get3A_187 = tpu.vector_load %arg11[%get3A_185, %get3A_186] {strides = array<i32>} : memref<256x128xf32, #tpu.memory_space<vmem>>, vector<16xf32>,
        %mul3A_188 = arith.mulf %get3A_187, %gather3A_174 : vector<16xf32>
        %swap3A_189 = arith.index_cast %add3A_177 : i32 to index
        %swap3A_190 = arith.constant 16 : index
        %swap3A_191 = tpu.vector_load %arg11[%swap3A_189, %swap3A_190] {strides = array<i32>} : memref<256x128xf32, #tpu.memory_space<vmem>>, vector<16xf32>,
        tpu.vector_store %arg11[%swap3A_189, %swap3A_190], %mul3A_188 {strides = array<i32>} : memref<256x128xf32, #tpu.memory_space<vmem>>, vector<16xf32>,
        %get3A_192 = arith.index_cast %add3A_177 : i32 to index
        %get3A_193 = arith.constant 32 : index
        %get3A_194 = tpu.vector_load %arg11[%get3A_192, %get3A_193] {strides = array<i32>} : memref<256x128xf32, #tpu.memory_space<vmem>>, vector<16xf32>,
        %mul3A_195 = arith.mulf %get3A_194, %gather3A_174 : vector<16xf32>
        %swap3A_196 = arith.index_cast %add3A_177 : i32 to index
        %swap3A_197 = arith.constant 32 : index
        %swap3A_198 = tpu.vector_load %arg11[%swap3A_196, %swap3A_197] {strides = array<i32>} : memref<256x128xf32, #tpu.memory_space<vmem>>, vector<16xf32>,
        tpu.vector_store %arg11[%swap3A_196, %swap3A_197], %mul3A_195 {strides = array<i32>} : memref<256x128xf32, #tpu.memory_space<vmem>>, vector<16xf32>,
        %get3A_199 = arith.index_cast %add3A_177 : i32 to index
        %get3A_200 = arith.constant 48 : index
        %get3A_201 = tpu.vector_load %arg11[%get3A_199, %get3A_200] {strides = array<i32>} : memref<256x128xf32, #tpu.memory_space<vmem>>, vector<16xf32>,
        %mul3A_202 = arith.mulf %get3A_201, %gather3A_174 : vector<16xf32>
        %swap3A_203 = arith.index_cast %add3A_177 : i32 to index
        %swap3A_204 = arith.constant 48 : index
        %swap3A_205 = tpu.vector_load %arg11[%swap3A_203, %swap3A_204] {strides = array<i32>} : memref<256x128xf32, #tpu.memory_space<vmem>>, vector<16xf32>,
        tpu.vector_store %arg11[%swap3A_203, %swap3A_204], %mul3A_202 {strides = array<i32>} : memref<256x128xf32, #tpu.memory_space<vmem>>, vector<16xf32>,
        %get3A_206 = arith.index_cast %add3A_177 : i32 to index
        %get3A_207 = arith.constant 64 : index
        %get3A_208 = tpu.vector_load %arg11[%get3A_206, %get3A_207] {strides = array<i32>} : memref<256x128xf32, #tpu.memory_space<vmem>>, vector<16xf32>,
        %mul3A_209 = arith.mulf %get3A_208, %gather3A_174 : vector<16xf32>
        %swap3A_210 = arith.index_cast %add3A_177 : i32 to index
        %swap3A_211 = arith.constant 64 : index
        %swap3A_212 = tpu.vector_load %arg11[%swap3A_210, %swap3A_211] {strides = array<i32>} : memref<256x128xf32, #tpu.memory_space<vmem>>, vector<16xf32>,
        tpu.vector_store %arg11[%swap3A_210, %swap3A_211], %mul3A_209 {strides = array<i32>} : memref<256x128xf32, #tpu.memory_space<vmem>>, vector<16xf32>,
        %get3A_213 = arith.index_cast %add3A_177 : i32 to index
        %get3A_214 = arith.constant 80 : index
        %get3A_215 = tpu.vector_load %arg11[%get3A_213, %get3A_214] {strides = array<i32>} : memref<256x128xf32, #tpu.memory_space<vmem>>, vector<16xf32>,
        %mul3A_216 = arith.mulf %get3A_215, %gather3A_174 : vector<16xf32>
        %swap3A_217 = arith.index_cast %add3A_177 : i32 to index
        %swap3A_218 = arith.constant 80 : index
        %swap3A_219 = tpu.vector_load %arg11[%swap3A_217, %swap3A_218] {strides = array<i32>} : memref<256x128xf32, #tpu.memory_space<vmem>>, vector<16xf32>,
        tpu.vector_store %arg11[%swap3A_217, %swap3A_218], %mul3A_216 {strides = array<i32>} : memref<256x128xf32, #tpu.memory_space<vmem>>, vector<16xf32>,
        %get3A_220 = arith.index_cast %add3A_177 : i32 to index
        %get3A_221 = arith.constant 96 : index
        %get3A_222 = tpu.vector_load %arg11[%get3A_220, %get3A_221] {strides = array<i32>} : memref<256x128xf32, #tpu.memory_space<vmem>>, vector<16xf32>,
        %mul3A_223 = arith.mulf %get3A_222, %gather3A_174 : vector<16xf32>
        %swap3A_224 = arith.index_cast %add3A_177 : i32 to index
        %swap3A_225 = arith.constant 96 : index
        %swap3A_226 = tpu.vector_load %arg11[%swap3A_224, %swap3A_225] {strides = array<i32>} : memref<256x128xf32, #tpu.memory_space<vmem>>, vector<16xf32>,
        tpu.vector_store %arg11[%swap3A_224, %swap3A_225], %mul3A_223 {strides = array<i32>} : memref<256x128xf32, #tpu.memory_space<vmem>>, vector<16xf32>,
        %get3A_227 = arith.index_cast %add3A_177 : i32 to index
        %get3A_228 = arith.constant 112 : index
        %get3A_229 = tpu.vector_load %arg11[%get3A_227, %get3A_228] {strides = array<i32>} : memref<256x128xf32, #tpu.memory_space<vmem>>, vector<16xf32>,
        %mul3A_230 = arith.mulf %get3A_229, %gather3A_174 : vector<16xf32>
        %swap3A_231 = arith.index_cast %add3A_177 : i32 to index
        %swap3A_232 = arith.constant 112 : index
        %swap3A_233 = tpu.vector_load %arg11[%swap3A_231, %swap3A_232] {strides = array<i32>} : memref<256x128xf32, #tpu.memory_space<vmem>>, vector<16xf32>,
        tpu.vector_store %arg11[%swap3A_231, %swap3A_232], %mul3A_230 {strides = array<i32>} : memref<256x128xf32, #tpu.memory_space<vmem>>, vector<16xf32>,
        %scan3A_234 = arith.constant 0 : i32
        %scan3A_235 = arith.constant 2 : i32
        %scan3A_236 = arith.addi %scan3A_105, %scan3A_235 : i32
        %mul3A_237 = arith.constant 128 : i32
        %mul3A_238 = arith.muli %rem3A_54, %mul3A_237 : i32
        %add3A_239 = arith.addi %mul3A_238, %scan3A_236 : i32
        %broadcast_in_dim3A_240 = vector.broadcast %add3A_239 : i32 to vector<16xi32>
        %gather3A_241 = tpu.vector_load_idx %arg10[%broadcast_in_dim3A_240] : memref<2048xf32, #tpu.memory_space<vmem>>[vector<16xi32>], vector<16xf32>,
        %mul3A_242 = arith.constant 128 : i32
        %mul3A_243 = arith.muli %rem3A_56, %mul3A_242 : i32
        %add3A_244 = arith.addi %mul3A_243, %scan3A_236 : i32
        %get3A_245 = arith.index_cast %add3A_244 : i32 to index
        %get3A_246 = arith.constant 0 : index
        %get3A_247 = tpu.vector_load %arg11[%get3A_245, %get3A_246] {strides = array<i32>} : memref<256x128xf32, #tpu.memory_space<vmem>>, vector<16xf32>,
        %mul3A_248 = arith.mulf %get3A_247, %gather3A_241 : vector<16xf32>
        %swap3A_249 = arith.index_cast %add3A_244 : i32 to index
        %swap3A_250 = arith.constant 0 : index
        %swap3A_251 = tpu.vector_load %arg11[%swap3A_249, %swap3A_250] {strides = array<i32>} : memref<256x128xf32, #tpu.memory_space<vmem>>, vector<16xf32>,
        tpu.vector_store %arg11[%swap3A_249, %swap3A_250], %mul3A_248 {strides = array<i32>} : memref<256x128xf32, #tpu.memory_space<vmem>>, vector<16xf32>,
        %get3A_252 = arith.index_cast %add3A_244 : i32 to index
        %get3A_253 = arith.constant 16 : index
        %get3A_254 = tpu.vector_load %arg11[%get3A_252, %get3A_253] {strides = array<i32>} : memref<256x128xf32, #tpu.memory_space<vmem>>, vector<16xf32>,
        %mul3A_255 = arith.mulf %get3A_254, %gather3A_241 : vector<16xf32>
        %swap3A_256 = arith.index_cast %add3A_244 : i32 to index
        %swap3A_257 = arith.constant 16 : index
        %swap3A_258 = tpu.vector_load %arg11[%swap3A_256, %swap3A_257] {strides = array<i32>} : memref<256x128xf32, #tpu.memory_space<vmem>>, vector<16xf32>,
        tpu.vector_store %arg11[%swap3A_256, %swap3A_257], %mul3A_255 {strides = array<i32>} : memref<256x128xf32, #tpu.memory_space<vmem>>, vector<16xf32>,
        %get3A_259 = arith.index_cast %add3A_244 : i32 to index
        %get3A_260 = arith.constant 32 : index
        %get3A_261 = tpu.vector_load %arg11[%get3A_259, %get3A_260] {strides = array<i32>} : memref<256x128xf32, #tpu.memory_space<vmem>>, vector<16xf32>,
        %mul3A_262 = arith.mulf %get3A_261, %gather3A_241 : vector<16xf32>
        %swap3A_263 = arith.index_cast %add3A_244 : i32 to index
        %swap3A_264 = arith.constant 32 : index
        %swap3A_265 = tpu.vector_load %arg11[%swap3A_263, %swap3A_264] {strides = array<i32>} : memref<256x128xf32, #tpu.memory_space<vmem>>, vector<16xf32>,
        tpu.vector_store %arg11[%swap3A_263, %swap3A_264], %mul3A_262 {strides = array<i32>} : memref<256x128xf32, #tpu.memory_space<vmem>>, vector<16xf32>,
        %get3A_266 = arith.index_cast %add3A_244 : i32 to index
        %get3A_267 = arith.constant 48 : index
        %get3A_268 = tpu.vector_load %arg11[%get3A_266, %get3A_267] {strides = array<i32>} : memref<256x128xf32, #tpu.memory_space<vmem>>, vector<16xf32>,
        %mul3A_269 = arith.mulf %get3A_268, %gather3A_241 : vector<16xf32>
        %swap3A_270 = arith.index_cast %add3A_244 : i32 to index
        %swap3A_271 = arith.constant 48 : index
        %swap3A_272 = tpu.vector_load %arg11[%swap3A_270, %swap3A_271] {strides = array<i32>} : memref<256x128xf32, #tpu.memory_space<vmem>>, vector<16xf32>,
        tpu.vector_store %arg11[%swap3A_270, %swap3A_271], %mul3A_269 {strides = array<i32>} : memref<256x128xf32, #tpu.memory_space<vmem>>, vector<16xf32>,
        %get3A_273 = arith.index_cast %add3A_244 : i32 to index
        %get3A_274 = arith.constant 64 : index
        %get3A_275 = tpu.vector_load %arg11[%get3A_273, %get3A_274] {strides = array<i32>} : memref<256x128xf32, #tpu.memory_space<vmem>>, vector<16xf32>,
        %mul3A_276 = arith.mulf %get3A_275, %gather3A_241 : vector<16xf32>
        %swap3A_277 = arith.index_cast %add3A_244 : i32 to index
        %swap3A_278 = arith.constant 64 : index
        %swap3A_279 = tpu.vector_load %arg11[%swap3A_277, %swap3A_278] {strides = array<i32>} : memref<256x128xf32, #tpu.memory_space<vmem>>, vector<16xf32>,
        tpu.vector_store %arg11[%swap3A_277, %swap3A_278], %mul3A_276 {strides = array<i32>} : memref<256x128xf32, #tpu.memory_space<vmem>>, vector<16xf32>,
        %get3A_280 = arith.index_cast %add3A_244 : i32 to index
        %get3A_281 = arith.constant 80 : index
        %get3A_282 = tpu.vector_load %arg11[%get3A_280, %get3A_281] {strides = array<i32>} : memref<256x128xf32, #tpu.memory_space<vmem>>, vector<16xf32>,
        %mul3A_283 = arith.mulf %get3A_282, %gather3A_241 : vector<16xf32>
        %swap3A_284 = arith.index_cast %add3A_244 : i32 to index
        %swap3A_285 = arith.constant 80 : index
        %swap3A_286 = tpu.vector_load %arg11[%swap3A_284, %swap3A_285] {strides = array<i32>} : memref<256x128xf32, #tpu.memory_space<vmem>>, vector<16xf32>,
        tpu.vector_store %arg11[%swap3A_284, %swap3A_285], %mul3A_283 {strides = array<i32>} : memref<256x128xf32, #tpu.memory_space<vmem>>, vector<16xf32>,
        %get3A_287 = arith.index_cast %add3A_244 : i32 to index
        %get3A_288 = arith.constant 96 : index
        %get3A_289 = tpu.vector_load %arg11[%get3A_287, %get3A_288] {strides = array<i32>} : memref<256x128xf32, #tpu.memory_space<vmem>>, vector<16xf32>,
        %mul3A_290 = arith.mulf %get3A_289, %gather3A_241 : vector<16xf32>
        %swap3A_291 = arith.index_cast %add3A_244 : i32 to index
        %swap3A_292 = arith.constant 96 : index
        %swap3A_293 = tpu.vector_load %arg11[%swap3A_291, %swap3A_292] {strides = array<i32>} : memref<256x128xf32, #tpu.memory_space<vmem>>, vector<16xf32>,
        tpu.vector_store %arg11[%swap3A_291, %swap3A_292], %mul3A_290 {strides = array<i32>} : memref<256x128xf32, #tpu.memory_space<vmem>>, vector<16xf32>,
        %get3A_294 = arith.index_cast %add3A_244 : i32 to index
        %get3A_295 = arith.constant 112 : index
        %get3A_296 = tpu.vector_load %arg11[%get3A_294, %get3A_295] {strides = array<i32>} : memref<256x128xf32, #tpu.memory_space<vmem>>, vector<16xf32>,
        %mul3A_297 = arith.mulf %get3A_296, %gather3A_241 : vector<16xf32>
        %swap3A_298 = arith.index_cast %add3A_244 : i32 to index
        %swap3A_299 = arith.constant 112 : index
        %swap3A_300 = tpu.vector_load %arg11[%swap3A_298, %swap3A_299] {strides = array<i32>} : memref<256x128xf32, #tpu.memory_space<vmem>>, vector<16xf32>,
        tpu.vector_store %arg11[%swap3A_298, %swap3A_299], %mul3A_297 {strides = array<i32>} : memref<256x128xf32, #tpu.memory_space<vmem>>, vector<16xf32>,
        %scan3A_301 = arith.constant 0 : i32
        %scan3A_302 = arith.constant 3 : i32
        %scan3A_303 = arith.addi %scan3A_105, %scan3A_302 : i32
        %mul3A_304 = arith.constant 128 : i32
        %mul3A_305 = arith.muli %rem3A_54, %mul3A_304 : i32
        %add3A_306 = arith.addi %mul3A_305, %scan3A_303 : i32
        %broadcast_in_dim3A_307 = vector.broadcast %add3A_306 : i32 to vector<16xi32>
        %gather3A_308 = tpu.vector_load_idx %arg10[%broadcast_in_dim3A_307] : memref<2048xf32, #tpu.memory_space<vmem>>[vector<16xi32>], vector<16xf32>,
        %mul3A_309 = arith.constant 128 : i32
        %mul3A_310 = arith.muli %rem3A_56, %mul3A_309 : i32
        %add3A_311 = arith.addi %mul3A_310, %scan3A_303 : i32
        %get3A_312 = arith.index_cast %add3A_311 : i32 to index
        %get3A_313 = arith.constant 0 : index
        %get3A_314 = tpu.vector_load %arg11[%get3A_312, %get3A_313] {strides = array<i32>} : memref<256x128xf32, #tpu.memory_space<vmem>>, vector<16xf32>,
        %mul3A_315 = arith.mulf %get3A_314, %gather3A_308 : vector<16xf32>
        %swap3A_316 = arith.index_cast %add3A_311 : i32 to index
        %swap3A_317 = arith.constant 0 : index
        %swap3A_318 = tpu.vector_load %arg11[%swap3A_316, %swap3A_317] {strides = array<i32>} : memref<256x128xf32, #tpu.memory_space<vmem>>, vector<16xf32>,
        tpu.vector_store %arg11[%swap3A_316, %swap3A_317], %mul3A_315 {strides = array<i32>} : memref<256x128xf32, #tpu.memory_space<vmem>>, vector<16xf32>,
        %get3A_319 = arith.index_cast %add3A_311 : i32 to index
        %get3A_320 = arith.constant 16 : index
        %get3A_321 = tpu.vector_load %arg11[%get3A_319, %get3A_320] {strides = array<i32>} : memref<256x128xf32, #tpu.memory_space<vmem>>, vector<16xf32>,
        %mul3A_322 = arith.mulf %get3A_321, %gather3A_308 : vector<16xf32>
        %swap3A_323 = arith.index_cast %add3A_311 : i32 to index
        %swap3A_324 = arith.constant 16 : index
        %swap3A_325 = tpu.vector_load %arg11[%swap3A_323, %swap3A_324] {strides = array<i32>} : memref<256x128xf32, #tpu.memory_space<vmem>>, vector<16xf32>,
        tpu.vector_store %arg11[%swap3A_323, %swap3A_324], %mul3A_322 {strides = array<i32>} : memref<256x128xf32, #tpu.memory_space<vmem>>, vector<16xf32>,
        %get3A_326 = arith.index_cast %add3A_311 : i32 to index
        %get3A_327 = arith.constant 32 : index
        %get3A_328 = tpu.vector_load %arg11[%get3A_326, %get3A_327] {strides = array<i32>} : memref<256x128xf32, #tpu.memory_space<vmem>>, vector<16xf32>,
        %mul3A_329 = arith.mulf %get3A_328, %gather3A_308 : vector<16xf32>
        %swap3A_330 = arith.index_cast %add3A_311 : i32 to index
        %swap3A_331 = arith.constant 32 : index
        %swap3A_332 = tpu.vector_load %arg11[%swap3A_330, %swap3A_331] {strides = array<i32>} : memref<256x128xf32, #tpu.memory_space<vmem>>, vector<16xf32>,
        tpu.vector_store %arg11[%swap3A_330, %swap3A_331], %mul3A_329 {strides = array<i32>} : memref<256x128xf32, #tpu.memory_space<vmem>>, vector<16xf32>,
        %get3A_333 = arith.index_cast %add3A_311 : i32 to index
        %get3A_334 = arith.constant 48 : index
        %get3A_335 = tpu.vector_load %arg11[%get3A_333, %get3A_334] {strides = array<i32>} : memref<256x128xf32, #tpu.memory_space<vmem>>, vector<16xf32>,
        %mul3A_336 = arith.mulf %get3A_335, %gather3A_308 : vector<16xf32>
        %swap3A_337 = arith.index_cast %add3A_311 : i32 to index
        %swap3A_338 = arith.constant 48 : index
        %swap3A_339 = tpu.vector_load %arg11[%swap3A_337, %swap3A_338] {strides = array<i32>} : memref<256x128xf32, #tpu.memory_space<vmem>>, vector<16xf32>,
        tpu.vector_store %arg11[%swap3A_337, %swap3A_338], %mul3A_336 {strides = array<i32>} : memref<256x128xf32, #tpu.memory_space<vmem>>, vector<16xf32>,
        %get3A_340 = arith.index_cast %add3A_311 : i32 to index
        %get3A_341 = arith.constant 64 : index
        %get3A_342 = tpu.vector_load %arg11[%get3A_340, %get3A_341] {strides = array<i32>} : memref<256x128xf32, #tpu.memory_space<vmem>>, vector<16xf32>,
        %mul3A_343 = arith.mulf %get3A_342, %gather3A_308 : vector<16xf32>
        %swap3A_344 = arith.index_cast %add3A_311 : i32 to index
        %swap3A_345 = arith.constant 64 : index
        %swap3A_346 = tpu.vector_load %arg11[%swap3A_344, %swap3A_345] {strides = array<i32>} : memref<256x128xf32, #tpu.memory_space<vmem>>, vector<16xf32>,
        tpu.vector_store %arg11[%swap3A_344, %swap3A_345], %mul3A_343 {strides = array<i32>} : memref<256x128xf32, #tpu.memory_space<vmem>>, vector<16xf32>,
        %get3A_347 = arith.index_cast %add3A_311 : i32 to index
        %get3A_348 = arith.constant 80 : index
        %get3A_349 = tpu.vector_load %arg11[%get3A_347, %get3A_348] {strides = array<i32>} : memref<256x128xf32, #tpu.memory_space<vmem>>, vector<16xf32>,
        %mul3A_350 = arith.mulf %get3A_349, %gather3A_308 : vector<16xf32>
        %swap3A_351 = arith.index_cast %add3A_311 : i32 to index
        %swap3A_352 = arith.constant 80 : index
        %swap3A_353 = tpu.vector_load %arg11[%swap3A_351, %swap3A_352] {strides = array<i32>} : memref<256x128xf32, #tpu.memory_space<vmem>>, vector<16xf32>,
        tpu.vector_store %arg11[%swap3A_351, %swap3A_352], %mul3A_350 {strides = array<i32>} : memref<256x128xf32, #tpu.memory_space<vmem>>, vector<16xf32>,
        %get3A_354 = arith.index_cast %add3A_311 : i32 to index
        %get3A_355 = arith.constant 96 : index
        %get3A_356 = tpu.vector_load %arg11[%get3A_354, %get3A_355] {strides = array<i32>} : memref<256x128xf32, #tpu.memory_space<vmem>>, vector<16xf32>,
        %mul3A_357 = arith.mulf %get3A_356, %gather3A_308 : vector<16xf32>
        %swap3A_358 = arith.index_cast %add3A_311 : i32 to index
        %swap3A_359 = arith.constant 96 : index
        %swap3A_360 = tpu.vector_load %arg11[%swap3A_358, %swap3A_359] {strides = array<i32>} : memref<256x128xf32, #tpu.memory_space<vmem>>, vector<16xf32>,
        tpu.vector_store %arg11[%swap3A_358, %swap3A_359], %mul3A_357 {strides = array<i32>} : memref<256x128xf32, #tpu.memory_space<vmem>>, vector<16xf32>,
        %get3A_361 = arith.index_cast %add3A_311 : i32 to index
        %get3A_362 = arith.constant 112 : index
        %get3A_363 = tpu.vector_load %arg11[%get3A_361, %get3A_362] {strides = array<i32>} : memref<256x128xf32, #tpu.memory_space<vmem>>, vector<16xf32>,
        %mul3A_364 = arith.mulf %get3A_363, %gather3A_308 : vector<16xf32>
        %swap3A_365 = arith.index_cast %add3A_311 : i32 to index
        %swap3A_366 = arith.constant 112 : index
        %swap3A_367 = tpu.vector_load %arg11[%swap3A_365, %swap3A_366] {strides = array<i32>} : memref<256x128xf32, #tpu.memory_space<vmem>>, vector<16xf32>,
        tpu.vector_store %arg11[%swap3A_365, %swap3A_366], %mul3A_364 {strides = array<i32>} : memref<256x128xf32, #tpu.memory_space<vmem>>, vector<16xf32>,
        %scan3A_368 = arith.constant 0 : i32
        scf.yield %scan3A_368 : i32
      }
      %scan3A_94 = arith.constant 128 : i32
      %mul3A_95 = arith.constant 128 : i32
      %mul3A_96 = arith.muli %rem3A_56, %mul3A_95 : i32
      %dma_start3A = arith.constant 0 : i32
      %dma_start3A_97 = tpu.memref_slice %arg11[%mul3A_96, %dma_start3A] : memref<256x128xf32, #tpu.memory_space<vmem>> -> memref<128x128xf32, #tpu.memory_space<vmem>>
      %dma_start3A_98 = arith.constant 0 : i32
      %dma_start3A_99 = tpu.memref_slice %arg9[%rem3A_54, %dma_start3A_98] : memref<16x128xi32, #tpu.memory_space<vmem>> -> memref<1x128xi32, #tpu.memory_space<vmem>>
      %dma_start3A_100 = tpu.memref_squeeze %dma_start3A_99 : memref<1x128xi32, #tpu.memory_space<vmem>> -> memref<128xi32, #tpu.memory_space<vmem>>
      %dma_start3A_101 = arith.constant 0 : i32
      %dma_start3A_102 = arith.constant 0 : i32
      %dma_start3A_103 = tpu.memref_slice %arg12[%dma_start3A_101, %dma_start3A_102] : memref<10240x128xf32, #tpu.memory_space<vmem_shared>> -> memref<10240x128xf32, #tpu.memory_space<vmem_shared>>
      tpu.enqueue_indirect_dma source(%dma_start3A_97 : memref<128x128xf32, #tpu.memory_space<vmem>>) target(%dma_start3A_103 : memref<10240x128xf32, #tpu.memory_space<vmem_shared>>) offsets(%dma_start3A_100 : memref<128xi32, #tpu.memory_space<vmem>>) semaphore(%arg14 : memref<!tpu.dma_semaphore, #tpu.memory_space<semaphore_mem>>) {add = true}
      %while3A_104 = arith.constant 0 : i32
      scf.yield %while3A_104 : i32
    }
    %gt3A = arith.constant 0 : i32
    %gt3A_39 = arith.cmpi sgt, %select_n3A_2, %gt3A : i32
    %convert_element_type3A = arith.extui %gt3A_39 : i1 to i32
    %cond3A = arith.constant 0 : i32
    %cond3A_40 = arith.cmpi ne, %convert_element_type3A, %cond3A : i32
    scf.if %cond3A_40 {
      %dma_wait3A = arith.constant 0 : i32
      %dma_wait3A_52 = arith.constant 0 : i32
      %dma_wait3A_53 = arith.constant 0 : i32
      %dma_wait3A_54 = tpu.memref_slice %arg11[%dma_wait3A_52, %dma_wait3A_53] : memref<256x128xf32, #tpu.memory_space<vmem>> -> memref<128x128xf32, #tpu.memory_space<vmem>>
      %dma_wait3A_55 = arith.constant 0 : i32
      %dma_wait3A_56 = tpu.memref_slice %arg9[%dma_wait3A, %dma_wait3A_55] : memref<16x128xi32, #tpu.memory_space<vmem>> -> memref<1x128xi32, #tpu.memory_space<vmem>>
      %dma_wait3A_57 = tpu.memref_squeeze %dma_wait3A_56 : memref<1x128xi32, #tpu.memory_space<vmem>> -> memref<128xi32, #tpu.memory_space<vmem>>
      %dma_wait3A_58 = arith.constant 0 : i32
      %dma_wait3A_59 = arith.constant 0 : i32
      %dma_wait3A_60 = tpu.memref_slice %arg12[%dma_wait3A_58, %dma_wait3A_59] : memref<10240x128xf32, #tpu.memory_space<vmem_shared>> -> memref<10240x128xf32, #tpu.memory_space<vmem_shared>>
      tpu.wait_indirect_dma semaphore(%arg14 : memref<!tpu.dma_semaphore, #tpu.memory_space<semaphore_mem>>) src(%dma_wait3A_54 : memref<128x128xf32, #tpu.memory_space<vmem>>) dst(%dma_wait3A_60 : memref<10240x128xf32, #tpu.memory_space<vmem_shared>>)
    } else {
    }
    %barrier3A_41 = arith.constant 0 : index
    tpu.barrier barrier_id(%barrier3A_41)
    %eq3A_42 = arith.constant 0 : i32
    %eq3A_43 = arith.cmpi eq, %arg0, %eq3A_42 : i32
    %convert_element_type3A_44 = arith.extui %eq3A_43 : i1 to i32
    %cond3A_45 = arith.constant 0 : i32
    %cond3A_46 = arith.cmpi ne, %convert_element_type3A_44, %cond3A_45 : i32
    scf.if %cond3A_46 {
      "tpu.region"() ({
        %run_scoped3A = tpu.sem_alloc : memref<!tpu.dma_semaphore, #tpu.memory_space<semaphore_mem>>
        %dma_start3A = arith.constant 0 : i32
        %dma_start3A_52 = tpu.memref_slice %arg6[%mul3A_17, %dma_start3A] : memref<10240x128xf32, #tpu.memory_space<hbm>> -> memref<640x128xf32, #tpu.memory_space<hbm>>
        %dma_start3A_53 = arith.constant 0 : i32
        %dma_start3A_54 = tpu.memref_slice %arg12[%mul3A_17, %dma_start3A_53] : memref<10240x128xf32, #tpu.memory_space<vmem_shared>> -> memref<640x128xf32, #tpu.memory_space<vmem_shared>>
        tpu.enqueue_dma source(%dma_start3A_54 : memref<640x128xf32, #tpu.memory_space<vmem_shared>>) target(%dma_start3A_52 : memref<640x128xf32, #tpu.memory_space<hbm>>) target_semaphore(%run_scoped3A : memref<!tpu.dma_semaphore, #tpu.memory_space<semaphore_mem>>)
        %dma_wait3A = arith.constant 0 : i32
        %dma_wait3A_55 = tpu.memref_slice %arg6[%mul3A_17, %dma_wait3A] : memref<10240x128xf32, #tpu.memory_space<hbm>> -> memref<640x128xf32, #tpu.memory_space<hbm>>
        %dma_wait3A_56 = arith.constant 0 : i32
        %dma_wait3A_57 = tpu.memref_slice %arg12[%mul3A_17, %dma_wait3A_56] : memref<10240x128xf32, #tpu.memory_space<vmem_shared>> -> memref<640x128xf32, #tpu.memory_space<vmem_shared>>
        tpu.wait_dma2 semaphore(%run_scoped3A : memref<!tpu.dma_semaphore, #tpu.memory_space<semaphore_mem>>) src(%dma_wait3A_57 : memref<640x128xf32, #tpu.memory_space<vmem_shared>>) dst(%dma_wait3A_55 : memref<640x128xf32, #tpu.memory_space<hbm>>)
        tpu.yield
      }) : () -> ()
    } else {
    }
    %eq3A_47 = arith.constant 1 : i32
    %eq3A_48 = arith.cmpi eq, %arg0, %eq3A_47 : i32
    %convert_element_type3A_49 = arith.extui %eq3A_48 : i1 to i32
    %cond3A_50 = arith.constant 0 : i32
    %cond3A_51 = arith.cmpi ne, %convert_element_type3A_49, %cond3A_50 : i32
    scf.if %cond3A_51 {
      "tpu.region"() ({
        %run_scoped3A = tpu.sem_alloc : memref<!tpu.dma_semaphore, #tpu.memory_space<semaphore_mem>>
        %dma_start3A = arith.constant 0 : i32
        %dma_start3A_52 = tpu.memref_slice %arg7[%mul3A_17, %dma_start3A] : memref<10240x128xf32, #tpu.memory_space<hbm>> -> memref<640x128xf32, #tpu.memory_space<hbm>>
        %dma_start3A_53 = arith.constant 0 : i32
        %dma_start3A_54 = tpu.memref_slice %arg12[%mul3A_17, %dma_start3A_53] : memref<10240x128xf32, #tpu.memory_space<vmem_shared>> -> memref<640x128xf32, #tpu.memory_space<vmem_shared>>
        tpu.enqueue_dma source(%dma_start3A_54 : memref<640x128xf32, #tpu.memory_space<vmem_shared>>) target(%dma_start3A_52 : memref<640x128xf32, #tpu.memory_space<hbm>>) target_semaphore(%run_scoped3A : memref<!tpu.dma_semaphore, #tpu.memory_space<semaphore_mem>>)
        %dma_wait3A = arith.constant 0 : i32
        %dma_wait3A_55 = tpu.memref_slice %arg7[%mul3A_17, %dma_wait3A] : memref<10240x128xf32, #tpu.memory_space<hbm>> -> memref<640x128xf32, #tpu.memory_space<hbm>>
        %dma_wait3A_56 = arith.constant 0 : i32
        %dma_wait3A_57 = tpu.memref_slice %arg12[%mul3A_17, %dma_wait3A_56] : memref<10240x128xf32, #tpu.memory_space<vmem_shared>> -> memref<640x128xf32, #tpu.memory_space<vmem_shared>>
        tpu.wait_dma2 semaphore(%run_scoped3A : memref<!tpu.dma_semaphore, #tpu.memory_space<semaphore_mem>>) src(%dma_wait3A_57 : memref<640x128xf32, #tpu.memory_space<vmem_shared>>) dst(%dma_wait3A_55 : memref<640x128xf32, #tpu.memory_space<hbm>>)
        tpu.yield
      }) : () -> ()
    } else {
    }
    return
  }
}

module attributes {stable_mosaic.version = 14 : i64} {
  func.func @_dinv_body(%arg0: memref<2x10240xf32, #tpu.memory_space<vmem>>, %arg1: memref<1x10240xf32, #tpu.memory_space<vmem>>) attributes {dimension_semantics = [], scalar_prefetch = 0 : i64, scratch_operands = 0 : i64, tpu.core_type = #tpu.core_type<tc>} {
    %get3A = arith.constant 0 : index
    %get3A_0 = arith.constant 0 : index
    %get3A_1 = vector.load %arg0[%get3A, %get3A_0] : memref<2x10240xf32, #tpu.memory_space<vmem>>, vector<1x10240xf32>
    %get3A_2 = arith.constant 1 : index
    %get3A_3 = arith.constant 0 : index
    %get3A_4 = vector.load %arg0[%get3A_2, %get3A_3] : memref<2x10240xf32, #tpu.memory_space<vmem>>, vector<1x10240xf32>
    %add3A = arith.addf %get3A_1, %get3A_4 : vector<1x10240xf32>
    %add3A_5 = arith.constant 1.000000e+00 : f32
    %add3A_6 = vector.broadcast %add3A_5 : f32 to vector<1x10240xf32>
    %add3A_7 = arith.addf %add3A, %add3A_6 : vector<1x10240xf32>
    %gt3A = arith.constant 0.000000e+00 : f32
    %gt3A_8 = vector.broadcast %gt3A : f32 to vector<1x10240xf32>
    %gt3A_9 = arith.cmpf ogt, %add3A_7, %gt3A_8 : vector<1x10240xf32>
    %rsqrt3A = math.rsqrt %add3A_7 : vector<1x10240xf32>
    %jit3A = arith.constant 0.000000e+00 : f32
    %broadcast_in_dim3A = vector.broadcast %jit3A : f32 to vector<1x10240xf32>
    %select_n3A = arith.select %gt3A_9, %rsqrt3A, %broadcast_in_dim3A : vector<1x10240xi1>, vector<1x10240xf32>
    %swap3A = arith.constant 0 : index
    %swap3A_10 = arith.constant 0 : index
    %swap3A_11 = vector.load %arg1[%swap3A, %swap3A_10] : memref<1x10240xf32, #tpu.memory_space<vmem>>, vector<1x10240xf32>
    tpu.vector_store %arg1[%swap3A, %swap3A_10], %select_n3A {strides = array<i32>} : memref<1x10240xf32, #tpu.memory_space<vmem>>, vector<1x10240xf32>,
    return
  }
}

module attributes {stable_mosaic.version = 14 : i64} {
  func.func @_dense1_body(%arg0: memref<10000x128xf32, #tpu.memory_space<vmem>>, %arg1: memref<128x128xf32, #tpu.memory_space<vmem>>, %arg2: memref<10000x1xf32, #tpu.memory_space<vmem>>, %arg3: memref<10000x128xf32, #tpu.memory_space<vmem>>) attributes {dimension_semantics = [], scalar_prefetch = 0 : i64, scratch_operands = 0 : i64, tpu.core_type = #tpu.core_type<tc>} {
    %get3A = arith.constant 0 : index
    %get3A_0 = arith.constant 0 : index
    %get3A_1 = vector.load %arg2[%get3A, %get3A_0] : memref<10000x1xf32, #tpu.memory_space<vmem>>, vector<10000x1xf32>
    %get3A_2 = arith.constant 0 : index
    %get3A_3 = arith.constant 0 : index
    %get3A_4 = vector.load %arg0[%get3A_2, %get3A_3] : memref<10000x128xf32, #tpu.memory_space<vmem>>, vector<10000x128xf32>
    %get3A_5 = arith.constant 0 : index
    %get3A_6 = arith.constant 0 : index
    %get3A_7 = vector.load %arg1[%get3A_5, %get3A_6] : memref<128x128xf32, #tpu.memory_space<vmem>>, vector<128x128xf32>
    %dot_general3A = arith.constant dense<0.000000e+00> : vector<10000x128xf32>
    %dot_general3A_8 = tpu.matmul %get3A_4, %get3A_7, %dot_general3A {dimension_numbers = #tpu.dot_dimension_numbers<[1], [0], [0], [1], [0, 0, 1, 1], [], []>, transpose_lhs_hint = false} : vector<10000x128xf32>, vector<128x128xf32>, vector<10000x128xf32> -> vector<10000x128xf32>
    %mul3A = vector.broadcast %get3A_1 : vector<10000x1xf32> to vector<10000x128xf32>
    %mul3A_9 = arith.mulf %mul3A, %dot_general3A_8 : vector<10000x128xf32>
    %swap3A = arith.constant 0 : index
    %swap3A_10 = arith.constant 0 : index
    %swap3A_11 = vector.load %arg3[%swap3A, %swap3A_10] : memref<10000x128xf32, #tpu.memory_space<vmem>>, vector<10000x128xf32>
    tpu.vector_store %arg3[%swap3A, %swap3A_10], %mul3A_9 {strides = array<i32>} : memref<10000x128xf32, #tpu.memory_space<vmem>>, vector<10000x128xf32>,
    return
  }
}

module attributes {stable_mosaic.version = 14 : i64} {
  func.func @_dense2_body(%arg0: memref<10240x128xf32, #tpu.memory_space<vmem>>, %arg1: memref<10240x128xf32, #tpu.memory_space<vmem>>, %arg2: memref<10000x128xf32, #tpu.memory_space<vmem>>, %arg3: memref<10000x1xf32, #tpu.memory_space<vmem>>, %arg4: memref<1x128xf32, #tpu.memory_space<vmem>>, %arg5: memref<128x1xf32, #tpu.memory_space<vmem>>, %arg6: memref<10000x1xf32, #tpu.memory_space<vmem>>) attributes {dimension_semantics = [], scalar_prefetch = 0 : i64, scratch_operands = 0 : i64, tpu.core_type = #tpu.core_type<tc>} {
    %get3A = arith.constant 0 : index
    %get3A_0 = arith.constant 0 : index
    %get3A_1 = vector.load %arg3[%get3A, %get3A_0] : memref<10000x1xf32, #tpu.memory_space<vmem>>, vector<10000x1xf32>
    %get3A_2 = arith.constant 0 : index
    %get3A_3 = arith.constant 0 : index
    %get3A_4 = vector.load %arg0[%get3A_2, %get3A_3] : memref<10240x128xf32, #tpu.memory_space<vmem>>, vector<10000x128xf32>
    %get3A_5 = arith.constant 0 : index
    %get3A_6 = arith.constant 0 : index
    %get3A_7 = vector.load %arg1[%get3A_5, %get3A_6] : memref<10240x128xf32, #tpu.memory_space<vmem>>, vector<10000x128xf32>
    %add3A = arith.addf %get3A_4, %get3A_7 : vector<10000x128xf32>
    %get3A_8 = arith.constant 0 : index
    %get3A_9 = arith.constant 0 : index
    %get3A_10 = vector.load %arg2[%get3A_8, %get3A_9] : memref<10000x128xf32, #tpu.memory_space<vmem>>, vector<10000x128xf32>
    %add3A_11 = arith.addf %add3A, %get3A_10 : vector<10000x128xf32>
    %mul3A = vector.broadcast %get3A_1 : vector<10000x1xf32> to vector<10000x128xf32>
    %mul3A_12 = arith.mulf %mul3A, %add3A_11 : vector<10000x128xf32>
    %get3A_13 = arith.constant 0 : index
    %get3A_14 = arith.constant 0 : index
    %get3A_15 = vector.load %arg4[%get3A_13, %get3A_14] : memref<1x128xf32, #tpu.memory_space<vmem>>, vector<1x128xf32>
    %add3A_16 = vector.broadcast %get3A_15 : vector<1x128xf32> to vector<10000x128xf32>
    %add3A_17 = arith.addf %mul3A_12, %add3A_16 : vector<10000x128xf32>
    %max3A = arith.constant 0.000000e+00 : f32
    %max3A_18 = vector.broadcast %max3A : f32 to vector<10000x128xf32>
    %max3A_19 = arith.maximumf %add3A_17, %max3A_18 : vector<10000x128xf32>
    %get3A_20 = arith.constant 0 : index
    %get3A_21 = arith.constant 0 : index
    %get3A_22 = vector.load %arg5[%get3A_20, %get3A_21] : memref<128x1xf32, #tpu.memory_space<vmem>>, vector<128x1xf32>
    %dot_general3A = arith.constant dense<0.000000e+00> : vector<10000x1xf32>
    %dot_general3A_23 = tpu.matmul %max3A_19, %get3A_22, %dot_general3A {dimension_numbers = #tpu.dot_dimension_numbers<[1], [0], [0], [1], [0, 0, 1, 1], [], []>, transpose_lhs_hint = false} : vector<10000x128xf32>, vector<128x1xf32>, vector<10000x1xf32> -> vector<10000x1xf32>
    %mul3A_24 = arith.mulf %get3A_1, %dot_general3A_23 : vector<10000x1xf32>
    %swap3A = arith.constant 0 : index
    %swap3A_25 = arith.constant 0 : index
    %swap3A_26 = vector.load %arg6[%swap3A, %swap3A_25] : memref<10000x1xf32, #tpu.memory_space<vmem>>, vector<10000x1xf32>
    tpu.vector_store %arg6[%swap3A, %swap3A_25], %mul3A_24 {strides = array<i32>} : memref<10000x1xf32, #tpu.memory_space<vmem>>, vector<10000x1xf32>,
    return
  }
}

module attributes {stable_mosaic.version = 14 : i64} {
  func.func @_dense3_body(%arg0: memref<2x10240xf32, #tpu.memory_space<vmem>>, %arg1: memref<1x10000xf32, #tpu.memory_space<vmem>>, %arg2: memref<1x10240xf32, #tpu.memory_space<vmem>>, %arg3: memref<1x1xf32, #tpu.memory_space<vmem>>, %arg4: memref<1x10000xf32, #tpu.memory_space<vmem>>) attributes {dimension_semantics = [], scalar_prefetch = 0 : i64, scratch_operands = 0 : i64, tpu.core_type = #tpu.core_type<tc>} {
    %get3A = arith.constant 0 : index
    %get3A_0 = arith.constant 0 : index
    %get3A_1 = vector.load %arg0[%get3A, %get3A_0] : memref<2x10240xf32, #tpu.memory_space<vmem>>, vector<1x10000xf32>
    %get3A_2 = arith.constant 1 : index
    %get3A_3 = arith.constant 0 : index
    %get3A_4 = vector.load %arg0[%get3A_2, %get3A_3] : memref<2x10240xf32, #tpu.memory_space<vmem>>, vector<1x10000xf32>
    %add3A = arith.addf %get3A_1, %get3A_4 : vector<1x10000xf32>
    %get3A_5 = arith.constant 0 : index
    %get3A_6 = arith.constant 0 : index
    %get3A_7 = vector.load %arg2[%get3A_5, %get3A_6] : memref<1x10240xf32, #tpu.memory_space<vmem>>, vector<1x10000xf32>
    %get3A_8 = arith.constant 0 : index
    %get3A_9 = arith.constant 0 : index
    %get3A_10 = vector.load %arg1[%get3A_8, %get3A_9] : memref<1x10000xf32, #tpu.memory_space<vmem>>, vector<1x10000xf32>
    %add3A_11 = arith.addf %add3A, %get3A_10 : vector<1x10000xf32>
    %mul3A = arith.mulf %get3A_7, %add3A_11 : vector<1x10000xf32>
    %get3A_12 = arith.constant 0 : index
    %get3A_13 = arith.constant 0 : index
    %get3A_14 = vector.load %arg3[%get3A_12, %get3A_13] : memref<1x1xf32, #tpu.memory_space<vmem>>, vector<1x1xf32>
    %add3A_15 = vector.broadcast %get3A_14 : vector<1x1xf32> to vector<1x10000xf32>
    %add3A_16 = arith.addf %mul3A, %add3A_15 : vector<1x10000xf32>
    %swap3A = arith.constant 0 : index
    %swap3A_17 = arith.constant 0 : index
    %swap3A_18 = vector.load %arg4[%swap3A, %swap3A_17] : memref<1x10000xf32, #tpu.memory_space<vmem>>, vector<1x10000xf32>
    tpu.vector_store %arg4[%swap3A, %swap3A_17], %add3A_16 {strides = array<i32>} : memref<1x10000xf32, #tpu.memory_space<vmem>>, vector<1x10000xf32>,
    return
  }
}

</mosaic_0001>

<sc_bundles>
// kernel: kernel.12.cloned.1.call-start
scs
__scs_entry_jumppad:
0x0: {  	(pc) =	sbr.rel $0x88, $3  }
0x1: {  	(tag) =	ssettag $0x0;
	lr =	simm.s32 $0x1  }
0x2: {  	[smem:$0x3F9A] =	sst lr;
	_ =	strace $0xD0000000  }
0x3: {  	_ = 	snop  }
0x4: {  	_ = 	snop  }
0x5: {  	_ = 	snop  }
0x6: {  	_ = 	snop  }
0x7: {  	_ = 	snop  }
__scs_overlays_trampoline_lowered:
0x8: {  	[smem:$0x3FA9] =	sst s0  }
0x9: {  	[smem:$0x3FAA] =	sst s1  }
0xa: {  	[smem:$0x3FAB] =	sst s2  }
0xb: {  	[smem:$0x3FAC] =	sst s3  }
0xc: {  	[smem:$0x3FAD] =	sst s4  }
0xd: {  	[smem:$0x3FAE] =	sst s5  }
0xe: {  	[smem:$0x3FAF] =	sst s6  }
0xf: {  	[smem:$0x3FB0] =	sst s7  }
0x10: {  	[smem:$0x3FB1] =	sst s8  }
0x11: {  	[smem:$0x3FB2] =	sst s9;
	s0 =	simm.s32 @!p0 $0x0  }
0x12: {  	s1 =	sld [smem:$0x3F98];
	s0 =	simm.s32 @p0 $0x1  }
0x13: {  	[smem:$0x3FB3] =	sst s0;
	s0 =	simm.s32 @!p1 $0x0  }
0x14: {  	s2 =	sld [smem:$0x3F97];
	s0 =	simm.s32 @p1 $0x1  }
0x15: {  	[smem:$0x3FB4] =	sst s0;
	s0 =	simm.s32 @!p2 $0x0  }
0x16: {  	s3 =	sld [smem:$0x3FDB];
	s0 =	simm.s32 @p2 $0x1  }
0x17: {  	s4 =	simm.s32 $0x1BF5;
	[smem:$0x3FB6] =	sst s0  }
0x18: {  	s0 =	sld [smem:$0x3F99];
	_ =	swait.ge [sflag:s4], $0x0  }
0x19: {  	s7 =	sld [smem:$0x3F9A]  }
0x1a: {  	s8 =	sadd.s32 $0xFFFFE003, lr  }
0x1b: {  	s9 =	sadd.s32 $0xFFFFFEF7, lr;
	s5 =	simm.s32 $0xFFFFFFFF;
	p2 =	slt.u32 s8, $0xFFFFF086  }
0x1c: {  	p1 =	slt.u32 s9, $0xF7A;
	s5 =	simm.s32 @!p2 $0x0  }
0x1d: {  	s5 =	simm.s32 @p1 $0x1;
	p0 =	seq.s32 s7, s2  }
0x1e: {  	s7 =	smul.u32 @!p0 $0xF7A, s2;
	p2 =	seq.s32 @!p0 s5, $0x0  }
0x1f: {  	s9 =	smul.u32 $0xF7A, s1;
	s8 =	simm.s32 @!p0 $0x1BF5;
	p2 =	por !p2, p0  }
0x20: {  	[sflag:s8] =	ssyncset.s32 @!p0 $0xFFFFF086;
	s6 =	sadd.s32 @!p0 s3, s7;
	s7 =	simm.s32 @!p0 $0x108  }
0x21: {  	s3 =	sadd.s32 s3, s9;
	s6 =	sadd.s32 @!p0 $0x88, s6;
	s7 =	simm.s32 @p2 $0x1082  }
0x22: {  	[simem:s7], [sflag:s8] =	dma.local @!p0 [hbm:s6], $0xF7A  }
0x23: {  	s9 =	sor.u32 $0xD0000000, s2;
	s6 =	simm.s32 $0x108;
	_ =	swait.ge @!p0 [sflag:s8], $0x0  }
0x24: {  	s3 =	sadd.s32 $0x88, s3;
	s6 =	simm.s32 @!p1 $0x1082;
	[sflag:s4] =	ssyncset.s32 $0xFFFFF086  }
0x25: {  	[simem:s6], [sflag:s4] =	dma.local [hbm:s3], $0xF7A  }
0x26: {  	[smem:$0x3F9A] =	sst s1;
	(tag) =	ssettag s2;
	_ =	strace s9  }
0x27: {  	s1 =	sld [smem:$0x3FAA]  }
0x28: {  	s2 =	sld [smem:$0x3FAB]  }
0x29: {  	s4 =	sld [smem:$0x3FAD]  }
0x2a: {  	p0 =	seq.s32 s5, $0x0;
	s5 =	sld [smem:$0x3FAE]  }
0x2b: {  	s6 =	sld [smem:$0x3FAF]  }
0x2c: {  	s7 =	sld [smem:$0x3FB0]  }
0x2d: {  	s3 =	simm.s32 $0x108;
	s8 =	sld [smem:$0x3FB1]  }
0x2e: {  	s3 =	simm.s32 @!p0 $0x1082;
	s9 =	sld [smem:$0x3FB2]  }
0x2f: {  	lr =	sadd.s32 s0, s3;
	s0 =	sld [smem:$0x3FA9]  }
0x30: {  	s3 =	sld [smem:$0x3FAC]  }
0x31: {  	[smem:$0x3FB5] =	sst s10  }
0x32: {  	s10 =	sld [smem:$0x3FB3];
	_ =	sdelay $0x3  }
0x33: {  	p0 =	seq.s32 s10, $0x1;
	s10 =	sld [smem:$0x3FB5];
	_ =	sdelay $0x3  }
0x34: {  	[smem:$0x3FB5] =	sst s10  }
0x35: {  	s10 =	sld [smem:$0x3FB4];
	_ =	sdelay $0x3  }
0x36: {  	p1 =	seq.s32 s10, $0x1;
	s10 =	sld [smem:$0x3FB5];
	_ =	sdelay $0x3  }
0x37: {  	[smem:$0x3FB5] =	sst s10  }
0x38: {  	s10 =	sld [smem:$0x3FB6]  }
0x39: {  	_ = 	snop;
	(pc) =	sbr.ind lr, $3  }
0x3a: {  	_ = 	snop  }
0x3b: {  	_ = 	snop  }
0x3c: {  	p2 =	seq.s32 s10, $0x1;
	s10 =	sld [smem:$0x3FB5]  }
0x3d: {  	_ =	shalt  }
0x3e: {  	_ =	shalt  }
0x3f: {  	_ =	shalt  }
0x40: {  	_ =	shalt  }
0x41: {  	_ =	shalt  }
0x42: {  	_ =	shalt  }
0x43: {  	_ =	shalt  }
0x44: {  	_ =	shalt  }
0x45: {  	_ =	shalt  }
0x46: {  	_ =	shalt  }
0x47: {  	_ =	shalt  }
0x48: {  	_ =	shalt  }
0x49: {  	_ =	shalt  }
0x4a: {  	_ =	shalt  }
0x4b: {  	_ =	shalt  }
0x4c: {  	_ =	shalt  }
0x4d: {  	_ =	shalt  }
0x4e: {  	_ =	shalt  }
0x4f: {  	_ =	shalt  }
0x50: {  	_ =	shalt  }
0x51: {  	_ =	shalt  }
0x52: {  	_ =	shalt  }
0x53: {  	_ =	shalt  }
0x54: {  	_ =	shalt  }
0x55: {  	_ =	shalt  }
0x56: {  	_ =	shalt  }
0x57: {  	_ =	shalt  }
0x58: {  	_ =	shalt  }
0x59: {  	_ =	shalt  }
0x5a: {  	_ =	shalt  }
0x5b: {  	_ =	shalt  }
0x5c: {  	_ =	shalt  }
0x5d: {  	_ =	shalt  }
0x5e: {  	_ =	shalt  }
0x5f: {  	_ =	shalt  }
0x60: {  	_ =	shalt  }
0x61: {  	_ =	shalt  }
0x62: {  	_ =	shalt  }
0x63: {  	_ =	shalt  }
0x64: {  	_ =	shalt  }
0x65: {  	_ =	shalt  }
0x66: {  	_ =	shalt  }
0x67: {  	_ =	shalt  }
0x68: {  	_ =	shalt  }
0x69: {  	_ =	shalt  }
0x6a: {  	_ =	shalt  }
0x6b: {  	_ =	shalt  }
0x6c: {  	_ =	shalt  }
0x6d: {  	_ =	shalt  }
0x6e: {  	_ =	shalt  }
0x6f: {  	_ =	shalt  }
0x70: {  	_ =	shalt  }
0x71: {  	_ =	shalt  }
0x72: {  	_ =	shalt  }
0x73: {  	_ =	shalt  }
0x74: {  	_ =	shalt  }
0x75: {  	_ =	shalt  }
0x76: {  	_ =	shalt  }
0x77: {  	_ =	shalt  }
0x78: {  	_ =	shalt  }
0x79: {  	_ =	shalt  }
0x7a: {  	_ =	shalt  }
0x7b: {  	_ =	shalt  }
0x7c: {  	_ =	shalt  }
0x7d: {  	_ =	shalt  }
0x7e: {  	_ =	shalt  }
0x7f: {  	_ =	shalt  }
0x80: {  	_ =	shalt  }
0x81: {  	_ =	shalt  }
0x82: {  	_ =	shalt  }
0x83: {  	_ =	shalt  }
0x84: {  	_ =	shalt  }
0x85: {  	_ =	shalt  }
0x86: {  	_ =	shalt  }
0x87: {  	_ =	shalt  }
.Lfunc_end0:
.L_simem_size_0:
called_computation.1_lowered:
.L_overlay_start_0:
0x88: {  	s2 =	sld [smem:$0x3FD9]  }
0x89: {  	s3 =	sld [smem:$0x3FFE];
	_ =	sdelay $0x1  }
0x8a: {  	s1 =	srdreg.scid  }
0x8b: {  	s0 =	sand.u32 $0x1, s1  }
0x8c: {  	s16 =	sshll.u32 s0, $0xA;
	s2 =	sadd.s32 s3, s2  }
0x8d: {  	s2 =	sadd.s32 s2, s16  }
0x8e: {  	[smem:$0x3FC1] =	sst s2  }
0x8f: {  	_ = 	snop  }
0x90: {  	(tm) =	ssettm $0x1  }
0x91: {  	s17 =	sld [smem:$0x3FFB];
	_ =	sdelay $0x3  }
0x92: {  	_ =	strace s17  }
0x93: {  	s2 =	sld [smem:$0x3FFC];
	_ =	sdelay $0x3  }
0x94: {  	_ =	strace s2  }
0x95: {  	s2 =	sld [smem:$0x3FFD];
	_ =	sdelay $0x3  }
0x96: {  	_ =	strace s2  }
0x97: {  	_ =	strace $0x8FFFFFFF  }
0x98: {  	s18 =	sld [smem:$0x3FDB];
	_ =	sdelay $0x1  }
0x99: {  	s19 =	simm.s32 $_scs_section_size  }
0x9a: {  	s4 =	simm.s32 $_size__tile_overlayer_lowered;
	s5 =	simm.s32 $_tile_overlayer_lowered  }
0x9b: {  	s22 =	simm.s32 $0x1BFF;
	s21 =	sshll.u32 s5, $0x1;
	s2 =	sadd.s32 s19, s18  }
0x9c: {  	s6 =	simm.s32 $0x0;
	s20 =	sshll.u32 s4, $0x1;
	s4 =	sadd.s32 s21, s2  }
0x9d: {  	[timem:s6], [sflag:s22] =	dma.local [hbm:s4], s20  }
0x9e: {  	_ =	swait.ge [sflag:s22], s20  }
0x9f: {  	s3 =	ssub.s32 $0x0, s20;
	[sflag:s22] =	ssyncset.done $0x0  }
0xa0: {  	[sflag:s22] =	ssyncadd.s32 s3;
	_ =	sdelay $0x1  }
0xa1: {  	s23 =	simm.s32 $0x1B8B  }
0xa2: {  	_ =	swait.ge [sflag:s23], $0x1  }
0xa3: {  	[sflag:s23] =	ssyncset.done $0x0  }
0xa4: {  	s25 =	simm.s32 $0x1B8E;
	s24 =	sld [smem:$0x3FFE];
	[sflag:s23] =	ssyncadd.s32 $0xFFFFFFFF  }
0xa5: {  	s26 =	simm.s32 $execute0_lowered;
	[smem:$0x3FD2] =	sst s25  }
0xa6: {  	s4 =	sshll.u32 s26, $0x1;
	_ =	strace $0x80000049;
	[dreg:$0x1] =	wrdreg $0xFFFFFFFF  }
0xa7: {  	s28 =	simm.s32 $_size_execute0_lowered;
	s2 =	sadd.s32 s2, s4;
	[dreg:$0x0] =	wrdreg $0x0  }
0xa8: {  	s4 =	sshll.u32 s28, $0x1;
	[dreg:$0x2] =	wrdreg s2  }
0xa9: {  	[dreg:$0x3] =	wrdreg s4  }
0xaa: {  	[dreg:$0x4] =	wrdreg $0xC0  }
0xab: {  	_ =	task [dreg:s6], $0x5FFFF  }
0xac: {  	[dreg:$0x1] =	wrdreg $0xFFFFFFFF  }
0xad: {  	[dreg:$0x0] =	wrdreg $0x60  }
0xae: {  	[dreg:$0x2] =	wrdreg s24  }
0xaf: {  	[dreg:$0x3] =	wrdreg $0x98000  }
0xb0: {  	[dreg:$0x4] =	wrdreg $0x9  }
0xb1: {  	_ =	task.clear_ibuf [dreg:s6], $0x5FFFF;
	_ =	strace $0x90000049  }
0xb2: {  	s29 =	simm.s32 $0x9;
	_ =	strace $0x8000004B  }
0xb3: {  	_ =	swait.ge [sflag:s29], $0x1  }
0xb4: {  	[sflag:s29] =	ssyncadd.s32 $0xFFFFFFFF  }
0xb5: {  	_ =	strace $0x9000004B  }
0xb6: {  	_ =	sfence  }
0xb7: {  	s30 =	sld [smem:$0x0];
	_ =	sdelay $0x2  }
0xb8: {  	s31 =	sshll.u32 s1, $0xD;
	s1 =	sshrl.u32 s1, $0x2  }
0xb9: {  	s3 =	sand.u32 $0x4000, s31;
	s1 =	sadd.s32 s1, s30  }
0xba: {  	s0 =	sor.u32 s3, s0;
	s1 =	sshll.u32 s1, $0x11  }
0xbb: {  	s0 =	sor.u32 s1, s0  }
0xbc: {  	s0 =	sadd.s32 $0x8F2B, s0  }
0xbd: {  	[sflag:s0] =	ssyncadd.remote.s32 $0x1  }
0xbe: {  	_ =	sfence.sel $0xFFFF  }
0xbf: {  	[dreg:$0x0] =	wrdreg $0xFFFFFFFF;
	(pc) =	sbr.abs _section_cstart, $3  }
0xc0: {  	[dreg:$0x1] =	wrdreg $0xFFFFFFFF  }
0xc1: {  	_ =	task.clear_ibuf [dreg:s6], $0x2FFFF;
	_ =	strace $0x9FFFFFFF  }
0xc2: {  	(tm) =	ssettm $0x7FFFFFFF  }
0xc3: {  	_ =	shalt  }
tec
execute0_lowered:
.L_overlay_start_1:
0x0: {  	(tag) =	ssettag $0x1  }
0x1: {  	s8 =	rddreg [dreg:$0x0]  }
0x2: {  	s1 =	rddreg [dreg:$0x1]  }
0x3: {  	s2 =	simm.s32 $0x0;
	s4 =	srdreg.scid;
	s0 =	stileid.u32  }
0x4: {  	s19 =	simm.s32 $0x1000;
	s20 =	simm.s32 $0x80;
	s21 =	simm.s32 $0x2  }
0x5: {  	[smem:$0x7FF] =	sst s2;
	s3 =	sadd.s32 $0x2B400, s8;
	s5 =	sadd.s32 $0x21200, s8  }
0x6: {  	s6 =	sadd.s32 $0x2200, s8;
	s9 =	sand.u32 $0x1, s4;
	s7 =	sadd.s32 $0x16600, s8  }
0x7: {  	s16 =	sadd.s32 $0x52600, s8;
	s12 =	smul.u32 $0x50000, s0;
	s17 =	sadd.s32 $0x7A600, s8  }
0x8: {  	s29 =	sshll.u32 s0, $0x3;
	s8 =	simm.s32 $0x98;
	s18 =	smul.u32 $0x2800, s0  }
0x9: {  	_ =	strace $0x8000004A;
	s10 =	ssub.s32 $0x2, s9;
	p0 =	seq.s32 s9, $0x0  }
0xa: {  	s9 =	sor.u32 $0x980, s29;
	s11 =	sshrl.u32 s10, $0x1;
	s30 =	sshrl.u32 s12, $0x2  }
0xb: {  	s8 =	simm.s32 @!p0 $0x8;
	s17 =	smov.u32 @p0 s16;
	s15 =	ssub.s32 s10, s11  }
0xc: {  	s11 =	smul.u32 $0x98, s0;
	s10 =	sadd.s32 s30, s1;
	s16 =	sadd.s32 s17, s18  }
0xd: {  	s17 =	simm.s32 $0x1800;
	s18 =	simm.s32 $0x3;
	s31 =	sadd.s32 $0x4000, s10  }
0xe: {  	s12 =	sadd.s32 $0x8000, s10;
	s13 =	sadd.s32 $0xC000, s10;
	s14 =	sadd.s32 $0x10000, s10  }
0xf: {  	v0 =	vimm.f32 $0.0e+00;
	s15 =	smax.u32 s15, $0x1;
	s9 =	smov.u32 @p0 s11;
	[dreg:$0x3] =	wrdreg s31  }
.LBB2_1:
0x10: {  	s22 =	simm.s32 $0x0;
	s23 =	simm.s32 $0x200  }
.LBB2_2:
0x11: {  	p0 =	sne.s32 s23, $0xFE00;
	[tilespmem:s22+$0x1870] =	vst v0  }
0x12: {  	[tilespmem:s22+$0x1800] =	vst v0  }
0x13: {  	[tilespmem:s22+$0x1810] =	vst v0  }
.Ltmp0:
0x14: {  	[tilespmem:s22+$0x1820] =	vst v0;
	(pc) =	sbr.rel @p0 .LBB2_2-.Ltmp0, $4  }
0x15: {  	[tilespmem:s22+$0x1830] =	vst v0  }
0x16: {  	[tilespmem:s22+$0x1840] =	vst v0  }
0x17: {  	[tilespmem:s22+$0x1850] =	vst v0  }
0x18: {  	[tilespmem:s22+$0x1860] =	vst v0;
	s22 =	sshra.s32 s23, $0x2;
	s23 =	sadd.s32 $0x200, s23  }
0x19: {  	[tilespmem:s22+$0x1870] =	vst v0  }
0x1a: {  	[tilespmem:s22+$0x1800] =	vst v0  }
0x1b: {  	[tilespmem:s22+$0x1810] =	vst v0  }
0x1c: {  	[tilespmem:s22+$0x1820] =	vst v0  }
0x1d: {  	[tilespmem:s22+$0x1830] =	vst v0  }
0x1e: {  	[tilespmem:s22+$0x1840] =	vst v0  }
0x1f: {  	[tilespmem:s22+$0x1850] =	vst v0  }
0x20: {  	[tilespmem:s22+$0x1860] =	vst v0  }
0x21: {  	[spmem:s10] =	stream.linear.scatter [tilespmem:s17], [sflag:$0x3], $0x4000, $0x38;
	[tilespmem:$0x1D800] =	vst v63  }
0x22: {  	_ =	swait.ge [sflag:s18], $0x4000  }
0x23: {  	[sflag:s18] =	ssyncset.done $0x0  }
0x24: {  	s0 =	rddreg [dreg:$0x3];
	[sflag:s18] =	ssyncadd.s32 $0xFFFFC000  }
0x25: {  	[spmem:s0] =	stream.linear.scatter [tilespmem:s17], [sflag:$0x3], $0x4000, $0x38;
	[tilespmem:$0x1D800] =	vst v63  }
0x26: {  	_ =	swait.ge [sflag:s18], $0x4000  }
0x27: {  	[sflag:s18] =	ssyncset.done $0x0  }
0x28: {  	[sflag:s18] =	ssyncadd.s32 $0xFFFFC000  }
0x29: {  	[spmem:s12] =	stream.linear.scatter [tilespmem:s17], [sflag:$0x3], $0x4000, $0x38;
	[tilespmem:$0x1D800] =	vst v63  }
0x2a: {  	_ =	swait.ge [sflag:s18], $0x4000  }
0x2b: {  	[sflag:s18] =	ssyncset.done $0x0  }
0x2c: {  	[sflag:s18] =	ssyncadd.s32 $0xFFFFC000  }
0x2d: {  	[spmem:s13] =	stream.linear.scatter [tilespmem:s17], [sflag:$0x3], $0x4000, $0x38;
	[tilespmem:$0x1D800] =	vst v63  }
0x2e: {  	_ =	swait.ge [sflag:s18], $0x4000  }
0x2f: {  	[sflag:s18] =	ssyncset.done $0x0  }
0x30: {  	[sflag:s18] =	ssyncadd.s32 $0xFFFFC000  }
0x31: {  	[spmem:s14] =	stream.linear.scatter [tilespmem:s17], [sflag:$0x3], $0x4000, $0x38;
	[tilespmem:$0x1D800] =	vst v63  }
0x32: {  	_ =	swait.ge [sflag:s18], $0x4000  }
0x33: {  	[sflag:s18] =	ssyncset.done $0x0  }
0x34: {  	s22 =	simm.s32 $0x0;
	[sflag:s18] =	ssyncadd.s32 $0xFFFFC000  }
0x35: {  	p0 =	por $0x0, $0x0;
	s23 =	simm.s32 $0x0;
	[bflag:$0x0] =	sbarrier.arrive $0xFFFF  }
.LBB2_4:
0x36: {  	s24 =	sand.u32 $0xF, s23  }
0x37: {  	p1 =	sne.s32 s24, $0x0  }
0x38: {  	s25 =	simm.s32 @p1 $0x1  }
0x39: {  	p2 =	seq.s32 @!p1 s23, $0x0;
	_ =	swait.ge @p1 [sflag:s25], $0x4000  }
0x3a: {  	p2 =	por p2, p1;
	[sflag:s25] =	ssyncset.done @p1 $0x0  }
0x3b: {  	s26 =	sadd.s32 @!p1 s9, s23;
	[sflag:s25] =	ssyncadd.s32 @p1 $0xFFFFC000;
	s25 =	simm.s32 @!p2 $0x2  }
0x3c: {  	s26 =	sshll.u32 @!p1 s26, $0x4;
	_ =	swait.ge @!p2 [sflag:s25], $0x4000  }
0x3d: {  	s28 =	sand.u32 @!p1 $0x1FFFFF80, s26;
	[sflag:s25] =	ssyncset.done @!p2 $0x0  }
0x3e: {  	s29 =	simm.s32 @!p1 $0x0;
	[sflag:s25] =	ssyncadd.s32 @!p2 $0xFFFFC000;
	s25 =	sadd.s32 @!p1 s5, s28  }
0x3f: {  	[tilespmem:s29], [sflag:$0x3] =	stream.linear.gather @!p1 [hbm4b:s25+s29], $0x800, $0x38;
	[tilespmem:$0x1D800] =	vst v63  }
0x40: {  	s25 =	simm.s32 @!p1 $0x3  }
0x41: {  	_ =	swait.ge @!p1 [sflag:s25], $0x800  }
0x42: {  	[sflag:s25] =	ssyncset.done @!p1 $0x0  }
0x43: {  	s30 =	simm.s32 @!p1 $0x800;
	s26 =	sadd.s32 @!p1 s6, s26;
	[sflag:s25] =	ssyncadd.s32 @!p1 $0xFFFFF800  }
0x44: {  	[tilespmem:s30], [sflag:$0x3] =	stream.linear.gather @!p1 [hbm4b:s26+s29], $0x800, $0x38;
	[tilespmem:$0x1D800] =	vst v63  }
0x45: {  	_ =	swait.ge @!p1 [sflag:s25], $0x800  }
0x46: {  	[sflag:s25] =	ssyncset.done @!p1 $0x0  }
0x47: {  	s26 =	sadd.s32 @!p1 s7, s28;
	s28 =	simm.s32 @!p1 $0x1000;
	[sflag:s25] =	ssyncadd.s32 @!p1 $0xFFFFF800  }
0x48: {  	[tilespmem:s28], [sflag:$0x3] =	stream.linear.gather @!p1 [hbm4b:s26+s29], $0x800, $0x38;
	[tilespmem:$0x1D800] =	vst v63  }
0x49: {  	s0 =	sand.u32 $0xF, s22;
	_ =	swait.ge @!p1 [sflag:s25], $0x800  }
0x4a: {  	s28 =	sshll.u32 s0, $0x7;
	s26 =	simm.s32 @!p1 $0x1800;
	[sflag:s25] =	ssyncset.done @!p1 $0x0  }
0x4b: {  	s30 =	sadd.s32 $0xFFFFFFFC, s28;
	[sflag:s25] =	ssyncadd.s32 @!p1 $0xFFFFF800;
	s25 =	simm.s32 @!p1 $0x80  }
0x4c: {  	[tilespmem:s26], [sflag:$0x1] =	stream.indirect.gather @!p1 [hbm4b:s3+s25], $0x80, s29, s25, $0xb8;
	[tilespmem:$0x1D800] =	vst v63  }
0x4d: {  	s31 =	simm.s32 @!p1 $0x1;
	p2 =	seq.s32 s24, $0xF;
	s29 =	sadd.s32 $0x4, s30  }
0x4e: {  	s26 =	simm.s32 $0x1;
	s25 =	sand.u32 $0x1, s23;
	s23 =	sadd.s32 $0x1, s23;
	v1 =	vmov s29  }
0x4f: {  	s31 =	simm.s32 @p1 $0x2;
	s26 =	simm.s32 @!p0 $0x0;
	p1 =	sge.u32 @!p2 s23, s8;
	v1 =	vand.u32 $0xFFFFFFFC, v1  }
0x50: {  	_ =	swait.ge [sflag:s31], $0x4000;
	s26 =	sshll.u32 s26, $0xE;
	p1 =	por p1, p2;
	v1 =	vbroadcast v1, $0x0  }
0x51: {  	[sflag:s31] =	ssyncset.done $0x0;
	s26 =	sor.u32 $0x1900, s26;
	s29 =	sshll.u32 @!p1 s23, $0xE  }
0x52: {  	[sflag:s31] =	ssyncadd.s32 $0xFFFFC000;
	s31 =	sshll.u32 @!p1 s24, $0x7;
	s29 =	sand.u32 @!p1 $0x4000, s29  }
0x53: {  	s0 =	simm.s32 @!p1 $0x80;
	s31 =	sadd.s32 @!p1 $0x80, s31;
	s29 =	sor.u32 @!p1 $0x1800, s29  }
0x54: {  	[tilespmem:s29], [sflag:$0x1] =	stream.indirect.gather @!p1 [hbm4b:s3+s0], $0x80, s31, s0, $0xb8;
	[tilespmem:$0x1D800] =	vst v63  }
0x55: {  	v2 =	vld [tilespmem:s26+$0xFFFFFF70]  }
0x56: {  	v1 =	vld.idx.msk [tilespmem:v1+s19+$0x0], $0xffff  }
0x57: {  	v3 =	vld [tilespmem:s26+$0xFFFFFF00]  }
0x58: {  	v4 =	vld [tilespmem:s26+$0xFFFFFF20]  }
0x59: {  	v5 =	vld [tilespmem:s26+$0xFFFFFF50]  }
0x5a: {  	v6 =	vld [tilespmem:s26+$0xFFFFFF40]  }
0x5b: {  	v7 =	vld [tilespmem:s26+$0xFFFFFF60];
	v2 =	vmul.f32 v2, v1  }
0x5c: {  	s4 =	sadd.s32 $0x5, s30;
	v8 =	vld [tilespmem:s26+$0xFFFFFF30];
	v3 =	vmul.f32 v3, v1  }
0x5d: {  	v9 =	vmov s4;
	v10 =	vld [tilespmem:s26+$0xFFFFFF10];
	v4 =	vmul.f32 v4, v1;
	[tilespmem:s26+$0xFFFFFF70] =	vst v2  }
0x5e: {  	v5 =	vmul.f32 v5, v1;
	v2 =	vand.u32 $0xFFFFFFFD, v9;
	[tilespmem:s26+$0xFFFFFF00] =	vst v3  }
0x5f: {  	v3 =	vmul.f32 v6, v1;
	[tilespmem:s26+$0xFFFFFF20] =	vst v4;
	v2 =	vbroadcast v2, $0x0  }
0x60: {  	v4 =	vmul.f32 v7, v1;
	[tilespmem:s26+$0xFFFFFF50] =	vst v5  }
0x61: {  	v5 =	vmul.f32 v8, v1;
	[tilespmem:s26+$0xFFFFFF40] =	vst v3  }
0x62: {  	v1 =	vmul.f32 v10, v1;
	[tilespmem:s26+$0xFFFFFF60] =	vst v4  }
0x63: {  	[tilespmem:s26+$0xFFFFFF30] =	vst v5  }
0x64: {  	[tilespmem:s26+$0xFFFFFF10] =	vst v1;
	v1 =	vld [tilespmem:s26+$0xFFFFFF90]  }
0x65: {  	v3 =	vld.idx.msk [tilespmem:v2+s19+$0x0], $0xffff  }
0x66: {  	v2 =	vld [tilespmem:s26+$0xFFFFFFA0]  }
0x67: {  	v4 =	vld [tilespmem:s26+$0xFFFFFF80]  }
0x68: {  	v5 =	vld [tilespmem:s26+$0xFFFFFFB0]  }
0x69: {  	v6 =	vld [tilespmem:s26+$0xFFFFFFC0]  }
0x6a: {  	v7 =	vld [tilespmem:s26+$0xFFFFFFD0];
	v1 =	vmul.f32 v1, v3  }
0x6b: {  	s11 =	sadd.s32 $0x6, s30;
	v8 =	vld [tilespmem:s26+$0xFFFFFFF0];
	v2 =	vmul.f32 v2, v3  }
0x6c: {  	v62 =	vmov s11;
	v63 =	vld [tilespmem:s26+$0xFFFFFFE0];
	v4 =	vmul.f32 v4, v3;
	[tilespmem:s26+$0xFFFFFF90] =	vst v1  }
0x6d: {  	v5 =	vmul.f32 v5, v3;
	v1 =	vand.u32 $0xFFFFFFFE, v62;
	[tilespmem:s26+$0xFFFFFFA0] =	vst v2  }
0x6e: {  	v2 =	vmul.f32 v6, v3;
	[tilespmem:s26+$0xFFFFFF80] =	vst v4;
	v9 =	vbroadcast v1, $0x0  }
0x6f: {  	v4 =	vmul.f32 v7, v3;
	[tilespmem:s26+$0xFFFFFFB0] =	vst v5;
	v6 =	vld [tilespmem:s26+$0x60]  }
0x70: {  	v5 =	vmul.f32 v8, v3;
	v7 =	vld [tilespmem:s26+$0x0];
	[tilespmem:s26+$0xFFFFFFC0] =	vst v2  }
0x71: {  	v3 =	vmul.f32 v63, v3;
	v1 =	vld [tilespmem:s26+$0x20];
	[tilespmem:s26+$0xFFFFFFD0] =	vst v4  }
0x72: {  	v2 =	vld [tilespmem:s26+$0x30];
	[tilespmem:s26+$0xFFFFFFF0] =	vst v5  }
0x73: {  	v4 =	vld [tilespmem:s26+$0x40];
	[tilespmem:s26+$0xFFFFFFE0] =	vst v3  }
0x74: {  	v3 =	vld.idx.msk [tilespmem:v9+s19+$0x0], $0xffff  }
0x75: {  	s29 =	simm.s32 $0x0;
	s31 =	sadd.s32 $0x7, s30;
	s30 =	smov.u32 s26;
	v5 =	vld [tilespmem:s26+$0x10]  }
.LBB2_5:
0x76: {  	v8 =	vld [tilespmem:s26+$0x50];
	s30 =	sadd.s32 $0x200, s30;
	s0 =	smov.u32 s29;
	s29 =	sadd.s32 $0x4, s29  }
0x77: {  	p1 =	slt.u32 s29, $0x7C;
	v9 =	vld [tilespmem:s26+$0x70];
	_ =	sdelay $0x1  }
0x78: {  	v6 =	vmul.f32 v6, v3;
	v7 =	vmul.f32 v7, v3  }
0x79: {  	v4 =	vmul.f32 v4, v3;
	v5 =	vmul.f32 v5, v3  }
0x7a: {  	v1 =	vmul.f32 v1, v3;
	v2 =	vmul.f32 v2, v3;
	[tilespmem:s26+$0x60] =	vst v6  }
0x7b: {  	[tilespmem:s26+$0x40] =	vst v4;
	v4 =	vmul.f32 v8, v3;
	v3 =	vmul.f32 v9, v3  }
0x7c: {  	[tilespmem:s26+$0x20] =	vst v1;
	v6 =	vld [tilespmem:s26+$0x80]  }
0x7d: {  	v1 =	vld [tilespmem:s30+$0x20];
	[tilespmem:s26+$0x0] =	vst v7;
	v7 =	vmov s31  }
0x7e: {  	[tilespmem:s26+$0x50] =	vst v4;
	v4 =	vld [tilespmem:s26+$0xE0]  }
0x7f: {  	[tilespmem:s26+$0x30] =	vst v2;
	v8 =	vld [tilespmem:s26+$0xC0]  }
0x80: {  	v2 =	vld [tilespmem:s30+$0x30];
	[tilespmem:s26+$0x10] =	vst v5  }
0x81: {  	[tilespmem:s26+$0x70] =	vst v3;
	v3 =	vld [tilespmem:s26+$0xA0]  }
0x82: {  	v5 =	vld.idx.msk [tilespmem:v7+s19+$0x0], $0xffff  }
0x83: {  	v7 =	vld [tilespmem:s26+$0x90]  }
0x84: {  	v9 =	vld [tilespmem:s26+$0xB0]  }
0x85: {  	v10 =	vld [tilespmem:s26+$0xD0]  }
0x86: {  	v11 =	vld [tilespmem:s26+$0xF0];
	_ =	sdelay $0x1  }
0x87: {  	s0 =	sadd.s32 s0, s28;
	v6 =	vmul.f32 v6, v5;
	v7 =	vmul.f32 v7, v5  }
0x88: {  	s4 =	sadd.s32 $0x5, s0;
	s11 =	sadd.s32 $0x6, s0;
	s31 =	sadd.s32 $0x4, s0;
	v3 =	vmul.f32 v3, v5;
	v9 =	vmul.f32 v9, v5  }
0x89: {  	v12 =	vmov s31;
	s31 =	sadd.s32 $0x7, s0;
	[tilespmem:s26+$0x80] =	vst v6;
	v6 =	vmul.f32 v8, v5;
	v8 =	vmul.f32 v10, v5  }
0x8a: {  	v10 =	vand.u32 $0xFFFFFFFC, v12;
	[tilespmem:s26+$0xA0] =	vst v3;
	v3 =	vmul.f32 v4, v5;
	v4 =	vmul.f32 v11, v5  }
0x8b: {  	v5 =	vbroadcast v10, $0x0;
	v10 =	vmov s4;
	v11 =	vmov s11;
	[tilespmem:s26+$0xC0] =	vst v6  }
0x8c: {  	v6 =	vand.u32 $0xFFFFFFFD, v10;
	v10 =	vand.u32 $0xFFFFFFFE, v11;
	[tilespmem:s26+$0xF0] =	vst v4  }
0x8d: {  	v4 =	vld [tilespmem:s30+$0xFFFFFF40];
	[tilespmem:s26+$0xE0] =	vst v3  }
0x8e: {  	v3 =	vld [tilespmem:s30+$0xFFFFFF50];
	[tilespmem:s26+$0x90] =	vst v7  }
0x8f: {  	v7 =	vld [tilespmem:s30+$0xFFFFFF60];
	[tilespmem:s26+$0xB0] =	vst v9  }
0x90: {  	v9 =	vld [tilespmem:s30+$0xFFFFFF70];
	[tilespmem:s26+$0xD0] =	vst v8;
	s26 =	smov.u32 s30  }
0x91: {  	v5 =	vld.idx.msk [tilespmem:v5+s19+$0x0], $0xffff  }
0x92: {  	v8 =	vld [tilespmem:s30+$0xFFFFFF00]  }
0x93: {  	v11 =	vld [tilespmem:s30+$0xFFFFFF20]  }
0x94: {  	v12 =	vld [tilespmem:s30+$0xFFFFFF10]  }
0x95: {  	v13 =	vld [tilespmem:s30+$0xFFFFFF30];
	_ =	sdelay $0x1  }
0x96: {  	v9 =	vmul.f32 v9, v5;
	v8 =	vmul.f32 v8, v5  }
0x97: {  	v7 =	vmul.f32 v7, v5;
	v11 =	vmul.f32 v11, v5  }
0x98: {  	v3 =	vmul.f32 v3, v5;
	v12 =	vmul.f32 v12, v5;
	[tilespmem:s30+$0xFFFFFF70] =	vst v9  }
0x99: {  	v4 =	vmul.f32 v4, v5;
	[tilespmem:s30+$0xFFFFFF00] =	vst v8;
	v8 =	vmul.f32 v13, v5  }
0x9a: {  	v5 =	vbroadcast v6, $0x0;
	[tilespmem:s30+$0xFFFFFF20] =	vst v11  }
0x9b: {  	[tilespmem:s30+$0xFFFFFF50] =	vst v3  }
0x9c: {  	[tilespmem:s30+$0xFFFFFF40] =	vst v4;
	v3 =	vld [tilespmem:s30+$0xFFFFFFF0]  }
0x9d: {  	[tilespmem:s30+$0xFFFFFF60] =	vst v7;
	v4 =	vld [tilespmem:s30+$0xFFFFFFC0]  }
0x9e: {  	[tilespmem:s30+$0xFFFFFF30] =	vst v8;
	v6 =	vld [tilespmem:s30+$0xFFFFFFD0]  }
0x9f: {  	[tilespmem:s30+$0xFFFFFF10] =	vst v12;
	v7 =	vld [tilespmem:s30+$0xFFFFFF90]  }
0xa0: {  	v5 =	vld.idx.msk [tilespmem:v5+s19+$0x0], $0xffff  }
0xa1: {  	v8 =	vld [tilespmem:s30+$0xFFFFFF80]  }
0xa2: {  	v9 =	vld [tilespmem:s30+$0xFFFFFFA0]  }
0xa3: {  	v11 =	vld [tilespmem:s30+$0xFFFFFFB0]  }
0xa4: {  	v12 =	vld [tilespmem:s30+$0xFFFFFFE0];
	_ =	sdelay $0x1  }
0xa5: {  	v7 =	vmul.f32 v7, v5;
	v8 =	vmul.f32 v8, v5  }
0xa6: {  	v6 =	vmul.f32 v6, v5;
	v9 =	vmul.f32 v9, v5  }
0xa7: {  	v4 =	vmul.f32 v4, v5;
	[tilespmem:s30+$0xFFFFFF90] =	vst v7;
	v7 =	vmul.f32 v11, v5  }
0xa8: {  	v3 =	vmul.f32 v3, v5;
	[tilespmem:s30+$0xFFFFFFA0] =	vst v9;
	v9 =	vmul.f32 v12, v5  }
0xa9: {  	v5 =	vbroadcast v10, $0x0;
	[tilespmem:s30+$0xFFFFFF80] =	vst v8  }
0xaa: {  	[tilespmem:s30+$0xFFFFFFB0] =	vst v7  }
0xab: {  	[tilespmem:s30+$0xFFFFFFC0] =	vst v4  }
0xac: {  	[tilespmem:s30+$0xFFFFFFD0] =	vst v6  }
.Ltmp1:
0xad: {  	[tilespmem:s30+$0xFFFFFFF0] =	vst v3;
	v4 =	vld [tilespmem:s30+$0x40];
	(pc) =	sbr.rel @p1 .LBB2_5-.Ltmp1, $4  }
0xae: {  	[tilespmem:s30+$0xFFFFFFE0] =	vst v9;
	v6 =	vld [tilespmem:s30+$0x60]  }
0xaf: {  	v3 =	vld.idx.msk [tilespmem:v5+s19+$0x0], $0xffff  }
0xb0: {  	v7 =	vld [tilespmem:s30+$0x0]  }
0xb1: {  	v5 =	vld [tilespmem:s30+$0x10]  }
0xb2: {  	_ =	sdelay $0x1  }
0xb3: {  	v6 =	vmul.f32 v6, v3  }
0xb4: {  	v8 =	vld [tilespmem:s26+$0x50];
	v4 =	vmul.f32 v4, v3  }
0xb5: {  	v9 =	vld [tilespmem:s26+$0x70];
	v1 =	vmul.f32 v1, v3;
	[tilespmem:s26+$0x60] =	vst v6  }
0xb6: {  	v54 =	vmul.f32 v7, v3;
	[tilespmem:s26+$0x40] =	vst v4  }
0xb7: {  	[tilespmem:s26+$0x20] =	vst v1;
	v1 =	vmul.f32 v2, v3  }
0xb8: {  	v56 =	vmov s31;
	v5 =	vmul.f32 v5, v3;
	[tilespmem:s26+$0x0] =	vst v54  }
0xb9: {  	v55 =	vmul.f32 v8, v3;
	[tilespmem:s26+$0x30] =	vst v1  }
0xba: {  	v3 =	vmul.f32 v9, v3;
	[tilespmem:s26+$0x10] =	vst v5  }
0xbb: {  	[tilespmem:s26+$0x50] =	vst v55  }
0xbc: {  	v2 =	vld [tilespmem:s26+$0x80];
	[tilespmem:s26+$0x70] =	vst v3  }
0xbd: {  	v1 =	vld.idx.msk [tilespmem:v56+s19+$0x0], $0xffff  }
0xbe: {  	v3 =	vld [tilespmem:s26+$0xA0]  }
0xbf: {  	v59 =	vld [tilespmem:s26+$0xE0]  }
0xc0: {  	v57 =	vld [tilespmem:s26+$0xC0]  }
0xc1: {  	v58 =	vld [tilespmem:s26+$0xF0]  }
0xc2: {  	v60 =	vld [tilespmem:s26+$0x90];
	v2 =	vmul.f32 v2, v1  }
0xc3: {  	v61 =	vld [tilespmem:s26+$0xB0];
	v3 =	vmul.f32 v3, v1  }
0xc4: {  	v62 =	vld [tilespmem:s26+$0xD0];
	v63 =	vmul.f32 v59, v1;
	[tilespmem:s26+$0x80] =	vst v2  }
0xc5: {  	v2 =	vmul.f32 v57, v1;
	[tilespmem:s26+$0xA0] =	vst v3  }
0xc6: {  	v3 =	vmul.f32 v58, v1;
	[tilespmem:s26+$0xE0] =	vst v63  }
0xc7: {  	p1 =	sne.s32 s23, s8;
	[tilespmem:s26+$0xC0] =	vst v2;
	v2 =	vmul.f32 v60, v1  }
.Ltmp2:
0xc8: {  	[tilespmem:s26+$0xF0] =	vst v3;
	v3 =	vmul.f32 v61, v1;
	(pc) =	sbr.rel @p1 .LBB2_4-.Ltmp2, $4  }
0xc9: {  	v1 =	vmul.f32 v62, v1;
	[tilespmem:s26+$0x90] =	vst v2  }
0xca: {  	s0 =	sshll.u32 s25, $0xE;
	s4 =	sshll.u32 s24, $0x7;
	s22 =	sadd.s32 $0x1, s22;
	[tilespmem:s26+$0xB0] =	vst v3  }
0xcb: {  	p0 =	por !p0, !p0;
	s0 =	sor.u32 $0x1800, s0;
	s4 =	sor.u32 $0x800, s4;
	[tilespmem:s26+$0xD0] =	vst v1  }
0xcc: {  	[spmem:s1] =	stream.indirect.scatter.add.f32 [tilespmem:s0], [sflag:$0x2], $0x80, s4, s20, $0xb8;
	[tilespmem:$0x1D800] =	vst v63  }
0xcd: {  	_ =	swait.ge [sflag:s21], $0x4000;
	s0 =	stileid.u32  }
0xce: {  	s4 =	sshrl.u32 s10, $0x3;
	s2 =	sadd.s32 $0x1, s2;
	[sflag:s21] =	ssyncset.done $0x0  }
0xcf: {  	s0 =	sshll.u32 s0, $0x6;
	p0 =	sne.s32 s2, s15;
	[sflag:s21] =	ssyncadd.s32 $0xFFFFC000  }
.Ltmp3:
0xd0: {  	s0 =	sor.u32 $0x1C03, s0;
	[bflag:$0x0] =	sbarrier.arrive $0xFFFF;
	(pc) =	sbr.rel @p0 .LBB2_1-.Ltmp3, $4  }
0xd1: {  	[hbm:s16], [sflag:s0] =	dma.local [spmem:s4], $0x2800  }
0xd2: {  	_ =	swait.ge [sflag:s18], $0x2800  }
0xd3: {  	[sflag:s18] =	ssyncset.done $0x0  }
0xd4: {  	[sflag:s18] =	ssyncadd.s32 $0xFFFFD800  }
0xd5: {  	_ =	sfence.sel $0x180000  }
0xd6: {  	[bflag:$0x0] =	sbarrier.arrive $0xFFFF  }
0xd7: {  	_ =	strace $0x9000004A  }
0xd8: {  	s0 =	stileid.u32;
	[bflag:$0x2] =	sbarrier.arrive $0xFFFF  }
0xd9: {  	p0 =	sne.s32 s0, $0x0;
	s0 =	rddreg [dreg:$0x2]  }
0xda: {  	s0 =	sadd.s32 @!p0 $0x100000, s0  }
0xdb: {  	[sflag:s0] =	ssyncadd.tile.s32 @!p0 $0x1;
	_ =	shalt  }
.Lfunc_end2:
_tile_overlayer_lowered:
.L_overlay_start_2:
0xdc: {  	(tag) =	ssettag $0x2  }
0xdd: {  	s0 =	rddreg [dreg:$0x0];
	s2 =	stileid.u32  }
0xde: {  	s1 =	rddreg [dreg:$0x1];
	p0 =	sne.s32 s2, $0x0  }
0xdf: {  	s3 =	rddreg [dreg:$0x2];
	[bflag:$0x3] =	sbarrier.arrive $0xFFFF;
	s2 =	simm.s32 @!p0 $0x1C03  }
0xe0: {  	[timem:s3], [sflag:s2] =	dma.local @!p0 [hbm:s0], s1  }
0xe1: {  	s0 =	simm.s32 @!p0 $0x3  }
0xe2: {  	_ =	swait.ge @!p0 [sflag:s0], s1  }
0xe3: {  	s1 =	ssub.s32 @!p0 $0x0, s1;
	[sflag:s0] =	ssyncset.done @!p0 $0x0  }
0xe4: {  	[sflag:s0] =	ssyncadd.s32 @!p0 s1  }
0xe5: {  	[bflag:$0x3] =	sbarrier.arrive $0xFFFF  }
0xe6: {  	_ =	shalt  }

// kernel: kernel.15.cloned.1.call-start
scs
__scs_entry_jumppad:
0x0: {  	(pc) =	sbr.rel $0x88, $3  }
0x1: {  	(tag) =	ssettag $0x0;
	lr =	simm.s32 $0x1  }
0x2: {  	[smem:$0x3F9A] =	sst lr;
	_ =	strace $0xD0000000  }
0x3: {  	_ = 	snop  }
0x4: {  	_ = 	snop  }
0x5: {  	_ = 	snop  }
0x6: {  	_ = 	snop  }
0x7: {  	_ = 	snop  }
__scs_overlays_trampoline_lowered:
0x8: {  	[smem:$0x3FA9] =	sst s0  }
0x9: {  	[smem:$0x3FAA] =	sst s1  }
0xa: {  	[smem:$0x3FAB] =	sst s2  }
0xb: {  	[smem:$0x3FAC] =	sst s3  }
0xc: {  	[smem:$0x3FAD] =	sst s4  }
0xd: {  	[smem:$0x3FAE] =	sst s5  }
0xe: {  	[smem:$0x3FAF] =	sst s6  }
0xf: {  	[smem:$0x3FB0] =	sst s7  }
0x10: {  	[smem:$0x3FB1] =	sst s8  }
0x11: {  	[smem:$0x3FB2] =	sst s9;
	s0 =	simm.s32 @!p0 $0x0  }
0x12: {  	s1 =	sld [smem:$0x3F98];
	s0 =	simm.s32 @p0 $0x1  }
0x13: {  	[smem:$0x3FB3] =	sst s0;
	s0 =	simm.s32 @!p1 $0x0  }
0x14: {  	s2 =	sld [smem:$0x3F97];
	s0 =	simm.s32 @p1 $0x1  }
0x15: {  	[smem:$0x3FB4] =	sst s0;
	s0 =	simm.s32 @!p2 $0x0  }
0x16: {  	s3 =	sld [smem:$0x3FDB];
	s0 =	simm.s32 @p2 $0x1  }
0x17: {  	s4 =	simm.s32 $0x1BF5;
	[smem:$0x3FB6] =	sst s0  }
0x18: {  	s0 =	sld [smem:$0x3F99];
	_ =	swait.ge [sflag:s4], $0x0  }
0x19: {  	s7 =	sld [smem:$0x3F9A]  }
0x1a: {  	s8 =	sadd.s32 $0xFFFFE003, lr  }
0x1b: {  	s9 =	sadd.s32 $0xFFFFFEF7, lr;
	s5 =	simm.s32 $0xFFFFFFFF;
	p2 =	slt.u32 s8, $0xFFFFF086  }
0x1c: {  	p1 =	slt.u32 s9, $0xF7A;
	s5 =	simm.s32 @!p2 $0x0  }
0x1d: {  	s5 =	simm.s32 @p1 $0x1;
	p0 =	seq.s32 s7, s2  }
0x1e: {  	s7 =	smul.u32 @!p0 $0xF7A, s2;
	p2 =	seq.s32 @!p0 s5, $0x0  }
0x1f: {  	s9 =	smul.u32 $0xF7A, s1;
	s8 =	simm.s32 @!p0 $0x1BF5;
	p2 =	por !p2, p0  }
0x20: {  	[sflag:s8] =	ssyncset.s32 @!p0 $0xFFFFF086;
	s6 =	sadd.s32 @!p0 s3, s7;
	s7 =	simm.s32 @!p0 $0x108  }
0x21: {  	s3 =	sadd.s32 s3, s9;
	s6 =	sadd.s32 @!p0 $0x88, s6;
	s7 =	simm.s32 @p2 $0x1082  }
0x22: {  	[simem:s7], [sflag:s8] =	dma.local @!p0 [hbm:s6], $0xF7A  }
0x23: {  	s9 =	sor.u32 $0xD0000000, s2;
	s6 =	simm.s32 $0x108;
	_ =	swait.ge @!p0 [sflag:s8], $0x0  }
0x24: {  	s3 =	sadd.s32 $0x88, s3;
	s6 =	simm.s32 @!p1 $0x1082;
	[sflag:s4] =	ssyncset.s32 $0xFFFFF086  }
0x25: {  	[simem:s6], [sflag:s4] =	dma.local [hbm:s3], $0xF7A  }
0x26: {  	[smem:$0x3F9A] =	sst s1;
	(tag) =	ssettag s2;
	_ =	strace s9  }
0x27: {  	s1 =	sld [smem:$0x3FAA]  }
0x28: {  	s2 =	sld [smem:$0x3FAB]  }
0x29: {  	s4 =	sld [smem:$0x3FAD]  }
0x2a: {  	p0 =	seq.s32 s5, $0x0;
	s5 =	sld [smem:$0x3FAE]  }
0x2b: {  	s6 =	sld [smem:$0x3FAF]  }
0x2c: {  	s7 =	sld [smem:$0x3FB0]  }
0x2d: {  	s3 =	simm.s32 $0x108;
	s8 =	sld [smem:$0x3FB1]  }
0x2e: {  	s3 =	simm.s32 @!p0 $0x1082;
	s9 =	sld [smem:$0x3FB2]  }
0x2f: {  	lr =	sadd.s32 s0, s3;
	s0 =	sld [smem:$0x3FA9]  }
0x30: {  	s3 =	sld [smem:$0x3FAC]  }
0x31: {  	[smem:$0x3FB5] =	sst s10  }
0x32: {  	s10 =	sld [smem:$0x3FB3];
	_ =	sdelay $0x3  }
0x33: {  	p0 =	seq.s32 s10, $0x1;
	s10 =	sld [smem:$0x3FB5];
	_ =	sdelay $0x3  }
0x34: {  	[smem:$0x3FB5] =	sst s10  }
0x35: {  	s10 =	sld [smem:$0x3FB4];
	_ =	sdelay $0x3  }
0x36: {  	p1 =	seq.s32 s10, $0x1;
	s10 =	sld [smem:$0x3FB5];
	_ =	sdelay $0x3  }
0x37: {  	[smem:$0x3FB5] =	sst s10  }
0x38: {  	s10 =	sld [smem:$0x3FB6]  }
0x39: {  	_ = 	snop;
	(pc) =	sbr.ind lr, $3  }
0x3a: {  	_ = 	snop  }
0x3b: {  	_ = 	snop  }
0x3c: {  	p2 =	seq.s32 s10, $0x1;
	s10 =	sld [smem:$0x3FB5]  }
0x3d: {  	_ =	shalt  }
0x3e: {  	_ =	shalt  }
0x3f: {  	_ =	shalt  }
0x40: {  	_ =	shalt  }
0x41: {  	_ =	shalt  }
0x42: {  	_ =	shalt  }
0x43: {  	_ =	shalt  }
0x44: {  	_ =	shalt  }
0x45: {  	_ =	shalt  }
0x46: {  	_ =	shalt  }
0x47: {  	_ =	shalt  }
0x48: {  	_ =	shalt  }
0x49: {  	_ =	shalt  }
0x4a: {  	_ =	shalt  }
0x4b: {  	_ =	shalt  }
0x4c: {  	_ =	shalt  }
0x4d: {  	_ =	shalt  }
0x4e: {  	_ =	shalt  }
0x4f: {  	_ =	shalt  }
0x50: {  	_ =	shalt  }
0x51: {  	_ =	shalt  }
0x52: {  	_ =	shalt  }
0x53: {  	_ =	shalt  }
0x54: {  	_ =	shalt  }
0x55: {  	_ =	shalt  }
0x56: {  	_ =	shalt  }
0x57: {  	_ =	shalt  }
0x58: {  	_ =	shalt  }
0x59: {  	_ =	shalt  }
0x5a: {  	_ =	shalt  }
0x5b: {  	_ =	shalt  }
0x5c: {  	_ =	shalt  }
0x5d: {  	_ =	shalt  }
0x5e: {  	_ =	shalt  }
0x5f: {  	_ =	shalt  }
0x60: {  	_ =	shalt  }
0x61: {  	_ =	shalt  }
0x62: {  	_ =	shalt  }
0x63: {  	_ =	shalt  }
0x64: {  	_ =	shalt  }
0x65: {  	_ =	shalt  }
0x66: {  	_ =	shalt  }
0x67: {  	_ =	shalt  }
0x68: {  	_ =	shalt  }
0x69: {  	_ =	shalt  }
0x6a: {  	_ =	shalt  }
0x6b: {  	_ =	shalt  }
0x6c: {  	_ =	shalt  }
0x6d: {  	_ =	shalt  }
0x6e: {  	_ =	shalt  }
0x6f: {  	_ =	shalt  }
0x70: {  	_ =	shalt  }
0x71: {  	_ =	shalt  }
0x72: {  	_ =	shalt  }
0x73: {  	_ =	shalt  }
0x74: {  	_ =	shalt  }
0x75: {  	_ =	shalt  }
0x76: {  	_ =	shalt  }
0x77: {  	_ =	shalt  }
0x78: {  	_ =	shalt  }
0x79: {  	_ =	shalt  }
0x7a: {  	_ =	shalt  }
0x7b: {  	_ =	shalt  }
0x7c: {  	_ =	shalt  }
0x7d: {  	_ =	shalt  }
0x7e: {  	_ =	shalt  }
0x7f: {  	_ =	shalt  }
0x80: {  	_ =	shalt  }
0x81: {  	_ =	shalt  }
0x82: {  	_ =	shalt  }
0x83: {  	_ =	shalt  }
0x84: {  	_ =	shalt  }
0x85: {  	_ =	shalt  }
0x86: {  	_ =	shalt  }
0x87: {  	_ =	shalt  }
.Lfunc_end0:
.L_simem_size_0:
called_computation.2_lowered:
.L_overlay_start_0:
0x88: {  	s2 =	sld [smem:$0x3FD9]  }
0x89: {  	s3 =	sld [smem:$0x3FFE];
	_ =	sdelay $0x1  }
0x8a: {  	s1 =	srdreg.scid  }
0x8b: {  	s0 =	sand.u32 $0x1, s1  }
0x8c: {  	s16 =	sshll.u32 s0, $0xA;
	s2 =	sadd.s32 s3, s2  }
0x8d: {  	s2 =	sadd.s32 s2, s16  }
0x8e: {  	[smem:$0x3FC1] =	sst s2  }
0x8f: {  	_ = 	snop  }
0x90: {  	(tm) =	ssettm $0x1  }
0x91: {  	s17 =	sld [smem:$0x3FFB];
	_ =	sdelay $0x3  }
0x92: {  	_ =	strace s17  }
0x93: {  	s2 =	sld [smem:$0x3FFC];
	_ =	sdelay $0x3  }
0x94: {  	_ =	strace s2  }
0x95: {  	s2 =	sld [smem:$0x3FFD];
	_ =	sdelay $0x3  }
0x96: {  	_ =	strace s2  }
0x97: {  	_ =	strace $0x8FFFFFFF  }
0x98: {  	s18 =	sld [smem:$0x3FDB];
	_ =	sdelay $0x1  }
0x99: {  	s19 =	simm.s32 $_scs_section_size  }
0x9a: {  	s4 =	simm.s32 $_size__tile_overlayer_lowered;
	s5 =	simm.s32 $_tile_overlayer_lowered  }
0x9b: {  	s22 =	simm.s32 $0x1BFF;
	s21 =	sshll.u32 s5, $0x1;
	s2 =	sadd.s32 s19, s18  }
0x9c: {  	s6 =	simm.s32 $0x0;
	s20 =	sshll.u32 s4, $0x1;
	s4 =	sadd.s32 s21, s2  }
0x9d: {  	[timem:s6], [sflag:s22] =	dma.local [hbm:s4], s20  }
0x9e: {  	_ =	swait.ge [sflag:s22], s20  }
0x9f: {  	s3 =	ssub.s32 $0x0, s20;
	[sflag:s22] =	ssyncset.done $0x0  }
0xa0: {  	[sflag:s22] =	ssyncadd.s32 s3;
	_ =	sdelay $0x1  }
0xa1: {  	s23 =	simm.s32 $0x1B8B  }
0xa2: {  	_ =	swait.ge [sflag:s23], $0x1  }
0xa3: {  	[sflag:s23] =	ssyncset.done $0x0  }
0xa4: {  	s25 =	simm.s32 $0x1B8E;
	s24 =	sld [smem:$0x3FFE];
	[sflag:s23] =	ssyncadd.s32 $0xFFFFFFFF  }
0xa5: {  	s26 =	simm.s32 $execute0_lowered;
	[smem:$0x3FD2] =	sst s25  }
0xa6: {  	s4 =	sshll.u32 s26, $0x1;
	_ =	strace $0x8000004C;
	[dreg:$0x1] =	wrdreg $0xFFFFFFFF  }
0xa7: {  	s28 =	simm.s32 $_size_execute0_lowered;
	s2 =	sadd.s32 s2, s4;
	[dreg:$0x0] =	wrdreg $0x0  }
0xa8: {  	s4 =	sshll.u32 s28, $0x1;
	[dreg:$0x2] =	wrdreg s2  }
0xa9: {  	[dreg:$0x3] =	wrdreg s4  }
0xaa: {  	[dreg:$0x4] =	wrdreg $0xC0  }
0xab: {  	_ =	task [dreg:s6], $0x5FFFF  }
0xac: {  	[dreg:$0x1] =	wrdreg $0xFFFFFFFF  }
0xad: {  	[dreg:$0x0] =	wrdreg $0x60  }
0xae: {  	[dreg:$0x2] =	wrdreg s24  }
0xaf: {  	[dreg:$0x3] =	wrdreg $0xCA000  }
0xb0: {  	[dreg:$0x4] =	wrdreg $0x9  }
0xb1: {  	_ =	task.clear_ibuf [dreg:s6], $0x5FFFF;
	_ =	strace $0x9000004C  }
0xb2: {  	s29 =	simm.s32 $0x9;
	_ =	strace $0x8000004E  }
0xb3: {  	_ =	swait.ge [sflag:s29], $0x1  }
0xb4: {  	[sflag:s29] =	ssyncadd.s32 $0xFFFFFFFF  }
0xb5: {  	_ =	strace $0x9000004E  }
0xb6: {  	_ =	sfence  }
0xb7: {  	s30 =	sld [smem:$0x0];
	_ =	sdelay $0x2  }
0xb8: {  	s31 =	sshll.u32 s1, $0xD;
	s1 =	sshrl.u32 s1, $0x2  }
0xb9: {  	s3 =	sand.u32 $0x4000, s31;
	s1 =	sadd.s32 s1, s30  }
0xba: {  	s0 =	sor.u32 s3, s0;
	s1 =	sshll.u32 s1, $0x11  }
0xbb: {  	s0 =	sor.u32 s1, s0  }
0xbc: {  	s0 =	sadd.s32 $0x8F2B, s0  }
0xbd: {  	[sflag:s0] =	ssyncadd.remote.s32 $0x1  }
0xbe: {  	_ =	sfence.sel $0xFFFF  }
0xbf: {  	[dreg:$0x0] =	wrdreg $0xFFFFFFFF;
	(pc) =	sbr.abs _section_cstart, $3  }
0xc0: {  	[dreg:$0x1] =	wrdreg $0xFFFFFFFF  }
0xc1: {  	_ =	task.clear_ibuf [dreg:s6], $0x2FFFF;
	_ =	strace $0x9FFFFFFF  }
0xc2: {  	(tm) =	ssettm $0x7FFFFFFF  }
0xc3: {  	_ =	shalt  }
tec
execute0_lowered:
.L_overlay_start_1:
0x0: {  	(tag) =	ssettag $0x1  }
0x1: {  	s1 =	srdreg.scid;
	s5 =	rddreg [dreg:$0x0]  }
0x2: {  	s0 =	stileid.u32;
	s2 =	rddreg [dreg:$0x1];
	s3 =	simm.s32 $0x0  }
0x3: {  	s12 =	simm.s32 $0x1;
	s13 =	simm.s32 $0x2800;
	s14 =	simm.s32 $0x5000  }
0x4: {  	s15 =	simm.s32 $0x7800;
	s16 =	simm.s32 $0x80;
	s19 =	simm.s32 $0x0  }
0x5: {  	s4 =	sand.u32 $0x1, s1;
	s29 =	sshll.u32 s0, $0x1;
	s7 =	smul.u32 $0x280, s0  }
0x6: {  	[smem:$0x7FF] =	sst s3;
	s17 =	sshll.u32 s0, $0x6;
	s1 =	sor.u32 s4, s29  }
0x7: {  	s8 =	smul.u32 $0x2800, s4;
	s31 =	ssub.s32 $0x2, s4;
	s4 =	sadd.s32 $0x20800, s5  }
0x8: {  	s17 =	sor.u32 $0x1C01, s17;
	s6 =	smul.u32 $0x500, s1;
	s1 =	rddreg [dreg:$0x2]  }
0x9: {  	_ =	strace $0x8000004D;
	s10 =	sshrl.u32 s31, $0x1;
	s30 =	sadd.s32 s7, s8  }
0xa: {  	s10 =	ssub.s32 s31, s10;
	s9 =	sadd.s32 s6, s5;
	s6 =	sshrl.u32 s30, $0x3  }
0xb: {  	s10 =	smax.u32 s10, $0x1;
	s11 =	sadd.s32 s6, s5;
	s5 =	sadd.s32 s7, s2  }
0xc: {  	s6 =	sadd.s32 $0x21200, s9;
	s7 =	sadd.s32 $0x2200, s9;
	s8 =	sadd.s32 $0x16600, s9  }
0xd: {  	v0 =	vimm.f32 $0.0e+00;
	s9 =	sadd.s32 $0xC400, s11;
	s11 =	simm.s32 $0xC780;
	s18 =	sshrl.u32 s5, $0x3  }
.LBB2_1:
0xe: {  	[tilespmem:$0xC780] =	vst v0  }
0xf: {  	[tilespmem:$0xC790] =	vst v0  }
0x10: {  	[tilespmem:$0xC7A0] =	vst v0  }
0x11: {  	[tilespmem:$0xC7B0] =	vst v0  }
0x12: {  	[tilespmem:$0xC7C0] =	vst v0  }
0x13: {  	[tilespmem:$0xC7D0] =	vst v0  }
0x14: {  	[tilespmem:$0xC7E0] =	vst v0  }
0x15: {  	[tilespmem:$0xC7F0] =	vst v0  }
0x16: {  	[tilespmem:$0xC800] =	vst v0  }
0x17: {  	[tilespmem:$0xC810] =	vst v0  }
0x18: {  	[tilespmem:$0xC820] =	vst v0  }
0x19: {  	[tilespmem:$0xC830] =	vst v0  }
0x1a: {  	[tilespmem:$0xC840] =	vst v0  }
0x1b: {  	[tilespmem:$0xC850] =	vst v0  }
0x1c: {  	[tilespmem:$0xC860] =	vst v0  }
0x1d: {  	[tilespmem:$0xC870] =	vst v0  }
0x1e: {  	[tilespmem:$0xC880] =	vst v0  }
0x1f: {  	[tilespmem:$0xC890] =	vst v0  }
0x20: {  	[tilespmem:$0xC8A0] =	vst v0  }
0x21: {  	[tilespmem:$0xC8B0] =	vst v0  }
0x22: {  	[tilespmem:$0xC8C0] =	vst v0  }
0x23: {  	[tilespmem:$0xC8D0] =	vst v0  }
0x24: {  	[tilespmem:$0xC8E0] =	vst v0  }
0x25: {  	[tilespmem:$0xC8F0] =	vst v0  }
0x26: {  	[tilespmem:$0xC900] =	vst v0  }
0x27: {  	[tilespmem:$0xC910] =	vst v0  }
0x28: {  	[tilespmem:$0xC920] =	vst v0  }
0x29: {  	[tilespmem:$0xC930] =	vst v0  }
0x2a: {  	[tilespmem:$0xC940] =	vst v0  }
0x2b: {  	[tilespmem:$0xC950] =	vst v0  }
0x2c: {  	[tilespmem:$0xC960] =	vst v0  }
0x2d: {  	[tilespmem:$0xC970] =	vst v0  }
0x2e: {  	[tilespmem:$0xC980] =	vst v0  }
0x2f: {  	[tilespmem:$0xC990] =	vst v0  }
0x30: {  	[tilespmem:$0xC9A0] =	vst v0  }
0x31: {  	[tilespmem:$0xC9B0] =	vst v0  }
0x32: {  	[tilespmem:$0xC9C0] =	vst v0  }
0x33: {  	[tilespmem:$0xC9D0] =	vst v0  }
0x34: {  	[tilespmem:$0xC9E0] =	vst v0  }
0x35: {  	[tilespmem:$0xC9F0] =	vst v0  }
0x36: {  	[spmem:s5] =	stream.linear.scatter [tilespmem:s11], [sflag:$0x1], $0x280, $0x38;
	[tilespmem:$0xCC80] =	vst v63  }
0x37: {  	_ =	swait.ge [sflag:s12], $0x280  }
0x38: {  	[sflag:s12] =	ssyncset.done $0x0  }
0x39: {  	[sflag:s12] =	ssyncadd.s32 $0xFFFFFD80  }
0x3a: {  	[bflag:$0x0] =	sbarrier.arrive $0xFFFF  }
0x3b: {  	[tilespmem:s3], [sflag:$0x1] =	stream.linear.gather [hbm4b:s6+s3], $0x2800, $0x38;
	[tilespmem:$0xCC80] =	vst v63  }
0x3c: {  	_ =	swait.ge [sflag:s12], $0x2800  }
0x3d: {  	[sflag:s12] =	ssyncset.done $0x0  }
0x3e: {  	[sflag:s12] =	ssyncadd.s32 $0xFFFFD800  }
0x3f: {  	[tilespmem:s13], [sflag:$0x1] =	stream.linear.gather [hbm4b:s7+s3], $0x2800, $0x38;
	[tilespmem:$0xCC80] =	vst v63  }
0x40: {  	_ =	swait.ge [sflag:s12], $0x2800  }
0x41: {  	[sflag:s12] =	ssyncset.done $0x0  }
0x42: {  	[sflag:s12] =	ssyncadd.s32 $0xFFFFD800  }
0x43: {  	[tilespmem:s14], [sflag:$0x1] =	stream.linear.gather [hbm4b:s8+s3], $0x2800, $0x38;
	[tilespmem:$0xCC80] =	vst v63  }
0x44: {  	_ =	swait.ge [sflag:s12], $0x2800  }
0x45: {  	[sflag:s12] =	ssyncset.done $0x0  }
0x46: {  	[sflag:s12] =	ssyncadd.s32 $0xFFFFD800  }
0x47: {  	[tilespmem:s15], [sflag:$0x1] =	stream.linear.gather [hbm4b:s4+s3], $0x2780, $0x38;
	[tilespmem:$0xCC80] =	vst v63  }
0x48: {  	_ =	swait.ge [sflag:s12], $0x2780  }
0x49: {  	[sflag:s12] =	ssyncset.done $0x0  }
0x4a: {  	s20 =	simm.s32 $0x0;
	[sflag:s12] =	ssyncadd.s32 $0xFFFFD880  }
0x4b: {  	v1 =	vld [tilespmem:s20+$0x0];
	_ =	sdelay $0x5  }
0x4c: {  	v2 =	vld [tilespmem:s20+$0x10]  }
0x4d: {  	v3 =	vld [tilespmem:s20+$0x5000]  }
0x4e: {  	v1 =	vld.idx.msk [tilespmem:v1+s15+$0x0], $0xffff;
	_ =	sdelay $0x4  }
0x4f: {  	v1 =	vmul.f32 v3, v1  }
0x50: {  	v3 =	vld [tilespmem:s20+$0x5010]  }
0x51: {  	[tilespmem:s20+$0x9F80] =	vst v1;
	v1 =	vld [tilespmem:s20+$0x20]  }
0x52: {  	v2 =	vld.idx.msk [tilespmem:v2+s15+$0x0], $0xffff;
	_ =	sdelay $0x4  }
0x53: {  	v2 =	vmul.f32 v3, v2  }
0x54: {  	v3 =	vld [tilespmem:s20+$0x5020]  }
0x55: {  	[tilespmem:s20+$0x9F90] =	vst v2;
	v2 =	vld [tilespmem:s20+$0x30]  }
0x56: {  	v1 =	vld.idx.msk [tilespmem:v1+s15+$0x0], $0xffff;
	_ =	sdelay $0x4  }
0x57: {  	v1 =	vmul.f32 v3, v1  }
0x58: {  	v3 =	vld [tilespmem:s20+$0x5030]  }
0x59: {  	[tilespmem:s20+$0x9FA0] =	vst v1;
	v1 =	vld [tilespmem:s20+$0x40]  }
0x5a: {  	v2 =	vld.idx.msk [tilespmem:v2+s15+$0x0], $0xffff;
	_ =	sdelay $0x4  }
0x5b: {  	v2 =	vmul.f32 v3, v2  }
0x5c: {  	v3 =	vld [tilespmem:s20+$0x5040]  }
0x5d: {  	[tilespmem:s20+$0x9FB0] =	vst v2;
	v2 =	vld [tilespmem:s20+$0x50]  }
0x5e: {  	v1 =	vld.idx.msk [tilespmem:v1+s15+$0x0], $0xffff;
	_ =	sdelay $0x4  }
0x5f: {  	v1 =	vmul.f32 v3, v1  }
0x60: {  	v3 =	vld [tilespmem:s20+$0x5050]  }
0x61: {  	[tilespmem:s20+$0x9FC0] =	vst v1;
	v1 =	vld [tilespmem:s20+$0x60]  }
0x62: {  	v2 =	vld.idx.msk [tilespmem:v2+s15+$0x0], $0xffff;
	_ =	sdelay $0x4  }
0x63: {  	v2 =	vmul.f32 v3, v2  }
0x64: {  	v3 =	vld [tilespmem:s20+$0x5060]  }
0x65: {  	[tilespmem:s20+$0x9FD0] =	vst v2;
	v2 =	vld [tilespmem:s20+$0x70]  }
0x66: {  	v1 =	vld.idx.msk [tilespmem:v1+s15+$0x0], $0xffff;
	_ =	sdelay $0x4  }
0x67: {  	v1 =	vmul.f32 v3, v1;
	_ =	sdelay $0x1  }
0x68: {  	[tilespmem:s20+$0x9FE0] =	vst v1  }
0x69: {  	v1 =	vld.idx.msk [tilespmem:v2+s15+$0x0], $0xffff  }
0x6a: {  	v2 =	vld [tilespmem:s20+$0x5070];
	_ =	sdelay $0x4  }
0x6b: {  	v1 =	vmul.f32 v2, v1;
	_ =	sdelay $0x1  }
0x6c: {  	s21 =	simm.s32 $0x9F80;
	s31 =	simm.s32 $0x2800;
	[tilespmem:s20+$0x9FF0] =	vst v1  }
0x6d: {  	[spmem:s2] =	stream.indirect.scatter.add.f32 [tilespmem:s21], [sflag:$0x1], $0x1, s31, s16, $0xb8;
	[tilespmem:$0xCC80] =	vst v63  }
0x6e: {  	_ =	swait.ge [sflag:s12], $0x80  }
0x6f: {  	s23 =	simm.s32 $0x400;
	s20 =	simm.s32 $0x200;
	[sflag:s12] =	ssyncset.done $0x0  }
.LBB2_2:
0x70: {  	s22 =	sshra.s32 s20, $0x2  }
0x71: {  	[sflag:s12] =	ssyncadd.s32 $0xFFFFFF80;
	s20 =	smov.u32 s23;
	s21 =	sadd.s32 $0x200, s23  }
0x72: {  	p0 =	sne.s32 s23, $0x9E00;
	v1 =	vld [tilespmem:s22+$0x0];
	_ =	sdelay $0x6  }
0x73: {  	v2 =	vld [tilespmem:s22+$0x10]  }
0x74: {  	v1 =	vld.idx.msk [tilespmem:v1+s15+$0x0], $0xffff  }
0x75: {  	v3 =	vld [tilespmem:s22+$0x5000];
	_ =	sdelay $0x4  }
0x76: {  	v1 =	vmul.f32 v3, v1;
	_ =	sdelay $0x1  }
0x77: {  	[tilespmem:s22+$0x9F80] =	vst v1;
	v1 =	vld [tilespmem:s22+$0x20]  }
0x78: {  	v2 =	vld.idx.msk [tilespmem:v2+s15+$0x0], $0xffff  }
0x79: {  	v3 =	vld [tilespmem:s22+$0x5010];
	_ =	sdelay $0x4  }
0x7a: {  	v2 =	vmul.f32 v3, v2;
	_ =	sdelay $0x1  }
0x7b: {  	[tilespmem:s22+$0x9F90] =	vst v2;
	v2 =	vld [tilespmem:s22+$0x30]  }
0x7c: {  	v1 =	vld.idx.msk [tilespmem:v1+s15+$0x0], $0xffff  }
0x7d: {  	v3 =	vld [tilespmem:s22+$0x5020];
	_ =	sdelay $0x4  }
0x7e: {  	v1 =	vmul.f32 v3, v1;
	_ =	sdelay $0x1  }
0x7f: {  	[tilespmem:s22+$0x9FA0] =	vst v1;
	v1 =	vld [tilespmem:s22+$0x40]  }
0x80: {  	v2 =	vld.idx.msk [tilespmem:v2+s15+$0x0], $0xffff  }
0x81: {  	v3 =	vld [tilespmem:s22+$0x5030];
	_ =	sdelay $0x4  }
0x82: {  	v2 =	vmul.f32 v3, v2;
	_ =	sdelay $0x1  }
0x83: {  	[tilespmem:s22+$0x9FB0] =	vst v2;
	v2 =	vld [tilespmem:s22+$0x50]  }
0x84: {  	v1 =	vld.idx.msk [tilespmem:v1+s15+$0x0], $0xffff  }
0x85: {  	v3 =	vld [tilespmem:s22+$0x5040];
	_ =	sdelay $0x4  }
0x86: {  	v1 =	vmul.f32 v3, v1;
	_ =	sdelay $0x1  }
0x87: {  	[tilespmem:s22+$0x9FC0] =	vst v1;
	v1 =	vld [tilespmem:s22+$0x60]  }
0x88: {  	v2 =	vld.idx.msk [tilespmem:v2+s15+$0x0], $0xffff  }
0x89: {  	v3 =	vld [tilespmem:s22+$0x5050];
	_ =	sdelay $0x4  }
0x8a: {  	v2 =	vmul.f32 v3, v2;
	_ =	sdelay $0x1  }
0x8b: {  	[tilespmem:s22+$0x9FD0] =	vst v2;
	v2 =	vld [tilespmem:s22+$0x70]  }
0x8c: {  	v1 =	vld.idx.msk [tilespmem:v1+s15+$0x0], $0xffff  }
0x8d: {  	v3 =	vld [tilespmem:s22+$0x5060];
	_ =	sdelay $0x4  }
0x8e: {  	v1 =	vmul.f32 v3, v1;
	_ =	sdelay $0x1  }
0x8f: {  	[tilespmem:s22+$0x9FE0] =	vst v1  }
0x90: {  	v1 =	vld.idx.msk [tilespmem:v2+s15+$0x0], $0xffff  }
0x91: {  	v2 =	vld [tilespmem:s22+$0x5070];
	_ =	sdelay $0x4  }
0x92: {  	v1 =	vmul.f32 v2, v1  }
.Ltmp0:
0x93: {  	(pc) =	sbr.rel @p0 .LBB2_2-.Ltmp0, $4  }
0x94: {  	s23 =	sadd.s32 $0x9F80, s22;
	[tilespmem:s22+$0x9FF0] =	vst v1;
	s22 =	sadd.s32 $0x2800, s22  }
0x95: {  	[spmem:s2] =	stream.indirect.scatter.add.f32 [tilespmem:s23], [sflag:$0x1], $0x1, s22, s16, $0xb8;
	[tilespmem:$0xCC80] =	vst v63  }
0x96: {  	_ =	swait.ge [sflag:s12], $0x80  }
0x97: {  	s23 =	smov.u32 s21;
	[sflag:s12] =	ssyncset.done $0x0  }
0x98: {  	s20 =	sshra.s32 s20, $0x2;
	[sflag:s12] =	ssyncadd.s32 $0xFFFFFF80  }
0x99: {  	v1 =	vld [tilespmem:s20+$0x0];
	_ =	sdelay $0x5  }
0x9a: {  	v2 =	vld [tilespmem:s20+$0x10]  }
0x9b: {  	v3 =	vld [tilespmem:s20+$0x5000]  }
0x9c: {  	v1 =	vld.idx.msk [tilespmem:v1+s15+$0x0], $0xffff;
	_ =	sdelay $0x4  }
0x9d: {  	v1 =	vmul.f32 v3, v1  }
0x9e: {  	v3 =	vld [tilespmem:s20+$0x5010]  }
0x9f: {  	[tilespmem:s20+$0x9F80] =	vst v1;
	v1 =	vld [tilespmem:s20+$0x20]  }
0xa0: {  	v2 =	vld.idx.msk [tilespmem:v2+s15+$0x0], $0xffff;
	_ =	sdelay $0x4  }
0xa1: {  	v2 =	vmul.f32 v3, v2  }
0xa2: {  	v3 =	vld [tilespmem:s20+$0x5020]  }
0xa3: {  	[tilespmem:s20+$0x9F90] =	vst v2;
	v2 =	vld [tilespmem:s20+$0x30]  }
0xa4: {  	v1 =	vld.idx.msk [tilespmem:v1+s15+$0x0], $0xffff;
	_ =	sdelay $0x4  }
0xa5: {  	v1 =	vmul.f32 v3, v1  }
0xa6: {  	v3 =	vld [tilespmem:s20+$0x5030]  }
0xa7: {  	[tilespmem:s20+$0x9FA0] =	vst v1;
	v1 =	vld [tilespmem:s20+$0x40]  }
0xa8: {  	v2 =	vld.idx.msk [tilespmem:v2+s15+$0x0], $0xffff;
	_ =	sdelay $0x4  }
0xa9: {  	v2 =	vmul.f32 v3, v2  }
0xaa: {  	v3 =	vld [tilespmem:s20+$0x5040]  }
0xab: {  	[tilespmem:s20+$0x9FB0] =	vst v2;
	v2 =	vld [tilespmem:s20+$0x50]  }
0xac: {  	v1 =	vld.idx.msk [tilespmem:v1+s15+$0x0], $0xffff;
	_ =	sdelay $0x4  }
0xad: {  	v1 =	vmul.f32 v3, v1  }
0xae: {  	v3 =	vld [tilespmem:s20+$0x5050]  }
0xaf: {  	[tilespmem:s20+$0x9FC0] =	vst v1;
	v1 =	vld [tilespmem:s20+$0x60]  }
0xb0: {  	v2 =	vld.idx.msk [tilespmem:v2+s15+$0x0], $0xffff;
	_ =	sdelay $0x4  }
0xb1: {  	v2 =	vmul.f32 v3, v2  }
0xb2: {  	v3 =	vld [tilespmem:s20+$0x5060]  }
0xb3: {  	[tilespmem:s20+$0x9FD0] =	vst v2;
	v2 =	vld [tilespmem:s20+$0x70]  }
0xb4: {  	v1 =	vld.idx.msk [tilespmem:v1+s15+$0x0], $0xffff;
	_ =	sdelay $0x4  }
0xb5: {  	v1 =	vmul.f32 v3, v1;
	_ =	sdelay $0x1  }
0xb6: {  	[tilespmem:s20+$0x9FE0] =	vst v1  }
0xb7: {  	v1 =	vld.idx.msk [tilespmem:v2+s15+$0x0], $0xffff  }
0xb8: {  	v2 =	vld [tilespmem:s20+$0x5070];
	_ =	sdelay $0x4  }
0xb9: {  	v1 =	vmul.f32 v2, v1;
	_ =	sdelay $0x1  }
0xba: {  	s21 =	sadd.s32 $0x9F80, s20;
	[tilespmem:s20+$0x9FF0] =	vst v1;
	s20 =	sadd.s32 $0x2800, s20  }
0xbb: {  	[spmem:s2] =	stream.indirect.scatter.add.f32 [tilespmem:s21], [sflag:$0x1], $0x1, s20, s16, $0xb8;
	[tilespmem:$0xCC80] =	vst v63  }
0xbc: {  	_ =	swait.ge [sflag:s12], $0x80  }
0xbd: {  	s19 =	sadd.s32 $0x1, s19;
	[sflag:s12] =	ssyncset.done $0x0  }
0xbe: {  	p0 =	sne.s32 s19, s10;
	[sflag:s12] =	ssyncadd.s32 $0xFFFFFF80  }
.Ltmp1:
0xbf: {  	[bflag:$0x0] =	sbarrier.arrive $0xFFFF;
	(pc) =	sbr.rel @p0 .LBB2_1-.Ltmp1, $4  }
0xc0: {  	[hbm:s9], [sflag:s17] =	dma.local [spmem:s18], $0x50  }
0xc1: {  	_ =	swait.ge [sflag:s12], $0x50  }
0xc2: {  	[sflag:s12] =	ssyncset.done $0x0  }
0xc3: {  	[sflag:s12] =	ssyncadd.s32 $0xFFFFFFB0  }
0xc4: {  	_ =	sfence.sel $0x180000  }
0xc5: {  	[bflag:$0x0] =	sbarrier.arrive $0xFFFF  }
0xc6: {  	p0 =	sne.s32 s0, $0x0;
	_ =	strace $0x9000004D  }
0xc7: {  	s0 =	sadd.s32 @!p0 $0x100000, s1;
	[bflag:$0x2] =	sbarrier.arrive $0xFFFF  }
0xc8: {  	[sflag:s0] =	ssyncadd.tile.s32 @!p0 $0x1;
	_ =	shalt  }
.Lfunc_end2:
_tile_overlayer_lowered:
.L_overlay_start_2:
0xc9: {  	(tag) =	ssettag $0x2  }
0xca: {  	s0 =	rddreg [dreg:$0x0];
	s2 =	stileid.u32  }
0xcb: {  	s1 =	rddreg [dreg:$0x1];
	p0 =	sne.s32 s2, $0x0  }
0xcc: {  	s3 =	rddreg [dreg:$0x2];
	[bflag:$0x3] =	sbarrier.arrive $0xFFFF;
	s2 =	simm.s32 @!p0 $0x1C01  }
0xcd: {  	[timem:s3], [sflag:s2] =	dma.local @!p0 [hbm:s0], s1  }
0xce: {  	s0 =	simm.s32 @!p0 $0x1  }
0xcf: {  	_ =	swait.ge @!p0 [sflag:s0], s1  }
0xd0: {  	s1 =	ssub.s32 @!p0 $0x0, s1;
	[sflag:s0] =	ssyncset.done @!p0 $0x0  }
0xd1: {  	[sflag:s0] =	ssyncadd.s32 @!p0 s1  }
0xd2: {  	[bflag:$0x3] =	sbarrier.arrive $0xFFFF  }
0xd3: {  	_ =	shalt  }

// kernel: kernel.9.cloned.1.call-start
scs
__scs_entry_jumppad:
0x0: {  	(pc) =	sbr.rel $0x88, $3  }
0x1: {  	(tag) =	ssettag $0x0;
	lr =	simm.s32 $0x1  }
0x2: {  	[smem:$0x3F9A] =	sst lr;
	_ =	strace $0xD0000000  }
0x3: {  	_ = 	snop  }
0x4: {  	_ = 	snop  }
0x5: {  	_ = 	snop  }
0x6: {  	_ = 	snop  }
0x7: {  	_ = 	snop  }
__scs_overlays_trampoline_lowered:
0x8: {  	[smem:$0x3FA9] =	sst s0  }
0x9: {  	[smem:$0x3FAA] =	sst s1  }
0xa: {  	[smem:$0x3FAB] =	sst s2  }
0xb: {  	[smem:$0x3FAC] =	sst s3  }
0xc: {  	[smem:$0x3FAD] =	sst s4  }
0xd: {  	[smem:$0x3FAE] =	sst s5  }
0xe: {  	[smem:$0x3FAF] =	sst s6  }
0xf: {  	[smem:$0x3FB0] =	sst s7  }
0x10: {  	[smem:$0x3FB1] =	sst s8  }
0x11: {  	[smem:$0x3FB2] =	sst s9;
	s0 =	simm.s32 @!p0 $0x0  }
0x12: {  	s1 =	sld [smem:$0x3F98];
	s0 =	simm.s32 @p0 $0x1  }
0x13: {  	[smem:$0x3FB3] =	sst s0;
	s0 =	simm.s32 @!p1 $0x0  }
0x14: {  	s2 =	sld [smem:$0x3F97];
	s0 =	simm.s32 @p1 $0x1  }
0x15: {  	[smem:$0x3FB4] =	sst s0;
	s0 =	simm.s32 @!p2 $0x0  }
0x16: {  	s3 =	sld [smem:$0x3FDB];
	s0 =	simm.s32 @p2 $0x1  }
0x17: {  	s4 =	simm.s32 $0x1BF5;
	[smem:$0x3FB6] =	sst s0  }
0x18: {  	s0 =	sld [smem:$0x3F99];
	_ =	swait.ge [sflag:s4], $0x0  }
0x19: {  	s7 =	sld [smem:$0x3F9A]  }
0x1a: {  	s8 =	sadd.s32 $0xFFFFE003, lr  }
0x1b: {  	s9 =	sadd.s32 $0xFFFFFEF7, lr;
	s5 =	simm.s32 $0xFFFFFFFF;
	p2 =	slt.u32 s8, $0xFFFFF086  }
0x1c: {  	p1 =	slt.u32 s9, $0xF7A;
	s5 =	simm.s32 @!p2 $0x0  }
0x1d: {  	s5 =	simm.s32 @p1 $0x1;
	p0 =	seq.s32 s7, s2  }
0x1e: {  	s7 =	smul.u32 @!p0 $0xF7A, s2;
	p2 =	seq.s32 @!p0 s5, $0x0  }
0x1f: {  	s9 =	smul.u32 $0xF7A, s1;
	s8 =	simm.s32 @!p0 $0x1BF5;
	p2 =	por !p2, p0  }
0x20: {  	[sflag:s8] =	ssyncset.s32 @!p0 $0xFFFFF086;
	s6 =	sadd.s32 @!p0 s3, s7;
	s7 =	simm.s32 @!p0 $0x108  }
0x21: {  	s3 =	sadd.s32 s3, s9;
	s6 =	sadd.s32 @!p0 $0x88, s6;
	s7 =	simm.s32 @p2 $0x1082  }
0x22: {  	[simem:s7], [sflag:s8] =	dma.local @!p0 [hbm:s6], $0xF7A  }
0x23: {  	s9 =	sor.u32 $0xD0000000, s2;
	s6 =	simm.s32 $0x108;
	_ =	swait.ge @!p0 [sflag:s8], $0x0  }
0x24: {  	s3 =	sadd.s32 $0x88, s3;
	s6 =	simm.s32 @!p1 $0x1082;
	[sflag:s4] =	ssyncset.s32 $0xFFFFF086  }
0x25: {  	[simem:s6], [sflag:s4] =	dma.local [hbm:s3], $0xF7A  }
0x26: {  	[smem:$0x3F9A] =	sst s1;
	(tag) =	ssettag s2;
	_ =	strace s9  }
0x27: {  	s1 =	sld [smem:$0x3FAA]  }
0x28: {  	s2 =	sld [smem:$0x3FAB]  }
0x29: {  	s4 =	sld [smem:$0x3FAD]  }
0x2a: {  	p0 =	seq.s32 s5, $0x0;
	s5 =	sld [smem:$0x3FAE]  }
0x2b: {  	s6 =	sld [smem:$0x3FAF]  }
0x2c: {  	s7 =	sld [smem:$0x3FB0]  }
0x2d: {  	s3 =	simm.s32 $0x108;
	s8 =	sld [smem:$0x3FB1]  }
0x2e: {  	s3 =	simm.s32 @!p0 $0x1082;
	s9 =	sld [smem:$0x3FB2]  }
0x2f: {  	lr =	sadd.s32 s0, s3;
	s0 =	sld [smem:$0x3FA9]  }
0x30: {  	s3 =	sld [smem:$0x3FAC]  }
0x31: {  	[smem:$0x3FB5] =	sst s10  }
0x32: {  	s10 =	sld [smem:$0x3FB3];
	_ =	sdelay $0x3  }
0x33: {  	p0 =	seq.s32 s10, $0x1;
	s10 =	sld [smem:$0x3FB5];
	_ =	sdelay $0x3  }
0x34: {  	[smem:$0x3FB5] =	sst s10  }
0x35: {  	s10 =	sld [smem:$0x3FB4];
	_ =	sdelay $0x3  }
0x36: {  	p1 =	seq.s32 s10, $0x1;
	s10 =	sld [smem:$0x3FB5];
	_ =	sdelay $0x3  }
0x37: {  	[smem:$0x3FB5] =	sst s10  }
0x38: {  	s10 =	sld [smem:$0x3FB6]  }
0x39: {  	_ = 	snop;
	(pc) =	sbr.ind lr, $3  }
0x3a: {  	_ = 	snop  }
0x3b: {  	_ = 	snop  }
0x3c: {  	p2 =	seq.s32 s10, $0x1;
	s10 =	sld [smem:$0x3FB5]  }
0x3d: {  	_ =	shalt  }
0x3e: {  	_ =	shalt  }
0x3f: {  	_ =	shalt  }
0x40: {  	_ =	shalt  }
0x41: {  	_ =	shalt  }
0x42: {  	_ =	shalt  }
0x43: {  	_ =	shalt  }
0x44: {  	_ =	shalt  }
0x45: {  	_ =	shalt  }
0x46: {  	_ =	shalt  }
0x47: {  	_ =	shalt  }
0x48: {  	_ =	shalt  }
0x49: {  	_ =	shalt  }
0x4a: {  	_ =	shalt  }
0x4b: {  	_ =	shalt  }
0x4c: {  	_ =	shalt  }
0x4d: {  	_ =	shalt  }
0x4e: {  	_ =	shalt  }
0x4f: {  	_ =	shalt  }
0x50: {  	_ =	shalt  }
0x51: {  	_ =	shalt  }
0x52: {  	_ =	shalt  }
0x53: {  	_ =	shalt  }
0x54: {  	_ =	shalt  }
0x55: {  	_ =	shalt  }
0x56: {  	_ =	shalt  }
0x57: {  	_ =	shalt  }
0x58: {  	_ =	shalt  }
0x59: {  	_ =	shalt  }
0x5a: {  	_ =	shalt  }
0x5b: {  	_ =	shalt  }
0x5c: {  	_ =	shalt  }
0x5d: {  	_ =	shalt  }
0x5e: {  	_ =	shalt  }
0x5f: {  	_ =	shalt  }
0x60: {  	_ =	shalt  }
0x61: {  	_ =	shalt  }
0x62: {  	_ =	shalt  }
0x63: {  	_ =	shalt  }
0x64: {  	_ =	shalt  }
0x65: {  	_ =	shalt  }
0x66: {  	_ =	shalt  }
0x67: {  	_ =	shalt  }
0x68: {  	_ =	shalt  }
0x69: {  	_ =	shalt  }
0x6a: {  	_ =	shalt  }
0x6b: {  	_ =	shalt  }
0x6c: {  	_ =	shalt  }
0x6d: {  	_ =	shalt  }
0x6e: {  	_ =	shalt  }
0x6f: {  	_ =	shalt  }
0x70: {  	_ =	shalt  }
0x71: {  	_ =	shalt  }
0x72: {  	_ =	shalt  }
0x73: {  	_ =	shalt  }
0x74: {  	_ =	shalt  }
0x75: {  	_ =	shalt  }
0x76: {  	_ =	shalt  }
0x77: {  	_ =	shalt  }
0x78: {  	_ =	shalt  }
0x79: {  	_ =	shalt  }
0x7a: {  	_ =	shalt  }
0x7b: {  	_ =	shalt  }
0x7c: {  	_ =	shalt  }
0x7d: {  	_ =	shalt  }
0x7e: {  	_ =	shalt  }
0x7f: {  	_ =	shalt  }
0x80: {  	_ =	shalt  }
0x81: {  	_ =	shalt  }
0x82: {  	_ =	shalt  }
0x83: {  	_ =	shalt  }
0x84: {  	_ =	shalt  }
0x85: {  	_ =	shalt  }
0x86: {  	_ =	shalt  }
0x87: {  	_ =	shalt  }
.Lfunc_end0:
.L_simem_size_0:
called_computation_lowered:
.L_overlay_start_0:
0x88: {  	s2 =	sld [smem:$0x3FD9]  }
0x89: {  	s3 =	sld [smem:$0x3FFE];
	_ =	sdelay $0x1  }
0x8a: {  	s1 =	srdreg.scid  }
0x8b: {  	s0 =	sand.u32 $0x1, s1  }
0x8c: {  	s16 =	sshll.u32 s0, $0xA;
	s2 =	sadd.s32 s3, s2  }
0x8d: {  	s2 =	sadd.s32 s2, s16  }
0x8e: {  	[smem:$0x3FC1] =	sst s2  }
0x8f: {  	_ = 	snop  }
0x90: {  	(tm) =	ssettm $0x1  }
0x91: {  	s17 =	sld [smem:$0x3FFB];
	_ =	sdelay $0x3  }
0x92: {  	_ =	strace s17  }
0x93: {  	s2 =	sld [smem:$0x3FFC];
	_ =	sdelay $0x3  }
0x94: {  	_ =	strace s2  }
0x95: {  	s2 =	sld [smem:$0x3FFD];
	_ =	sdelay $0x3  }
0x96: {  	_ =	strace s2  }
0x97: {  	_ =	strace $0x8FFFFFFF  }
0x98: {  	s18 =	sld [smem:$0x3FDB];
	_ =	sdelay $0x1  }
0x99: {  	s19 =	simm.s32 $_scs_section_size  }
0x9a: {  	s4 =	simm.s32 $_size__tile_overlayer_lowered;
	s5 =	simm.s32 $_tile_overlayer_lowered  }
0x9b: {  	s22 =	simm.s32 $0x1BFF;
	s21 =	sshll.u32 s5, $0x1;
	s2 =	sadd.s32 s19, s18  }
0x9c: {  	s6 =	simm.s32 $0x0;
	s20 =	sshll.u32 s4, $0x1;
	s4 =	sadd.s32 s21, s2  }
0x9d: {  	[timem:s6], [sflag:s22] =	dma.local [hbm:s4], s20  }
0x9e: {  	_ =	swait.ge [sflag:s22], s20  }
0x9f: {  	s3 =	ssub.s32 $0x0, s20;
	[sflag:s22] =	ssyncset.done $0x0  }
0xa0: {  	[sflag:s22] =	ssyncadd.s32 s3;
	_ =	sdelay $0x1  }
0xa1: {  	s23 =	simm.s32 $0x1B8B  }
0xa2: {  	_ =	swait.ge [sflag:s23], $0x1  }
0xa3: {  	[sflag:s23] =	ssyncset.done $0x0  }
0xa4: {  	s25 =	simm.s32 $0x1B8E;
	s24 =	sld [smem:$0x3FFE];
	[sflag:s23] =	ssyncadd.s32 $0xFFFFFFFF  }
0xa5: {  	s26 =	simm.s32 $execute0_lowered;
	[smem:$0x3FD2] =	sst s25  }
0xa6: {  	s4 =	sshll.u32 s26, $0x1;
	_ =	strace $0x80000046;
	[dreg:$0x1] =	wrdreg $0xFFFFFFFF  }
0xa7: {  	s28 =	simm.s32 $_size_execute0_lowered;
	s2 =	sadd.s32 s2, s4;
	[dreg:$0x0] =	wrdreg $0x0  }
0xa8: {  	s4 =	sshll.u32 s28, $0x1;
	[dreg:$0x2] =	wrdreg s2  }
0xa9: {  	[dreg:$0x3] =	wrdreg s4  }
0xaa: {  	[dreg:$0x4] =	wrdreg $0xC0  }
0xab: {  	_ =	task [dreg:s6], $0x5FFFF  }
0xac: {  	[dreg:$0x1] =	wrdreg $0xFFFFFFFF  }
0xad: {  	[dreg:$0x0] =	wrdreg $0x60  }
0xae: {  	[dreg:$0x2] =	wrdreg s24  }
0xaf: {  	[dreg:$0x3] =	wrdreg $0x52800  }
0xb0: {  	[dreg:$0x4] =	wrdreg $0x9  }
0xb1: {  	_ =	task.clear_ibuf [dreg:s6], $0x5FFFF;
	_ =	strace $0x90000046  }
0xb2: {  	s29 =	simm.s32 $0x9;
	_ =	strace $0x80000048  }
0xb3: {  	_ =	swait.ge [sflag:s29], $0x1  }
0xb4: {  	[sflag:s29] =	ssyncadd.s32 $0xFFFFFFFF  }
0xb5: {  	_ =	strace $0x90000048  }
0xb6: {  	_ =	sfence  }
0xb7: {  	s30 =	sld [smem:$0x0];
	_ =	sdelay $0x2  }
0xb8: {  	s31 =	sshll.u32 s1, $0xD;
	s1 =	sshrl.u32 s1, $0x2  }
0xb9: {  	s3 =	sand.u32 $0x4000, s31;
	s1 =	sadd.s32 s1, s30  }
0xba: {  	s0 =	sor.u32 s3, s0;
	s1 =	sshll.u32 s1, $0x11  }
0xbb: {  	s0 =	sor.u32 s1, s0  }
0xbc: {  	s0 =	sadd.s32 $0x8F2B, s0  }
0xbd: {  	[sflag:s0] =	ssyncadd.remote.s32 $0x1  }
0xbe: {  	_ =	sfence.sel $0xFFFF  }
0xbf: {  	[dreg:$0x0] =	wrdreg $0xFFFFFFFF;
	(pc) =	sbr.abs _section_cstart, $3  }
0xc0: {  	[dreg:$0x1] =	wrdreg $0xFFFFFFFF  }
0xc1: {  	_ =	task.clear_ibuf [dreg:s6], $0x2FFFF;
	_ =	strace $0x9FFFFFFF  }
0xc2: {  	(tm) =	ssettm $0x7FFFFFFF  }
0xc3: {  	_ =	shalt  }
tec
execute0_lowered:
.L_overlay_start_1:
0x0: {  	(tag) =	ssettag $0x1  }
0x1: {  	s4 =	rddreg [dreg:$0x0]  }
0x2: {  	s2 =	rddreg [dreg:$0x1]  }
0x3: {  	s0 =	rddreg [dreg:$0x2];
	s3 =	srdreg.scid  }
0x4: {  	s1 =	stileid.u32;
	s10 =	simm.s32 $0x1;
	s11 =	simm.s32 $0x2800  }
0x5: {  	s12 =	simm.s32 $0x80;
	s15 =	simm.s32 $0x0;
	s5 =	sand.u32 $0x1, s3  }
0x6: {  	s6 =	sshll.u32 s1, $0x1;
	s7 =	smul.u32 $0x280, s1;
	s3 =	simm.s32 $0x0  }
0x7: {  	s13 =	sshll.u32 s1, $0x6;
	s6 =	sor.u32 s5, s6;
	s8 =	smul.u32 $0x2800, s5  }
0x8: {  	[smem:$0x7FF] =	sst s3;
	s5 =	ssub.s32 $0x2, s5;
	s13 =	sor.u32 $0x1C01, s13  }
0x9: {  	s6 =	smul.u32 $0x500, s6;
	s9 =	sshrl.u32 s5, $0x1;
	s8 =	sadd.s32 s7, s8  }
0xa: {  	_ =	strace $0x80000047;
	s9 =	ssub.s32 s5, s9;
	s8 =	sshrl.u32 s8, $0x3  }
0xb: {  	s6 =	sadd.s32 s6, s4;
	s8 =	sadd.s32 s8, s4;
	s4 =	sadd.s32 s7, s2  }
0xc: {  	s5 =	sadd.s32 $0x2200, s6;
	s6 =	sadd.s32 $0xC400, s6;
	s7 =	sadd.s32 $0x20800, s8  }
0xd: {  	v0 =	vimm.f32 $0.0e+00;
	s8 =	smax.u32 s9, $0x1;
	s9 =	simm.s32 $0x5000;
	s14 =	sshrl.u32 s4, $0x3  }
.LBB2_1:
0xe: {  	[tilespmem:$0x5000] =	vst v0  }
0xf: {  	[tilespmem:$0x5010] =	vst v0  }
0x10: {  	[tilespmem:$0x5020] =	vst v0  }
0x11: {  	[tilespmem:$0x5030] =	vst v0  }
0x12: {  	[tilespmem:$0x5040] =	vst v0  }
0x13: {  	[tilespmem:$0x5050] =	vst v0  }
0x14: {  	[tilespmem:$0x5060] =	vst v0  }
0x15: {  	[tilespmem:$0x5070] =	vst v0  }
0x16: {  	[tilespmem:$0x5080] =	vst v0  }
0x17: {  	[tilespmem:$0x5090] =	vst v0  }
0x18: {  	[tilespmem:$0x50A0] =	vst v0  }
0x19: {  	[tilespmem:$0x50B0] =	vst v0  }
0x1a: {  	[tilespmem:$0x50C0] =	vst v0  }
0x1b: {  	[tilespmem:$0x50D0] =	vst v0  }
0x1c: {  	[tilespmem:$0x50E0] =	vst v0  }
0x1d: {  	[tilespmem:$0x50F0] =	vst v0  }
0x1e: {  	[tilespmem:$0x5100] =	vst v0  }
0x1f: {  	[tilespmem:$0x5110] =	vst v0  }
0x20: {  	[tilespmem:$0x5120] =	vst v0  }
0x21: {  	[tilespmem:$0x5130] =	vst v0  }
0x22: {  	[tilespmem:$0x5140] =	vst v0  }
0x23: {  	[tilespmem:$0x5150] =	vst v0  }
0x24: {  	[tilespmem:$0x5160] =	vst v0  }
0x25: {  	[tilespmem:$0x5170] =	vst v0  }
0x26: {  	[tilespmem:$0x5180] =	vst v0  }
0x27: {  	[tilespmem:$0x5190] =	vst v0  }
0x28: {  	[tilespmem:$0x51A0] =	vst v0  }
0x29: {  	[tilespmem:$0x51B0] =	vst v0  }
0x2a: {  	[tilespmem:$0x51C0] =	vst v0  }
0x2b: {  	[tilespmem:$0x51D0] =	vst v0  }
0x2c: {  	[tilespmem:$0x51E0] =	vst v0  }
0x2d: {  	[tilespmem:$0x51F0] =	vst v0  }
0x2e: {  	[tilespmem:$0x5200] =	vst v0  }
0x2f: {  	[tilespmem:$0x5210] =	vst v0  }
0x30: {  	[tilespmem:$0x5220] =	vst v0  }
0x31: {  	[tilespmem:$0x5230] =	vst v0  }
0x32: {  	[tilespmem:$0x5240] =	vst v0  }
0x33: {  	[tilespmem:$0x5250] =	vst v0  }
0x34: {  	[tilespmem:$0x5260] =	vst v0  }
0x35: {  	[tilespmem:$0x5270] =	vst v0  }
0x36: {  	[spmem:s4] =	stream.linear.scatter [tilespmem:s9], [sflag:$0x1], $0x280, $0x38;
	[tilespmem:$0x5500] =	vst v63  }
0x37: {  	_ =	swait.ge [sflag:s10], $0x280  }
0x38: {  	[sflag:s10] =	ssyncset.done $0x0  }
0x39: {  	[sflag:s10] =	ssyncadd.s32 $0xFFFFFD80  }
0x3a: {  	[bflag:$0x0] =	sbarrier.arrive $0xFFFF  }
0x3b: {  	[tilespmem:s3], [sflag:$0x1] =	stream.linear.gather [hbm4b:s5+s3], $0x2800, $0x38;
	[tilespmem:$0x5500] =	vst v63  }
0x3c: {  	_ =	swait.ge [sflag:s10], $0x2800  }
0x3d: {  	[sflag:s10] =	ssyncset.done $0x0  }
0x3e: {  	[sflag:s10] =	ssyncadd.s32 $0xFFFFD800  }
0x3f: {  	[tilespmem:s11], [sflag:$0x1] =	stream.linear.gather [hbm4b:s6+s3], $0x2800, $0x38;
	[tilespmem:$0x5500] =	vst v63  }
0x40: {  	_ =	swait.ge [sflag:s10], $0x2800  }
0x41: {  	[sflag:s10] =	ssyncset.done $0x0  }
0x42: {  	s16 =	simm.s32 $0x0;
	s17 =	simm.s32 $0x2800;
	[sflag:s10] =	ssyncadd.s32 $0xFFFFD800  }
0x43: {  	[spmem:s2] =	stream.indirect.scatter.add.f32 [tilespmem:s17], [sflag:$0x1], $0x1, s16, s12, $0xb8;
	[tilespmem:$0x5500] =	vst v63  }
0x44: {  	s16 =	simm.s32 $0x200;
	_ =	swait.ge [sflag:s10], $0x80  }
.LBB2_2:
0x45: {  	s17 =	sshra.s32 s16, $0x2;
	[sflag:s10] =	ssyncset.done $0x0;
	p0 =	sne.s32 s16, $0x9E00  }
.Ltmp0:
0x46: {  	s18 =	sadd.s32 $0x2800, s17;
	[sflag:s10] =	ssyncadd.s32 $0xFFFFFF80;
	(pc) =	sbr.rel @p0 .LBB2_2-.Ltmp0, $3  }
0x47: {  	[spmem:s2] =	stream.indirect.scatter.add.f32 [tilespmem:s18], [sflag:$0x1], $0x1, s17, s12, $0xb8;
	[tilespmem:$0x5500] =	vst v63  }
0x48: {  	s16 =	sadd.s32 $0x200, s16;
	_ =	sdelay $0x1  }
0x49: {  	_ =	swait.ge [sflag:s10], $0x80  }
0x4a: {  	[sflag:s10] =	ssyncset.done $0x0;
	s15 =	sadd.s32 $0x1, s15  }
0x4b: {  	[sflag:s10] =	ssyncadd.s32 $0xFFFFFF80;
	p0 =	sne.s32 s15, s8  }
.Ltmp1:
0x4c: {  	[bflag:$0x0] =	sbarrier.arrive $0xFFFF;
	(pc) =	sbr.rel @p0 .LBB2_1-.Ltmp1, $4  }
0x4d: {  	[hbm:s7], [sflag:s13] =	dma.local [spmem:s14], $0x50  }
0x4e: {  	_ =	swait.ge [sflag:s10], $0x50  }
0x4f: {  	[sflag:s10] =	ssyncset.done $0x0  }
0x50: {  	[sflag:s10] =	ssyncadd.s32 $0xFFFFFFB0  }
0x51: {  	_ =	sfence.sel $0x180000  }
0x52: {  	[bflag:$0x0] =	sbarrier.arrive $0xFFFF  }
0x53: {  	p0 =	sne.s32 s1, $0x0;
	_ =	strace $0x90000047  }
0x54: {  	s0 =	sadd.s32 @!p0 $0x100000, s0;
	[bflag:$0x2] =	sbarrier.arrive $0xFFFF  }
0x55: {  	[sflag:s0] =	ssyncadd.tile.s32 @!p0 $0x1;
	_ =	shalt  }
.Lfunc_end2:
_tile_overlayer_lowered:
.L_overlay_start_2:
0x56: {  	(tag) =	ssettag $0x2  }
0x57: {  	s0 =	rddreg [dreg:$0x0];
	s2 =	stileid.u32  }
0x58: {  	s1 =	rddreg [dreg:$0x1];
	p0 =	sne.s32 s2, $0x0  }
0x59: {  	s3 =	rddreg [dreg:$0x2];
	[bflag:$0x3] =	sbarrier.arrive $0xFFFF;
	s2 =	simm.s32 @!p0 $0x1C01  }
0x5a: {  	[timem:s3], [sflag:s2] =	dma.local @!p0 [hbm:s0], s1  }
0x5b: {  	s0 =	simm.s32 @!p0 $0x1  }
0x5c: {  	_ =	swait.ge @!p0 [sflag:s0], s1  }
0x5d: {  	s1 =	ssub.s32 @!p0 $0x0, s1;
	[sflag:s0] =	ssyncset.done @!p0 $0x0  }
0x5e: {  	[sflag:s0] =	ssyncadd.s32 @!p0 s1  }
0x5f: {  	[bflag:$0x3] =	sbarrier.arrive $0xFFFF  }
0x60: {  	_ =	shalt  }

</sc_bundles>
